<compile_context>
chip_gen: v7x
topology: tpu7x:2x2x1
jax: 0.10.2.dev20260603
libtpu: 0.0.44.dev20260713+nightly
codegen_flags: <defaults>
</compile_context>

<pallas_src>
import functools

import jax
import jax.numpy as jnp
from jax import lax
from jax.experimental import pallas as pl
from jax.experimental.pallas import tpu as pltpu
from jax.experimental.pallas import tpu_sc as plsc

CROP_H = 480
CROP_W = 480
NUM_CROPS = 2

_NUM_CORES = 2
_NUM_SUBCORES = 16
_NW = _NUM_CORES * _NUM_SUBCORES

_R_CHUNK = 48
_CHUNKS_PER_PLANE = CROP_H // _R_CHUNK


def _crop_offsets(B, H, W):
    k = jax.random.key(1)
    kh, kw = jax.random.split(k)
    ih = ((H - CROP_H) * jax.random.uniform(kh, (B, NUM_CROPS))).astype(jnp.int32)
    iw = ((W - CROP_W) * jax.random.uniform(kw, (B, NUM_CROPS))).astype(jnp.int32)
    return ih, iw


def kernel(inputs):
    B, C, H, W = inputs.shape
    ih, iw = _crop_offsets(B, H, W)

    P = B * NUM_CROPS * C
    p = jnp.arange(P)
    b_idx = p // (NUM_CROPS * C)
    n_idx = (p // C) % NUM_CROPS
    c_idx = p % C
    row_start = (b_idx * C + c_idx) * H + ih[b_idx, n_idx]
    col_start = iw[b_idx, n_idx]
    planes_per_w = P // _NW
    n_chunks = planes_per_w * _CHUNKS_PER_PLANE
    rs_rep = jnp.broadcast_to(
        row_start.reshape(_NW, planes_per_w, 1).astype(jnp.int32),
        (_NW, planes_per_w, 16),
    )
    cs_rep = jnp.broadcast_to(
        col_start.reshape(_NW, planes_per_w, 1).astype(jnp.int32),
        (_NW, planes_per_w, 16),
    )

    in2d = inputs.reshape(B * C * H, W)
    mesh = plsc.VectorSubcoreMesh(core_axis_name="c", subcore_axis_name="s")

    @functools.partial(
        pl.kernel,
        out_type=jax.ShapeDtypeStruct((P * CROP_H, CROP_W), jnp.float32),
        mesh=mesh,
        compiler_params=pltpu.CompilerParams(needs_layout_passes=False),
        scratch_types=[
            pltpu.VMEM((planes_per_w, 16), jnp.int32),
            pltpu.VMEM((planes_per_w, 16), jnp.int32),
            pltpu.VMEM((_R_CHUNK,), jnp.int32),
            pltpu.VMEM((_R_CHUNK,), jnp.int32),
            pltpu.VMEM((_R_CHUNK, W), jnp.float32),
            pltpu.VMEM((_R_CHUNK, W), jnp.float32),
            pltpu.VMEM((_R_CHUNK, CROP_W), jnp.float32),
            pltpu.VMEM((_R_CHUNK, CROP_W), jnp.float32),
            pltpu.SemaphoreType.DMA,
            pltpu.SemaphoreType.DMA,
            pltpu.SemaphoreType.DMA,
            pltpu.SemaphoreType.DMA,
        ],
    )
    def _crop_copy(
        in_hbm, rs_hbm, cs_hbm, out_hbm,
        rs_v, cs_v, idx0, idx1, ib0, ib1, ob0, ob1, gs0, gs1, ws0, ws1,
    ):
        idx = (idx0, idx1)
        ibuf = (ib0, ib1)
        obuf = (ob0, ob1)
        gsem = (gs0, gs1)
        wsem = (ws0, ws1)
        wid = lax.axis_index("s") * _NUM_CORES + lax.axis_index("c")
        pltpu.sync_copy(rs_hbm.at[wid], rs_v)
        pltpu.sync_copy(cs_hbm.at[wid], cs_v)
        iota = lax.iota(jnp.int32, 16)

        def build_idx(par, c):
            plane = c // _CHUNKS_PER_PLANE
            ci = c % _CHUNKS_PER_PLANE
            rs_vec = rs_v[plane]
            r0 = ci * _R_CHUNK
            for k in range(0, _R_CHUNK, 16):
                idx[par][pl.ds(k, 16)] = rs_vec + (r0 + k) + iota

        def start_gather(par):
            pltpu.async_copy(in_hbm.at[idx[par]], ibuf[par], gsem[par])

        def wait_gather(par):
            pltpu.make_async_copy(in_hbm.at[idx[par]], ibuf[par], gsem[par]).wait()

        def write_args(par, c):
            plane = c // _CHUNKS_PER_PLANE
            ci = c % _CHUNKS_PER_PLANE
            dst = (wid * planes_per_w + plane) * CROP_H + ci * _R_CHUNK
            dst = pl.multiple_of(dst, 16)
            return (obuf[par], out_hbm.at[pl.ds(dst, _R_CHUNK)], wsem[par])

        def shift(par, c):
            plane = c // _CHUNKS_PER_PLANE
            cs = jnp.max(cs_v[plane])
            r_vec = cs_v[plane] & 15
            r = cs & 15
            cs16 = pl.multiple_of(cs - r, 16)
            perm = (iota + r_vec) & 15
            mask = iota >= r_vec
            src = ibuf[par]
            dst = obuf[par]

            @plsc.parallel_loop(0, _R_CHUNK, 1, unroll=4)
            def _row(i):
                vals = [
                    src[i, pl.ds(cs16 + k, 16)] for k in range(0, CROP_W + 16, 16)
                ]
                for k in range(0, CROP_W, 16):
                    z = jnp.where(mask, vals[k // 16], vals[k // 16 + 1])
                    dst[i, pl.ds(k, 16)] = z.at[perm].get(mode="promise_in_bounds")

        def process(par, c, j):
            wait_gather(par)

            @pl.when(j >= 1)
            def _():
                pltpu.make_async_copy(*write_args(par, c)).wait()

            shift(par, c)
            pltpu.async_copy(*write_args(par, c))

        build_idx(0, 0)
        start_gather(0)

        def body(j, carry):
            c0 = 2 * j
            c1 = c0 + 1
            build_idx(1, c1)
            start_gather(1)
            process(0, c0, j)

            @pl.when(j < n_chunks // 2 - 1)
            def _():
                build_idx(0, c0 + 2)
                start_gather(0)

            process(1, c1, j)
            return carry

        lax.fori_loop(0, n_chunks // 2, body, 0)
        pltpu.make_async_copy(*write_args(0, n_chunks - 2)).wait()
        pltpu.make_async_copy(*write_args(1, n_chunks - 1)).wait()

    out2d = _crop_copy(in2d, rs_rep, cs_rep)
    return out2d.reshape(B * NUM_CROPS, C, CROP_H, CROP_W)

# --- scband reference (transcript-rebuilt; emitter-appended) ---
"""Pipeline reference for scband-crop-randomizer-9062380994640 (READ-ONLY COPY).

The authoritative reference and input builder live on the scoring server;
editing this copy changes nothing except your own understanding.
"""

import jax, jax.numpy as jnp
import numpy as np

CROP_H = 480
CROP_W = 480
NUM_CROPS = 2


def setup_inputs(seed: int = 0) -> dict:
    key = jax.random.key(seed)
    inputs = jax.random.normal(key, (32, 3, 512, 512), dtype=jnp.float32)
    return {"inputs": inputs}


def _sample_crop_inds(batch, H, W, ch, cw, n):
    # faithful to sample_random_image_crops: uniform floats scaled then floored
    k = jax.random.key(1)
    kh, kw = jax.random.split(k)
    max_h = H - ch
    max_w = W - cw
    ih = (max_h * jax.random.uniform(kh, (batch, n))).astype(jnp.int32)
    iw = (max_w * jax.random.uniform(kw, (batch, n))).astype(jnp.int32)
    return jnp.stack([ih, iw], axis=-1)  # [B, N, 2]


def _crop_image_from_indices(images, crop_inds, ch, cw):
    # images: [B, C, H, W], crop_inds: [B, N, 2]
    B, C, H, W = images.shape
    N = crop_inds.shape[1]
    gh = jnp.arange(ch)[:, None]  # [ch, 1]
    gw = jnp.arange(cw)[None, :]  # [1, cw]
    rows = crop_inds[..., 0][:, :, None, None] + gh  # [B, N, ch, cw]
    cols = crop_inds[..., 1][:, :, None, None] + gw  # [B, N, ch, cw]
    flat = (rows * W + cols).reshape(B, N, 1, ch * cw)
    flat = jnp.broadcast_to(flat, (B, N, C, ch * cw))
    arr = jnp.broadcast_to(images.reshape(B, 1, C, H * W), (B, N, C, H * W))
    crops = jnp.take_along_axis(arr, flat, axis=-1)  # gather, memory-bound
    return crops.reshape(B, N, C, ch, cw)


def reference(inputs):
    # CropRandomizer.forward in training mode (pos_enc=False):
    # sample NUM_CROPS random crops per image, then join (B, N) -> (B*N)
    B, C, H, W = inputs.shape
    crop_inds = _sample_crop_inds(B, H, W, CROP_H, CROP_W, NUM_CROPS)
    crops = _crop_image_from_indices(inputs, crop_inds, CROP_H, CROP_W)
    return crops.reshape(B * NUM_CROPS, C, CROP_H, CROP_W)

if __name__ == "__main__":
    import jax
    _d = setup_inputs()
    print(jax.jit(kernel)(*tuple(_d.values())))

</pallas_src>

<mosaic_0001>
#map = affine_map<(d0, d1) -> (0, 0)>
#map1 = affine_map<(d0, d1) -> (0, 0, 0)>
module attributes {stable_mosaic.version = 14 : i64} {
  func.func @_crop_copy(%arg0: i32, %arg1: i32, %arg2: memref<49152x512xf32, #tpu.memory_space<hbm>>, %arg3: memref<32x6x16xi32, #tpu.memory_space<hbm>>, %arg4: memref<32x6x16xi32, #tpu.memory_space<hbm>>, %arg5: memref<92160x480xf32, #tpu.memory_space<hbm>>, %arg6: memref<6x16xi32, #tpu.memory_space<vmem>>, %arg7: memref<6x16xi32, #tpu.memory_space<vmem>>, %arg8: memref<48xi32, #tpu.memory_space<vmem>>, %arg9: memref<48xi32, #tpu.memory_space<vmem>>, %arg10: memref<48x512xf32, #tpu.memory_space<vmem>>, %arg11: memref<48x512xf32, #tpu.memory_space<vmem>>, %arg12: memref<48x480xf32, #tpu.memory_space<vmem>>, %arg13: memref<48x480xf32, #tpu.memory_space<vmem>>, %arg14: memref<!tpu.dma_semaphore, #tpu.memory_space<semaphore_mem>>, %arg15: memref<!tpu.dma_semaphore, #tpu.memory_space<semaphore_mem>>, %arg16: memref<!tpu.dma_semaphore, #tpu.memory_space<semaphore_mem>>, %arg17: memref<!tpu.dma_semaphore, #tpu.memory_space<semaphore_mem>>) attributes {dimension_semantics = [#tpu.dimension_semantics<core_parallel>, #tpu.dimension_semantics<subcore_parallel>], iteration_bounds = array<i64: 2, 16>, scalar_prefetch = 0 : i64, scratch_operands = 12 : i64, tpu.core_type = #tpu.core_type<sc_vector_subcore>, window_params = [{transform_indices = #map}, {transform_indices = #map1}, {transform_indices = #map1}, {transform_indices = #map}]} {
    %mul3A = arith.constant 2 : i32
    %mul3A_0 = arith.muli %arg1, %mul3A : i32
    %add3A = arith.addi %mul3A_0, %arg0 : i32
    "tpu.region"() ({
      %run_scoped3A = tpu.sem_alloc : memref<!tpu.dma_semaphore, #tpu.memory_space<semaphore_mem>>
      %dma_start3A_52 = arith.constant 0 : i32
      %dma_start3A_53 = arith.constant 0 : i32
      %dma_start3A_54 = tpu.memref_slice %arg3[%add3A, %dma_start3A_52, %dma_start3A_53] : memref<32x6x16xi32, #tpu.memory_space<hbm>> -> memref<1x6x16xi32, #tpu.memory_space<hbm>>
      %dma_start3A_55 = tpu.memref_squeeze %dma_start3A_54 : memref<1x6x16xi32, #tpu.memory_space<hbm>> -> memref<6x16xi32, #tpu.memory_space<hbm>>
      %dma_start3A_56 = arith.constant 0 : i32
      %dma_start3A_57 = arith.constant 0 : i32
      %dma_start3A_58 = tpu.memref_slice %arg3[%add3A, %dma_start3A_56, %dma_start3A_57] : memref<32x6x16xi32, #tpu.memory_space<hbm>> -> memref<1x6x16xi32, #tpu.memory_space<hbm>>
      %dma_start3A_59 = tpu.memref_squeeze %dma_start3A_58 : memref<1x6x16xi32, #tpu.memory_space<hbm>> -> memref<6x16xi32, #tpu.memory_space<hbm>>
      tpu.enqueue_dma source(%dma_start3A_59 : memref<6x16xi32, #tpu.memory_space<hbm>>) target(%arg6 : memref<6x16xi32, #tpu.memory_space<vmem>>) target_semaphore(%run_scoped3A : memref<!tpu.dma_semaphore, #tpu.memory_space<semaphore_mem>>)
      %dma_wait3A_60 = arith.constant 0 : i32
      %dma_wait3A_61 = arith.constant 0 : i32
      %dma_wait3A_62 = tpu.memref_slice %arg3[%add3A, %dma_wait3A_60, %dma_wait3A_61] : memref<32x6x16xi32, #tpu.memory_space<hbm>> -> memref<1x6x16xi32, #tpu.memory_space<hbm>>
      %dma_wait3A_63 = tpu.memref_squeeze %dma_wait3A_62 : memref<1x6x16xi32, #tpu.memory_space<hbm>> -> memref<6x16xi32, #tpu.memory_space<hbm>>
      %dma_wait3A_64 = arith.constant 0 : i32
      %dma_wait3A_65 = arith.constant 0 : i32
      %dma_wait3A_66 = tpu.memref_slice %arg3[%add3A, %dma_wait3A_64, %dma_wait3A_65] : memref<32x6x16xi32, #tpu.memory_space<hbm>> -> memref<1x6x16xi32, #tpu.memory_space<hbm>>
      %dma_wait3A_67 = tpu.memref_squeeze %dma_wait3A_66 : memref<1x6x16xi32, #tpu.memory_space<hbm>> -> memref<6x16xi32, #tpu.memory_space<hbm>>
      tpu.wait_dma2 semaphore(%run_scoped3A : memref<!tpu.dma_semaphore, #tpu.memory_space<semaphore_mem>>) src(%dma_wait3A_67 : memref<6x16xi32, #tpu.memory_space<hbm>>) dst(%arg6 : memref<6x16xi32, #tpu.memory_space<vmem>>)
      tpu.yield
    }) : () -> ()
    "tpu.region"() ({
      %run_scoped3A = tpu.sem_alloc : memref<!tpu.dma_semaphore, #tpu.memory_space<semaphore_mem>>
      %dma_start3A_52 = arith.constant 0 : i32
      %dma_start3A_53 = arith.constant 0 : i32
      %dma_start3A_54 = tpu.memref_slice %arg4[%add3A, %dma_start3A_52, %dma_start3A_53] : memref<32x6x16xi32, #tpu.memory_space<hbm>> -> memref<1x6x16xi32, #tpu.memory_space<hbm>>
      %dma_start3A_55 = tpu.memref_squeeze %dma_start3A_54 : memref<1x6x16xi32, #tpu.memory_space<hbm>> -> memref<6x16xi32, #tpu.memory_space<hbm>>
      %dma_start3A_56 = arith.constant 0 : i32
      %dma_start3A_57 = arith.constant 0 : i32
      %dma_start3A_58 = tpu.memref_slice %arg4[%add3A, %dma_start3A_56, %dma_start3A_57] : memref<32x6x16xi32, #tpu.memory_space<hbm>> -> memref<1x6x16xi32, #tpu.memory_space<hbm>>
      %dma_start3A_59 = tpu.memref_squeeze %dma_start3A_58 : memref<1x6x16xi32, #tpu.memory_space<hbm>> -> memref<6x16xi32, #tpu.memory_space<hbm>>
      tpu.enqueue_dma source(%dma_start3A_59 : memref<6x16xi32, #tpu.memory_space<hbm>>) target(%arg7 : memref<6x16xi32, #tpu.memory_space<vmem>>) target_semaphore(%run_scoped3A : memref<!tpu.dma_semaphore, #tpu.memory_space<semaphore_mem>>)
      %dma_wait3A_60 = arith.constant 0 : i32
      %dma_wait3A_61 = arith.constant 0 : i32
      %dma_wait3A_62 = tpu.memref_slice %arg4[%add3A, %dma_wait3A_60, %dma_wait3A_61] : memref<32x6x16xi32, #tpu.memory_space<hbm>> -> memref<1x6x16xi32, #tpu.memory_space<hbm>>
      %dma_wait3A_63 = tpu.memref_squeeze %dma_wait3A_62 : memref<1x6x16xi32, #tpu.memory_space<hbm>> -> memref<6x16xi32, #tpu.memory_space<hbm>>
      %dma_wait3A_64 = arith.constant 0 : i32
      %dma_wait3A_65 = arith.constant 0 : i32
      %dma_wait3A_66 = tpu.memref_slice %arg4[%add3A, %dma_wait3A_64, %dma_wait3A_65] : memref<32x6x16xi32, #tpu.memory_space<hbm>> -> memref<1x6x16xi32, #tpu.memory_space<hbm>>
      %dma_wait3A_67 = tpu.memref_squeeze %dma_wait3A_66 : memref<1x6x16xi32, #tpu.memory_space<hbm>> -> memref<6x16xi32, #tpu.memory_space<hbm>>
      tpu.wait_dma2 semaphore(%run_scoped3A : memref<!tpu.dma_semaphore, #tpu.memory_space<semaphore_mem>>) src(%dma_wait3A_67 : memref<6x16xi32, #tpu.memory_space<hbm>>) dst(%arg7 : memref<6x16xi32, #tpu.memory_space<vmem>>)
      tpu.yield
    }) : () -> ()
    %iota3A = tpu.iota {dimensions = array<i32: 0>} : vector<16xi32>
    %get3A = arith.constant 0 : i32
    %get3A_1 = arith.index_cast %get3A : i32 to index
    %get3A_2 = arith.constant 0 : index
    %get3A_3 = tpu.vector_load %arg6[%get3A_1, %get3A_2] {strides = array<i32>} : memref<6x16xi32, #tpu.memory_space<vmem>>, vector<16xi32>,
    %add3A_4 = arith.constant 0 : i32
    %add3A_5 = vector.broadcast %add3A_4 : i32 to vector<16xi32>
    %add3A_6 = arith.addi %get3A_3, %add3A_5 : vector<16xi32>
    %add3A_7 = arith.addi %add3A_6, %iota3A : vector<16xi32>
    %swap3A = arith.constant 0 : index
    %swap3A_8 = tpu.vector_load %arg8[%swap3A] {strides = array<i32>} : memref<48xi32, #tpu.memory_space<vmem>>, vector<16xi32>,
    tpu.vector_store %arg8[%swap3A], %add3A_7 {strides = array<i32>} : memref<48xi32, #tpu.memory_space<vmem>>, vector<16xi32>,
    %add3A_9 = arith.constant 16 : i32
    %add3A_10 = vector.broadcast %add3A_9 : i32 to vector<16xi32>
    %add3A_11 = arith.addi %get3A_3, %add3A_10 : vector<16xi32>
    %add3A_12 = arith.addi %add3A_11, %iota3A : vector<16xi32>
    %swap3A_13 = arith.constant 16 : index
    %swap3A_14 = tpu.vector_load %arg8[%swap3A_13] {strides = array<i32>} : memref<48xi32, #tpu.memory_space<vmem>>, vector<16xi32>,
    tpu.vector_store %arg8[%swap3A_13], %add3A_12 {strides = array<i32>} : memref<48xi32, #tpu.memory_space<vmem>>, vector<16xi32>,
    %add3A_15 = arith.constant 32 : i32
    %add3A_16 = vector.broadcast %add3A_15 : i32 to vector<16xi32>
    %add3A_17 = arith.addi %get3A_3, %add3A_16 : vector<16xi32>
    %add3A_18 = arith.addi %add3A_17, %iota3A : vector<16xi32>
    %swap3A_19 = arith.constant 32 : index
    %swap3A_20 = tpu.vector_load %arg8[%swap3A_19] {strides = array<i32>} : memref<48xi32, #tpu.memory_space<vmem>>, vector<16xi32>,
    tpu.vector_store %arg8[%swap3A_19], %add3A_18 {strides = array<i32>} : memref<48xi32, #tpu.memory_space<vmem>>, vector<16xi32>,
    %dma_start3A = arith.constant 0 : i32
    %dma_start3A_21 = arith.constant 0 : i32
    %dma_start3A_22 = tpu.memref_slice %arg2[%dma_start3A, %dma_start3A_21] : memref<49152x512xf32, #tpu.memory_space<hbm>> -> memref<49152x512xf32, #tpu.memory_space<hbm>>
    tpu.enqueue_indirect_dma source(%dma_start3A_22 : memref<49152x512xf32, #tpu.memory_space<hbm>>) target(%arg10 : memref<48x512xf32, #tpu.memory_space<vmem>>) offsets(%arg8 : memref<48xi32, #tpu.memory_space<vmem>>) semaphore(%arg14 : memref<!tpu.dma_semaphore, #tpu.memory_space<semaphore_mem>>)
    %scan3A = arith.constant 0 : i32
    %scan3A_23 = arith.constant 0 : i32
    %scan3A_24 = arith.constant 30 : i32
    %scan3A_25 = arith.addi %scan3A_23, %scan3A_24 : i32
    %scan3A_26 = arith.constant 1 : i32
    scf.for %scan3A_52 = %scan3A_23 to %scan3A_25 step %scan3A_26  : i32 {
      %mul3A_53 = arith.constant 2 : i32
      %mul3A_54 = arith.muli %mul3A_53, %scan3A_52 : i32
      %add3A_55 = arith.constant 1 : i32
      %add3A_56 = arith.addi %mul3A_54, %add3A_55 : i32
      %jit3A = arith.constant 10 : i32
      %div3A = arith.divsi %add3A_56, %jit3A : i32
      %sign3A = arith.constant 0 : i32
      %sign3A_57 = arith.cmpi sgt, %add3A_56, %sign3A : i32
      %sign3A_58 = arith.extui %sign3A_57 : i1 to i32
      %sign3A_59 = arith.constant 0 : i32
      %sign3A_60 = arith.cmpi slt, %add3A_56, %sign3A_59 : i32
      %sign3A_61 = arith.extui %sign3A_60 : i1 to i32
      %sign3A_62 = arith.subi %sign3A_58, %sign3A_61 : i32
      %sign3A_63 = arith.constant 0 : i32
      %sign3A_64 = arith.cmpi sgt, %jit3A, %sign3A_63 : i32
      %sign3A_65 = arith.extui %sign3A_64 : i1 to i32
      %sign3A_66 = arith.constant 0 : i32
      %sign3A_67 = arith.cmpi slt, %jit3A, %sign3A_66 : i32
      %sign3A_68 = arith.extui %sign3A_67 : i1 to i32
      %sign3A_69 = arith.subi %sign3A_65, %sign3A_68 : i32
      %ne3A = arith.cmpi ne, %sign3A_62, %sign3A_69 : i32
      %rem3A = arith.remsi %add3A_56, %jit3A : i32
      %ne3A_70 = arith.constant 0 : i32
      %ne3A_71 = arith.cmpi ne, %rem3A, %ne3A_70 : i32
      %and3A = arith.andi %ne3A, %ne3A_71 : i1
      %sub3A = arith.constant 1 : i32
      %sub3A_72 = arith.subi %div3A, %sub3A : i32
      %select_n3A = arith.select %and3A, %sub3A_72, %div3A : i32
      %jit3A_73 = arith.constant 10 : i32
      %eq3A = arith.constant 0 : i32
      %eq3A_74 = arith.cmpi eq, %jit3A_73, %eq3A : i32
      %jit3A_75 = arith.constant 1 : i32
      %select_n3A_76 = arith.select %eq3A_74, %jit3A_75, %jit3A_73 : i32
      %rem3A_77 = arith.remsi %add3A_56, %select_n3A_76 : i32
      %ne3A_78 = arith.constant 0 : i32
      %ne3A_79 = arith.cmpi ne, %rem3A_77, %ne3A_78 : i32
      %lt3A = arith.constant 0 : i32
      %lt3A_80 = arith.cmpi slt, %rem3A_77, %lt3A : i32
      %lt3A_81 = arith.constant 0 : i32
      %lt3A_82 = arith.cmpi slt, %select_n3A_76, %lt3A_81 : i32
      %ne3A_83 = arith.xori %lt3A_80, %lt3A_82 : i1
      %and3A_84 = arith.andi %ne3A_83, %ne3A_79 : i1
      %add3A_85 = arith.addi %rem3A_77, %select_n3A_76 : i32
      %select_n3A_86 = arith.select %and3A_84, %add3A_85, %rem3A_77 : i32
      %get3A_87 = arith.index_cast %select_n3A : i32 to index
      %get3A_88 = arith.constant 0 : index
      %get3A_89 = tpu.vector_load %arg6[%get3A_87, %get3A_88] {strides = array<i32>} : memref<6x16xi32, #tpu.memory_space<vmem>>, vector<16xi32>,
      %mul3A_90 = arith.constant 48 : i32
      %mul3A_91 = arith.muli %select_n3A_86, %mul3A_90 : i32
      %add3A_92 = arith.constant 0 : i32
      %add3A_93 = arith.addi %mul3A_91, %add3A_92 : i32
      %add3A_94 = vector.broadcast %add3A_93 : i32 to vector<16xi32>
      %add3A_95 = arith.addi %get3A_89, %add3A_94 : vector<16xi32>
      %add3A_96 = arith.addi %add3A_95, %iota3A : vector<16xi32>
      %swap3A_97 = arith.constant 0 : index
      %swap3A_98 = tpu.vector_load %arg9[%swap3A_97] {strides = array<i32>} : memref<48xi32, #tpu.memory_space<vmem>>, vector<16xi32>,
      tpu.vector_store %arg9[%swap3A_97], %add3A_96 {strides = array<i32>} : memref<48xi32, #tpu.memory_space<vmem>>, vector<16xi32>,
      %add3A_99 = arith.constant 16 : i32
      %add3A_100 = arith.addi %mul3A_91, %add3A_99 : i32
      %add3A_101 = vector.broadcast %add3A_100 : i32 to vector<16xi32>
      %add3A_102 = arith.addi %get3A_89, %add3A_101 : vector<16xi32>
      %add3A_103 = arith.addi %add3A_102, %iota3A : vector<16xi32>
      %swap3A_104 = arith.constant 16 : index
      %swap3A_105 = tpu.vector_load %arg9[%swap3A_104] {strides = array<i32>} : memref<48xi32, #tpu.memory_space<vmem>>, vector<16xi32>,
      tpu.vector_store %arg9[%swap3A_104], %add3A_103 {strides = array<i32>} : memref<48xi32, #tpu.memory_space<vmem>>, vector<16xi32>,
      %add3A_106 = arith.constant 32 : i32
      %add3A_107 = arith.addi %mul3A_91, %add3A_106 : i32
      %add3A_108 = vector.broadcast %add3A_107 : i32 to vector<16xi32>
      %add3A_109 = arith.addi %get3A_89, %add3A_108 : vector<16xi32>
      %add3A_110 = arith.addi %add3A_109, %iota3A : vector<16xi32>
      %swap3A_111 = arith.constant 32 : index
      %swap3A_112 = tpu.vector_load %arg9[%swap3A_111] {strides = array<i32>} : memref<48xi32, #tpu.memory_space<vmem>>, vector<16xi32>,
      tpu.vector_store %arg9[%swap3A_111], %add3A_110 {strides = array<i32>} : memref<48xi32, #tpu.memory_space<vmem>>, vector<16xi32>,
      %dma_start3A_113 = arith.constant 0 : i32
      %dma_start3A_114 = arith.constant 0 : i32
      %dma_start3A_115 = tpu.memref_slice %arg2[%dma_start3A_113, %dma_start3A_114] : memref<49152x512xf32, #tpu.memory_space<hbm>> -> memref<49152x512xf32, #tpu.memory_space<hbm>>
      tpu.enqueue_indirect_dma source(%dma_start3A_115 : memref<49152x512xf32, #tpu.memory_space<hbm>>) target(%arg11 : memref<48x512xf32, #tpu.memory_space<vmem>>) offsets(%arg9 : memref<48xi32, #tpu.memory_space<vmem>>) semaphore(%arg15 : memref<!tpu.dma_semaphore, #tpu.memory_space<semaphore_mem>>)
      %dma_wait3A_116 = arith.constant 0 : i32
      %dma_wait3A_117 = arith.constant 0 : i32
      %dma_wait3A_118 = tpu.memref_slice %arg2[%dma_wait3A_116, %dma_wait3A_117] : memref<49152x512xf32, #tpu.memory_space<hbm>> -> memref<49152x512xf32, #tpu.memory_space<hbm>>
      tpu.wait_indirect_dma semaphore(%arg14 : memref<!tpu.dma_semaphore, #tpu.memory_space<semaphore_mem>>) src(%dma_wait3A_118 : memref<49152x512xf32, #tpu.memory_space<hbm>>) dst(%arg10 : memref<48x512xf32, #tpu.memory_space<vmem>>)
      %ge3A = arith.constant 1 : i32
      %ge3A_119 = arith.cmpi sge, %scan3A_52, %ge3A : i32
      %convert_element_type3A = arith.extui %ge3A_119 : i1 to i32
      %cond3A = arith.constant 0 : i32
      %cond3A_120 = arith.cmpi ne, %convert_element_type3A, %cond3A : i32
      scf.if %cond3A_120 {
        %jit3A_344 = arith.constant 10 : i32
        %div3A_345 = arith.divsi %mul3A_54, %jit3A_344 : i32
        %sign3A_346 = arith.constant 0 : i32
        %sign3A_347 = arith.cmpi sgt, %mul3A_54, %sign3A_346 : i32
        %sign3A_348 = arith.extui %sign3A_347 : i1 to i32
        %sign3A_349 = arith.constant 0 : i32
        %sign3A_350 = arith.cmpi slt, %mul3A_54, %sign3A_349 : i32
        %sign3A_351 = arith.extui %sign3A_350 : i1 to i32
        %sign3A_352 = arith.subi %sign3A_348, %sign3A_351 : i32
        %sign3A_353 = arith.constant 0 : i32
        %sign3A_354 = arith.cmpi sgt, %jit3A_344, %sign3A_353 : i32
        %sign3A_355 = arith.extui %sign3A_354 : i1 to i32
        %sign3A_356 = arith.constant 0 : i32
        %sign3A_357 = arith.cmpi slt, %jit3A_344, %sign3A_356 : i32
        %sign3A_358 = arith.extui %sign3A_357 : i1 to i32
        %sign3A_359 = arith.subi %sign3A_355, %sign3A_358 : i32
        %ne3A_360 = arith.cmpi ne, %sign3A_352, %sign3A_359 : i32
        %rem3A_361 = arith.remsi %mul3A_54, %jit3A_344 : i32
        %ne3A_362 = arith.constant 0 : i32
        %ne3A_363 = arith.cmpi ne, %rem3A_361, %ne3A_362 : i32
        %and3A_364 = arith.andi %ne3A_360, %ne3A_363 : i1
        %sub3A_365 = arith.constant 1 : i32
        %sub3A_366 = arith.subi %div3A_345, %sub3A_365 : i32
        %select_n3A_367 = arith.select %and3A_364, %sub3A_366, %div3A_345 : i32
        %jit3A_368 = arith.constant 10 : i32
        %eq3A_369 = arith.constant 0 : i32
        %eq3A_370 = arith.cmpi eq, %jit3A_368, %eq3A_369 : i32
        %jit3A_371 = arith.constant 1 : i32
        %select_n3A_372 = arith.select %eq3A_370, %jit3A_371, %jit3A_368 : i32
        %rem3A_373 = arith.remsi %mul3A_54, %select_n3A_372 : i32
        %ne3A_374 = arith.constant 0 : i32
        %ne3A_375 = arith.cmpi ne, %rem3A_373, %ne3A_374 : i32
        %lt3A_376 = arith.constant 0 : i32
        %lt3A_377 = arith.cmpi slt, %rem3A_373, %lt3A_376 : i32
        %lt3A_378 = arith.constant 0 : i32
        %lt3A_379 = arith.cmpi slt, %select_n3A_372, %lt3A_378 : i32
        %ne3A_380 = arith.xori %lt3A_377, %lt3A_379 : i1
        %and3A_381 = arith.andi %ne3A_380, %ne3A_375 : i1
        %add3A_382 = arith.addi %rem3A_373, %select_n3A_372 : i32
        %select_n3A_383 = arith.select %and3A_381, %add3A_382, %rem3A_373 : i32
        %mul3A_384 = arith.constant 6 : i32
        %mul3A_385 = arith.muli %add3A, %mul3A_384 : i32
        %add3A_386 = arith.addi %mul3A_385, %select_n3A_367 : i32
        %mul3A_387 = arith.constant 480 : i32
        %mul3A_388 = arith.muli %add3A_386, %mul3A_387 : i32
        %mul3A_389 = arith.constant 48 : i32
        %mul3A_390 = arith.muli %select_n3A_383, %mul3A_389 : i32
        %add3A_391 = arith.addi %mul3A_388, %mul3A_390 : i32
        %multiple_of3A_392 = tpu.assume_multiple %add3A_391, 16 : i32
        %dma_wait3A_393 = arith.constant 0 : i32
        %dma_wait3A_394 = tpu.memref_slice %arg5[%multiple_of3A_392, %dma_wait3A_393] : memref<92160x480xf32, #tpu.memory_space<hbm>> -> memref<48x480xf32, #tpu.memory_space<hbm>>
        %dma_wait3A_395 = arith.constant 0 : i32
        %dma_wait3A_396 = tpu.memref_slice %arg5[%multiple_of3A_392, %dma_wait3A_395] : memref<92160x480xf32, #tpu.memory_space<hbm>> -> memref<48x480xf32, #tpu.memory_space<hbm>>
        tpu.wait_dma2 semaphore(%arg16 : memref<!tpu.dma_semaphore, #tpu.memory_space<semaphore_mem>>) src(%arg12 : memref<48x480xf32, #tpu.memory_space<vmem>>) dst(%dma_wait3A_396 : memref<48x480xf32, #tpu.memory_space<hbm>>)
      } else {
      }
      %jit3A_121 = arith.constant 10 : i32
      %div3A_122 = arith.divsi %mul3A_54, %jit3A_121 : i32
      %sign3A_123 = arith.constant 0 : i32
      %sign3A_124 = arith.cmpi sgt, %mul3A_54, %sign3A_123 : i32
      %sign3A_125 = arith.extui %sign3A_124 : i1 to i32
      %sign3A_126 = arith.constant 0 : i32
      %sign3A_127 = arith.cmpi slt, %mul3A_54, %sign3A_126 : i32
      %sign3A_128 = arith.extui %sign3A_127 : i1 to i32
      %sign3A_129 = arith.subi %sign3A_125, %sign3A_128 : i32
      %sign3A_130 = arith.constant 0 : i32
      %sign3A_131 = arith.cmpi sgt, %jit3A_121, %sign3A_130 : i32
      %sign3A_132 = arith.extui %sign3A_131 : i1 to i32
      %sign3A_133 = arith.constant 0 : i32
      %sign3A_134 = arith.cmpi slt, %jit3A_121, %sign3A_133 : i32
      %sign3A_135 = arith.extui %sign3A_134 : i1 to i32
      %sign3A_136 = arith.subi %sign3A_132, %sign3A_135 : i32
      %ne3A_137 = arith.cmpi ne, %sign3A_129, %sign3A_136 : i32
      %rem3A_138 = arith.remsi %mul3A_54, %jit3A_121 : i32
      %ne3A_139 = arith.constant 0 : i32
      %ne3A_140 = arith.cmpi ne, %rem3A_138, %ne3A_139 : i32
      %and3A_141 = arith.andi %ne3A_137, %ne3A_140 : i1
      %sub3A_142 = arith.constant 1 : i32
      %sub3A_143 = arith.subi %div3A_122, %sub3A_142 : i32
      %select_n3A_144 = arith.select %and3A_141, %sub3A_143, %div3A_122 : i32
      %get3A_145 = arith.index_cast %select_n3A_144 : i32 to index
      %get3A_146 = arith.constant 0 : index
      %get3A_147 = tpu.vector_load %arg7[%get3A_145, %get3A_146] {strides = array<i32>} : memref<6x16xi32, #tpu.memory_space<vmem>>, vector<16xi32>,
      %reduce_max3A = arith.constant true
      %reduce_max3A_148 = vector.broadcast %reduce_max3A : i1 to vector<16xi1>
      %reduce_max3A_149 = arith.constant -2147483648 : i32
      %reduce_max3A_150 = vector.broadcast %reduce_max3A_149 : i32 to vector<16xi32>
      %reduce_max3A_151 = arith.xori %get3A_147, %reduce_max3A_150 : vector<16xi32>
      %reduce_max3A_152 = tpu.scan <max>, %reduce_max3A_151 masked %reduce_max3A_148 : vector<16xi32>, vector<16xi1> -> vector<16xi32>
      %reduce_max3A_153 = arith.xori %reduce_max3A_152, %reduce_max3A_150 : vector<16xi32>
      %reduce_max3A_154 = vector.extract %reduce_max3A_153[15] : i32 from vector<16xi32>
      %get3A_155 = arith.index_cast %select_n3A_144 : i32 to index
      %get3A_156 = arith.constant 0 : index
      %get3A_157 = tpu.vector_load %arg7[%get3A_155, %get3A_156] {strides = array<i32>} : memref<6x16xi32, #tpu.memory_space<vmem>>, vector<16xi32>,
      %and3A_158 = arith.constant 15 : i32
      %and3A_159 = vector.broadcast %and3A_158 : i32 to vector<16xi32>
      %and3A_160 = arith.andi %get3A_157, %and3A_159 : vector<16xi32>
      %and3A_161 = arith.constant 15 : i32
      %and3A_162 = arith.andi %reduce_max3A_154, %and3A_161 : i32
      %sub3A_163 = arith.subi %reduce_max3A_154, %and3A_162 : i32
      %multiple_of3A_164 = tpu.assume_multiple %sub3A_163, 16 : i32
      %add3A_165 = arith.addi %iota3A, %and3A_160 : vector<16xi32>
      %and3A_166 = arith.constant 15 : i32
      %and3A_167 = vector.broadcast %and3A_166 : i32 to vector<16xi32>
      %and3A_168 = arith.andi %add3A_165, %and3A_167 : vector<16xi32>
      %ge3A_169 = arith.cmpi sge, %iota3A, %and3A_160 : vector<16xi32>
      %parallel_loop3A = arith.constant 0 : i32
      %parallel_loop3A_170 = arith.constant 48 : i32
      %parallel_loop3A_171 = arith.constant 1 : i32
      scf.for %parallel_loop3A_344 = %parallel_loop3A to %parallel_loop3A_170 step %parallel_loop3A_171  : i32 {
        %parallel_loop3A_345 = arith.constant 0 : i32
        %parallel_loop3A_346 = arith.addi %multiple_of3A_164, %parallel_loop3A_345 : i32
        %parallel_loop3A_347 = arith.index_cast %parallel_loop3A_344 : i32 to index
        %parallel_loop3A_348 = arith.index_cast %parallel_loop3A_346 : i32 to index
        %parallel_loop3A_349 = tpu.vector_load %arg10[%parallel_loop3A_347, %parallel_loop3A_348] {strides = array<i32>} : memref<48x512xf32, #tpu.memory_space<vmem>>, vector<16xf32>,
        %parallel_loop3A_350 = arith.constant 16 : i32
        %parallel_loop3A_351 = arith.addi %multiple_of3A_164, %parallel_loop3A_350 : i32
        %parallel_loop3A_352 = arith.index_cast %parallel_loop3A_344 : i32 to index
        %parallel_loop3A_353 = arith.index_cast %parallel_loop3A_351 : i32 to index
        %parallel_loop3A_354 = tpu.vector_load %arg10[%parallel_loop3A_352, %parallel_loop3A_353] {strides = array<i32>} : memref<48x512xf32, #tpu.memory_space<vmem>>, vector<16xf32>,
        %parallel_loop3A_355 = arith.constant 32 : i32
        %parallel_loop3A_356 = arith.addi %multiple_of3A_164, %parallel_loop3A_355 : i32
        %parallel_loop3A_357 = arith.index_cast %parallel_loop3A_344 : i32 to index
        %parallel_loop3A_358 = arith.index_cast %parallel_loop3A_356 : i32 to index
        %parallel_loop3A_359 = tpu.vector_load %arg10[%parallel_loop3A_357, %parallel_loop3A_358] {strides = array<i32>} : memref<48x512xf32, #tpu.memory_space<vmem>>, vector<16xf32>,
        %parallel_loop3A_360 = arith.constant 48 : i32
        %parallel_loop3A_361 = arith.addi %multiple_of3A_164, %parallel_loop3A_360 : i32
        %parallel_loop3A_362 = arith.index_cast %parallel_loop3A_344 : i32 to index
        %parallel_loop3A_363 = arith.index_cast %parallel_loop3A_361 : i32 to index
        %parallel_loop3A_364 = tpu.vector_load %arg10[%parallel_loop3A_362, %parallel_loop3A_363] {strides = array<i32>} : memref<48x512xf32, #tpu.memory_space<vmem>>, vector<16xf32>,
        %parallel_loop3A_365 = arith.constant 64 : i32
        %parallel_loop3A_366 = arith.addi %multiple_of3A_164, %parallel_loop3A_365 : i32
        %parallel_loop3A_367 = arith.index_cast %parallel_loop3A_344 : i32 to index
        %parallel_loop3A_368 = arith.index_cast %parallel_loop3A_366 : i32 to index
        %parallel_loop3A_369 = tpu.vector_load %arg10[%parallel_loop3A_367, %parallel_loop3A_368] {strides = array<i32>} : memref<48x512xf32, #tpu.memory_space<vmem>>, vector<16xf32>,
        %parallel_loop3A_370 = arith.constant 80 : i32
        %parallel_loop3A_371 = arith.addi %multiple_of3A_164, %parallel_loop3A_370 : i32
        %parallel_loop3A_372 = arith.index_cast %parallel_loop3A_344 : i32 to index
        %parallel_loop3A_373 = arith.index_cast %parallel_loop3A_371 : i32 to index
        %parallel_loop3A_374 = tpu.vector_load %arg10[%parallel_loop3A_372, %parallel_loop3A_373] {strides = array<i32>} : memref<48x512xf32, #tpu.memory_space<vmem>>, vector<16xf32>,
        %parallel_loop3A_375 = arith.constant 96 : i32
        %parallel_loop3A_376 = arith.addi %multiple_of3A_164, %parallel_loop3A_375 : i32
        %parallel_loop3A_377 = arith.index_cast %parallel_loop3A_344 : i32 to index
        %parallel_loop3A_378 = arith.index_cast %parallel_loop3A_376 : i32 to index
        %parallel_loop3A_379 = tpu.vector_load %arg10[%parallel_loop3A_377, %parallel_loop3A_378] {strides = array<i32>} : memref<48x512xf32, #tpu.memory_space<vmem>>, vector<16xf32>,
        %parallel_loop3A_380 = arith.constant 112 : i32
        %parallel_loop3A_381 = arith.addi %multiple_of3A_164, %parallel_loop3A_380 : i32
        %parallel_loop3A_382 = arith.index_cast %parallel_loop3A_344 : i32 to index
        %parallel_loop3A_383 = arith.index_cast %parallel_loop3A_381 : i32 to index
        %parallel_loop3A_384 = tpu.vector_load %arg10[%parallel_loop3A_382, %parallel_loop3A_383] {strides = array<i32>} : memref<48x512xf32, #tpu.memory_space<vmem>>, vector<16xf32>,
        %parallel_loop3A_385 = arith.constant 128 : i32
        %parallel_loop3A_386 = arith.addi %multiple_of3A_164, %parallel_loop3A_385 : i32
        %parallel_loop3A_387 = arith.index_cast %parallel_loop3A_344 : i32 to index
        %parallel_loop3A_388 = arith.index_cast %parallel_loop3A_386 : i32 to index
        %parallel_loop3A_389 = tpu.vector_load %arg10[%parallel_loop3A_387, %parallel_loop3A_388] {strides = array<i32>} : memref<48x512xf32, #tpu.memory_space<vmem>>, vector<16xf32>,
        %parallel_loop3A_390 = arith.constant 144 : i32
        %parallel_loop3A_391 = arith.addi %multiple_of3A_164, %parallel_loop3A_390 : i32
        %parallel_loop3A_392 = arith.index_cast %parallel_loop3A_344 : i32 to index
        %parallel_loop3A_393 = arith.index_cast %parallel_loop3A_391 : i32 to index
        %parallel_loop3A_394 = tpu.vector_load %arg10[%parallel_loop3A_392, %parallel_loop3A_393] {strides = array<i32>} : memref<48x512xf32, #tpu.memory_space<vmem>>, vector<16xf32>,
        %parallel_loop3A_395 = arith.constant 160 : i32
        %parallel_loop3A_396 = arith.addi %multiple_of3A_164, %parallel_loop3A_395 : i32
        %parallel_loop3A_397 = arith.index_cast %parallel_loop3A_344 : i32 to index
        %parallel_loop3A_398 = arith.index_cast %parallel_loop3A_396 : i32 to index
        %parallel_loop3A_399 = tpu.vector_load %arg10[%parallel_loop3A_397, %parallel_loop3A_398] {strides = array<i32>} : memref<48x512xf32, #tpu.memory_space<vmem>>, vector<16xf32>,
        %parallel_loop3A_400 = arith.constant 176 : i32
        %parallel_loop3A_401 = arith.addi %multiple_of3A_164, %parallel_loop3A_400 : i32
        %parallel_loop3A_402 = arith.index_cast %parallel_loop3A_344 : i32 to index
        %parallel_loop3A_403 = arith.index_cast %parallel_loop3A_401 : i32 to index
        %parallel_loop3A_404 = tpu.vector_load %arg10[%parallel_loop3A_402, %parallel_loop3A_403] {strides = array<i32>} : memref<48x512xf32, #tpu.memory_space<vmem>>, vector<16xf32>,
        %parallel_loop3A_405 = arith.constant 192 : i32
        %parallel_loop3A_406 = arith.addi %multiple_of3A_164, %parallel_loop3A_405 : i32
        %parallel_loop3A_407 = arith.index_cast %parallel_loop3A_344 : i32 to index
        %parallel_loop3A_408 = arith.index_cast %parallel_loop3A_406 : i32 to index
        %parallel_loop3A_409 = tpu.vector_load %arg10[%parallel_loop3A_407, %parallel_loop3A_408] {strides = array<i32>} : memref<48x512xf32, #tpu.memory_space<vmem>>, vector<16xf32>,
        %parallel_loop3A_410 = arith.constant 208 : i32
        %parallel_loop3A_411 = arith.addi %multiple_of3A_164, %parallel_loop3A_410 : i32
        %parallel_loop3A_412 = arith.index_cast %parallel_loop3A_344 : i32 to index
        %parallel_loop3A_413 = arith.index_cast %parallel_loop3A_411 : i32 to index
        %parallel_loop3A_414 = tpu.vector_load %arg10[%parallel_loop3A_412, %parallel_loop3A_413] {strides = array<i32>} : memref<48x512xf32, #tpu.memory_space<vmem>>, vector<16xf32>,
        %parallel_loop3A_415 = arith.constant 224 : i32
        %parallel_loop3A_416 = arith.addi %multiple_of3A_164, %parallel_loop3A_415 : i32
        %parallel_loop3A_417 = arith.index_cast %parallel_loop3A_344 : i32 to index
        %parallel_loop3A_418 = arith.index_cast %parallel_loop3A_416 : i32 to index
        %parallel_loop3A_419 = tpu.vector_load %arg10[%parallel_loop3A_417, %parallel_loop3A_418] {strides = array<i32>} : memref<48x512xf32, #tpu.memory_space<vmem>>, vector<16xf32>,
        %parallel_loop3A_420 = arith.constant 240 : i32
        %parallel_loop3A_421 = arith.addi %multiple_of3A_164, %parallel_loop3A_420 : i32
        %parallel_loop3A_422 = arith.index_cast %parallel_loop3A_344 : i32 to index
        %parallel_loop3A_423 = arith.index_cast %parallel_loop3A_421 : i32 to index
        %parallel_loop3A_424 = tpu.vector_load %arg10[%parallel_loop3A_422, %parallel_loop3A_423] {strides = array<i32>} : memref<48x512xf32, #tpu.memory_space<vmem>>, vector<16xf32>,
        %parallel_loop3A_425 = arith.constant 256 : i32
        %parallel_loop3A_426 = arith.addi %multiple_of3A_164, %parallel_loop3A_425 : i32
        %parallel_loop3A_427 = arith.index_cast %parallel_loop3A_344 : i32 to index
        %parallel_loop3A_428 = arith.index_cast %parallel_loop3A_426 : i32 to index
        %parallel_loop3A_429 = tpu.vector_load %arg10[%parallel_loop3A_427, %parallel_loop3A_428] {strides = array<i32>} : memref<48x512xf32, #tpu.memory_space<vmem>>, vector<16xf32>,
        %parallel_loop3A_430 = arith.constant 272 : i32
        %parallel_loop3A_431 = arith.addi %multiple_of3A_164, %parallel_loop3A_430 : i32
        %parallel_loop3A_432 = arith.index_cast %parallel_loop3A_344 : i32 to index
        %parallel_loop3A_433 = arith.index_cast %parallel_loop3A_431 : i32 to index
        %parallel_loop3A_434 = tpu.vector_load %arg10[%parallel_loop3A_432, %parallel_loop3A_433] {strides = array<i32>} : memref<48x512xf32, #tpu.memory_space<vmem>>, vector<16xf32>,
        %parallel_loop3A_435 = arith.constant 288 : i32
        %parallel_loop3A_436 = arith.addi %multiple_of3A_164, %parallel_loop3A_435 : i32
        %parallel_loop3A_437 = arith.index_cast %parallel_loop3A_344 : i32 to index
        %parallel_loop3A_438 = arith.index_cast %parallel_loop3A_436 : i32 to index
        %parallel_loop3A_439 = tpu.vector_load %arg10[%parallel_loop3A_437, %parallel_loop3A_438] {strides = array<i32>} : memref<48x512xf32, #tpu.memory_space<vmem>>, vector<16xf32>,
        %parallel_loop3A_440 = arith.constant 304 : i32
        %parallel_loop3A_441 = arith.addi %multiple_of3A_164, %parallel_loop3A_440 : i32
        %parallel_loop3A_442 = arith.index_cast %parallel_loop3A_344 : i32 to index
        %parallel_loop3A_443 = arith.index_cast %parallel_loop3A_441 : i32 to index
        %parallel_loop3A_444 = tpu.vector_load %arg10[%parallel_loop3A_442, %parallel_loop3A_443] {strides = array<i32>} : memref<48x512xf32, #tpu.memory_space<vmem>>, vector<16xf32>,
        %parallel_loop3A_445 = arith.constant 320 : i32
        %parallel_loop3A_446 = arith.addi %multiple_of3A_164, %parallel_loop3A_445 : i32
        %parallel_loop3A_447 = arith.index_cast %parallel_loop3A_344 : i32 to index
        %parallel_loop3A_448 = arith.index_cast %parallel_loop3A_446 : i32 to index
        %parallel_loop3A_449 = tpu.vector_load %arg10[%parallel_loop3A_447, %parallel_loop3A_448] {strides = array<i32>} : memref<48x512xf32, #tpu.memory_space<vmem>>, vector<16xf32>,
        %parallel_loop3A_450 = arith.constant 336 : i32
        %parallel_loop3A_451 = arith.addi %multiple_of3A_164, %parallel_loop3A_450 : i32
        %parallel_loop3A_452 = arith.index_cast %parallel_loop3A_344 : i32 to index
        %parallel_loop3A_453 = arith.index_cast %parallel_loop3A_451 : i32 to index
        %parallel_loop3A_454 = tpu.vector_load %arg10[%parallel_loop3A_452, %parallel_loop3A_453] {strides = array<i32>} : memref<48x512xf32, #tpu.memory_space<vmem>>, vector<16xf32>,
        %parallel_loop3A_455 = arith.constant 352 : i32
        %parallel_loop3A_456 = arith.addi %multiple_of3A_164, %parallel_loop3A_455 : i32
        %parallel_loop3A_457 = arith.index_cast %parallel_loop3A_344 : i32 to index
        %parallel_loop3A_458 = arith.index_cast %parallel_loop3A_456 : i32 to index
        %parallel_loop3A_459 = tpu.vector_load %arg10[%parallel_loop3A_457, %parallel_loop3A_458] {strides = array<i32>} : memref<48x512xf32, #tpu.memory_space<vmem>>, vector<16xf32>,
        %parallel_loop3A_460 = arith.constant 368 : i32
        %parallel_loop3A_461 = arith.addi %multiple_of3A_164, %parallel_loop3A_460 : i32
        %parallel_loop3A_462 = arith.index_cast %parallel_loop3A_344 : i32 to index
        %parallel_loop3A_463 = arith.index_cast %parallel_loop3A_461 : i32 to index
        %parallel_loop3A_464 = tpu.vector_load %arg10[%parallel_loop3A_462, %parallel_loop3A_463] {strides = array<i32>} : memref<48x512xf32, #tpu.memory_space<vmem>>, vector<16xf32>,
        %parallel_loop3A_465 = arith.constant 384 : i32
        %parallel_loop3A_466 = arith.addi %multiple_of3A_164, %parallel_loop3A_465 : i32
        %parallel_loop3A_467 = arith.index_cast %parallel_loop3A_344 : i32 to index
        %parallel_loop3A_468 = arith.index_cast %parallel_loop3A_466 : i32 to index
        %parallel_loop3A_469 = tpu.vector_load %arg10[%parallel_loop3A_467, %parallel_loop3A_468] {strides = array<i32>} : memref<48x512xf32, #tpu.memory_space<vmem>>, vector<16xf32>,
        %parallel_loop3A_470 = arith.constant 400 : i32
        %parallel_loop3A_471 = arith.addi %multiple_of3A_164, %parallel_loop3A_470 : i32
        %parallel_loop3A_472 = arith.index_cast %parallel_loop3A_344 : i32 to index
        %parallel_loop3A_473 = arith.index_cast %parallel_loop3A_471 : i32 to index
        %parallel_loop3A_474 = tpu.vector_load %arg10[%parallel_loop3A_472, %parallel_loop3A_473] {strides = array<i32>} : memref<48x512xf32, #tpu.memory_space<vmem>>, vector<16xf32>,
        %parallel_loop3A_475 = arith.constant 416 : i32
        %parallel_loop3A_476 = arith.addi %multiple_of3A_164, %parallel_loop3A_475 : i32
        %parallel_loop3A_477 = arith.index_cast %parallel_loop3A_344 : i32 to index
        %parallel_loop3A_478 = arith.index_cast %parallel_loop3A_476 : i32 to index
        %parallel_loop3A_479 = tpu.vector_load %arg10[%parallel_loop3A_477, %parallel_loop3A_478] {strides = array<i32>} : memref<48x512xf32, #tpu.memory_space<vmem>>, vector<16xf32>,
        %parallel_loop3A_480 = arith.constant 432 : i32
        %parallel_loop3A_481 = arith.addi %multiple_of3A_164, %parallel_loop3A_480 : i32
        %parallel_loop3A_482 = arith.index_cast %parallel_loop3A_344 : i32 to index
        %parallel_loop3A_483 = arith.index_cast %parallel_loop3A_481 : i32 to index
        %parallel_loop3A_484 = tpu.vector_load %arg10[%parallel_loop3A_482, %parallel_loop3A_483] {strides = array<i32>} : memref<48x512xf32, #tpu.memory_space<vmem>>, vector<16xf32>,
        %parallel_loop3A_485 = arith.constant 448 : i32
        %parallel_loop3A_486 = arith.addi %multiple_of3A_164, %parallel_loop3A_485 : i32
        %parallel_loop3A_487 = arith.index_cast %parallel_loop3A_344 : i32 to index
        %parallel_loop3A_488 = arith.index_cast %parallel_loop3A_486 : i32 to index
        %parallel_loop3A_489 = tpu.vector_load %arg10[%parallel_loop3A_487, %parallel_loop3A_488] {strides = array<i32>} : memref<48x512xf32, #tpu.memory_space<vmem>>, vector<16xf32>,
        %parallel_loop3A_490 = arith.constant 464 : i32
        %parallel_loop3A_491 = arith.addi %multiple_of3A_164, %parallel_loop3A_490 : i32
        %parallel_loop3A_492 = arith.index_cast %parallel_loop3A_344 : i32 to index
        %parallel_loop3A_493 = arith.index_cast %parallel_loop3A_491 : i32 to index
        %parallel_loop3A_494 = tpu.vector_load %arg10[%parallel_loop3A_492, %parallel_loop3A_493] {strides = array<i32>} : memref<48x512xf32, #tpu.memory_space<vmem>>, vector<16xf32>,
        %parallel_loop3A_495 = arith.constant 480 : i32
        %parallel_loop3A_496 = arith.addi %multiple_of3A_164, %parallel_loop3A_495 : i32
        %parallel_loop3A_497 = arith.index_cast %parallel_loop3A_344 : i32 to index
        %parallel_loop3A_498 = arith.index_cast %parallel_loop3A_496 : i32 to index
        %parallel_loop3A_499 = tpu.vector_load %arg10[%parallel_loop3A_497, %parallel_loop3A_498] {strides = array<i32>} : memref<48x512xf32, #tpu.memory_space<vmem>>, vector<16xf32>,
        %parallel_loop3A_500 = arith.select %ge3A_169, %parallel_loop3A_349, %parallel_loop3A_354 : vector<16xi1>, vector<16xf32>
        %parallel_loop3A_501 = arith.constant 0 : i32
        %parallel_loop3A_502 = vector.broadcast %parallel_loop3A_501 : i32 to vector<16xi32>
        %parallel_loop3A_503 = arith.cmpi slt, %and3A_168, %parallel_loop3A_502 : vector<16xi32>
        %parallel_loop3A_504 = arith.constant 16 : i32
        %parallel_loop3A_505 = vector.broadcast %parallel_loop3A_504 : i32 to vector<16xi32>
        %parallel_loop3A_506 = arith.addi %and3A_168, %parallel_loop3A_505 : vector<16xi32>
        %parallel_loop3A_507 = arith.select %parallel_loop3A_503, %parallel_loop3A_506, %and3A_168 : vector<16xi1>, vector<16xi32>
        %parallel_loop3A_508 = vector.shape_cast %parallel_loop3A_507 : vector<16xi32> to vector<16x1xi32>
        %parallel_loop3A_509 = vector.shape_cast %parallel_loop3A_508 : vector<16x1xi32> to vector<16xi32>
        %parallel_loop3A_510 = tpu.dynamic_gather %parallel_loop3A_500[%parallel_loop3A_509] in [0] : vector<16xf32>, vector<16xi32> -> vector<16xf32>
        %parallel_loop3A_511 = arith.index_cast %parallel_loop3A_344 : i32 to index
        %parallel_loop3A_512 = arith.constant 0 : index
        %parallel_loop3A_513 = tpu.vector_load %arg12[%parallel_loop3A_511, %parallel_loop3A_512] {strides = array<i32>} : memref<48x480xf32, #tpu.memory_space<vmem>>, vector<16xf32>,
        tpu.vector_store %arg12[%parallel_loop3A_511, %parallel_loop3A_512], %parallel_loop3A_510 {strides = array<i32>} : memref<48x480xf32, #tpu.memory_space<vmem>>, vector<16xf32>,
        %parallel_loop3A_514 = arith.select %ge3A_169, %parallel_loop3A_354, %parallel_loop3A_359 : vector<16xi1>, vector<16xf32>
        %parallel_loop3A_515 = arith.constant 0 : i32
        %parallel_loop3A_516 = vector.broadcast %parallel_loop3A_515 : i32 to vector<16xi32>
        %parallel_loop3A_517 = arith.cmpi slt, %and3A_168, %parallel_loop3A_516 : vector<16xi32>
        %parallel_loop3A_518 = arith.constant 16 : i32
        %parallel_loop3A_519 = vector.broadcast %parallel_loop3A_518 : i32 to vector<16xi32>
        %parallel_loop3A_520 = arith.addi %and3A_168, %parallel_loop3A_519 : vector<16xi32>
        %parallel_loop3A_521 = arith.select %parallel_loop3A_517, %parallel_loop3A_520, %and3A_168 : vector<16xi1>, vector<16xi32>
        %parallel_loop3A_522 = vector.shape_cast %parallel_loop3A_521 : vector<16xi32> to vector<16x1xi32>
        %parallel_loop3A_523 = vector.shape_cast %parallel_loop3A_522 : vector<16x1xi32> to vector<16xi32>
        %parallel_loop3A_524 = tpu.dynamic_gather %parallel_loop3A_514[%parallel_loop3A_523] in [0] : vector<16xf32>, vector<16xi32> -> vector<16xf32>
        %parallel_loop3A_525 = arith.index_cast %parallel_loop3A_344 : i32 to index
        %parallel_loop3A_526 = arith.constant 16 : index
        %parallel_loop3A_527 = tpu.vector_load %arg12[%parallel_loop3A_525, %parallel_loop3A_526] {strides = array<i32>} : memref<48x480xf32, #tpu.memory_space<vmem>>, vector<16xf32>,
        tpu.vector_store %arg12[%parallel_loop3A_525, %parallel_loop3A_526], %parallel_loop3A_524 {strides = array<i32>} : memref<48x480xf32, #tpu.memory_space<vmem>>, vector<16xf32>,
        %parallel_loop3A_528 = arith.select %ge3A_169, %parallel_loop3A_359, %parallel_loop3A_364 : vector<16xi1>, vector<16xf32>
        %parallel_loop3A_529 = arith.constant 0 : i32
        %parallel_loop3A_530 = vector.broadcast %parallel_loop3A_529 : i32 to vector<16xi32>
        %parallel_loop3A_531 = arith.cmpi slt, %and3A_168, %parallel_loop3A_530 : vector<16xi32>
        %parallel_loop3A_532 = arith.constant 16 : i32
        %parallel_loop3A_533 = vector.broadcast %parallel_loop3A_532 : i32 to vector<16xi32>
        %parallel_loop3A_534 = arith.addi %and3A_168, %parallel_loop3A_533 : vector<16xi32>
        %parallel_loop3A_535 = arith.select %parallel_loop3A_531, %parallel_loop3A_534, %and3A_168 : vector<16xi1>, vector<16xi32>
        %parallel_loop3A_536 = vector.shape_cast %parallel_loop3A_535 : vector<16xi32> to vector<16x1xi32>
        %parallel_loop3A_537 = vector.shape_cast %parallel_loop3A_536 : vector<16x1xi32> to vector<16xi32>
        %parallel_loop3A_538 = tpu.dynamic_gather %parallel_loop3A_528[%parallel_loop3A_537] in [0] : vector<16xf32>, vector<16xi32> -> vector<16xf32>
        %parallel_loop3A_539 = arith.index_cast %parallel_loop3A_344 : i32 to index
        %parallel_loop3A_540 = arith.constant 32 : index
        %parallel_loop3A_541 = tpu.vector_load %arg12[%parallel_loop3A_539, %parallel_loop3A_540] {strides = array<i32>} : memref<48x480xf32, #tpu.memory_space<vmem>>, vector<16xf32>,
        tpu.vector_store %arg12[%parallel_loop3A_539, %parallel_loop3A_540], %parallel_loop3A_538 {strides = array<i32>} : memref<48x480xf32, #tpu.memory_space<vmem>>, vector<16xf32>,
        %parallel_loop3A_542 = arith.select %ge3A_169, %parallel_loop3A_364, %parallel_loop3A_369 : vector<16xi1>, vector<16xf32>
        %parallel_loop3A_543 = arith.constant 0 : i32
        %parallel_loop3A_544 = vector.broadcast %parallel_loop3A_543 : i32 to vector<16xi32>
        %parallel_loop3A_545 = arith.cmpi slt, %and3A_168, %parallel_loop3A_544 : vector<16xi32>
        %parallel_loop3A_546 = arith.constant 16 : i32
        %parallel_loop3A_547 = vector.broadcast %parallel_loop3A_546 : i32 to vector<16xi32>
        %parallel_loop3A_548 = arith.addi %and3A_168, %parallel_loop3A_547 : vector<16xi32>
        %parallel_loop3A_549 = arith.select %parallel_loop3A_545, %parallel_loop3A_548, %and3A_168 : vector<16xi1>, vector<16xi32>
        %parallel_loop3A_550 = vector.shape_cast %parallel_loop3A_549 : vector<16xi32> to vector<16x1xi32>
        %parallel_loop3A_551 = vector.shape_cast %parallel_loop3A_550 : vector<16x1xi32> to vector<16xi32>
        %parallel_loop3A_552 = tpu.dynamic_gather %parallel_loop3A_542[%parallel_loop3A_551] in [0] : vector<16xf32>, vector<16xi32> -> vector<16xf32>
        %parallel_loop3A_553 = arith.index_cast %parallel_loop3A_344 : i32 to index
        %parallel_loop3A_554 = arith.constant 48 : index
        %parallel_loop3A_555 = tpu.vector_load %arg12[%parallel_loop3A_553, %parallel_loop3A_554] {strides = array<i32>} : memref<48x480xf32, #tpu.memory_space<vmem>>, vector<16xf32>,
        tpu.vector_store %arg12[%parallel_loop3A_553, %parallel_loop3A_554], %parallel_loop3A_552 {strides = array<i32>} : memref<48x480xf32, #tpu.memory_space<vmem>>, vector<16xf32>,
        %parallel_loop3A_556 = arith.select %ge3A_169, %parallel_loop3A_369, %parallel_loop3A_374 : vector<16xi1>, vector<16xf32>
        %parallel_loop3A_557 = arith.constant 0 : i32
        %parallel_loop3A_558 = vector.broadcast %parallel_loop3A_557 : i32 to vector<16xi32>
        %parallel_loop3A_559 = arith.cmpi slt, %and3A_168, %parallel_loop3A_558 : vector<16xi32>
        %parallel_loop3A_560 = arith.constant 16 : i32
        %parallel_loop3A_561 = vector.broadcast %parallel_loop3A_560 : i32 to vector<16xi32>
        %parallel_loop3A_562 = arith.addi %and3A_168, %parallel_loop3A_561 : vector<16xi32>
        %parallel_loop3A_563 = arith.select %parallel_loop3A_559, %parallel_loop3A_562, %and3A_168 : vector<16xi1>, vector<16xi32>
        %parallel_loop3A_564 = vector.shape_cast %parallel_loop3A_563 : vector<16xi32> to vector<16x1xi32>
        %parallel_loop3A_565 = vector.shape_cast %parallel_loop3A_564 : vector<16x1xi32> to vector<16xi32>
        %parallel_loop3A_566 = tpu.dynamic_gather %parallel_loop3A_556[%parallel_loop3A_565] in [0] : vector<16xf32>, vector<16xi32> -> vector<16xf32>
        %parallel_loop3A_567 = arith.index_cast %parallel_loop3A_344 : i32 to index
        %parallel_loop3A_568 = arith.constant 64 : index
        %parallel_loop3A_569 = tpu.vector_load %arg12[%parallel_loop3A_567, %parallel_loop3A_568] {strides = array<i32>} : memref<48x480xf32, #tpu.memory_space<vmem>>, vector<16xf32>,
        tpu.vector_store %arg12[%parallel_loop3A_567, %parallel_loop3A_568], %parallel_loop3A_566 {strides = array<i32>} : memref<48x480xf32, #tpu.memory_space<vmem>>, vector<16xf32>,
        %parallel_loop3A_570 = arith.select %ge3A_169, %parallel_loop3A_374, %parallel_loop3A_379 : vector<16xi1>, vector<16xf32>
        %parallel_loop3A_571 = arith.constant 0 : i32
        %parallel_loop3A_572 = vector.broadcast %parallel_loop3A_571 : i32 to vector<16xi32>
        %parallel_loop3A_573 = arith.cmpi slt, %and3A_168, %parallel_loop3A_572 : vector<16xi32>
        %parallel_loop3A_574 = arith.constant 16 : i32
        %parallel_loop3A_575 = vector.broadcast %parallel_loop3A_574 : i32 to vector<16xi32>
        %parallel_loop3A_576 = arith.addi %and3A_168, %parallel_loop3A_575 : vector<16xi32>
        %parallel_loop3A_577 = arith.select %parallel_loop3A_573, %parallel_loop3A_576, %and3A_168 : vector<16xi1>, vector<16xi32>
        %parallel_loop3A_578 = vector.shape_cast %parallel_loop3A_577 : vector<16xi32> to vector<16x1xi32>
        %parallel_loop3A_579 = vector.shape_cast %parallel_loop3A_578 : vector<16x1xi32> to vector<16xi32>
        %parallel_loop3A_580 = tpu.dynamic_gather %parallel_loop3A_570[%parallel_loop3A_579] in [0] : vector<16xf32>, vector<16xi32> -> vector<16xf32>
        %parallel_loop3A_581 = arith.index_cast %parallel_loop3A_344 : i32 to index
        %parallel_loop3A_582 = arith.constant 80 : index
        %parallel_loop3A_583 = tpu.vector_load %arg12[%parallel_loop3A_581, %parallel_loop3A_582] {strides = array<i32>} : memref<48x480xf32, #tpu.memory_space<vmem>>, vector<16xf32>,
        tpu.vector_store %arg12[%parallel_loop3A_581, %parallel_loop3A_582], %parallel_loop3A_580 {strides = array<i32>} : memref<48x480xf32, #tpu.memory_space<vmem>>, vector<16xf32>,
        %parallel_loop3A_584 = arith.select %ge3A_169, %parallel_loop3A_379, %parallel_loop3A_384 : vector<16xi1>, vector<16xf32>
        %parallel_loop3A_585 = arith.constant 0 : i32
        %parallel_loop3A_586 = vector.broadcast %parallel_loop3A_585 : i32 to vector<16xi32>
        %parallel_loop3A_587 = arith.cmpi slt, %and3A_168, %parallel_loop3A_586 : vector<16xi32>
        %parallel_loop3A_588 = arith.constant 16 : i32
        %parallel_loop3A_589 = vector.broadcast %parallel_loop3A_588 : i32 to vector<16xi32>
        %parallel_loop3A_590 = arith.addi %and3A_168, %parallel_loop3A_589 : vector<16xi32>
        %parallel_loop3A_591 = arith.select %parallel_loop3A_587, %parallel_loop3A_590, %and3A_168 : vector<16xi1>, vector<16xi32>
        %parallel_loop3A_592 = vector.shape_cast %parallel_loop3A_591 : vector<16xi32> to vector<16x1xi32>
        %parallel_loop3A_593 = vector.shape_cast %parallel_loop3A_592 : vector<16x1xi32> to vector<16xi32>
        %parallel_loop3A_594 = tpu.dynamic_gather %parallel_loop3A_584[%parallel_loop3A_593] in [0] : vector<16xf32>, vector<16xi32> -> vector<16xf32>
        %parallel_loop3A_595 = arith.index_cast %parallel_loop3A_344 : i32 to index
        %parallel_loop3A_596 = arith.constant 96 : index
        %parallel_loop3A_597 = tpu.vector_load %arg12[%parallel_loop3A_595, %parallel_loop3A_596] {strides = array<i32>} : memref<48x480xf32, #tpu.memory_space<vmem>>, vector<16xf32>,
        tpu.vector_store %arg12[%parallel_loop3A_595, %parallel_loop3A_596], %parallel_loop3A_594 {strides = array<i32>} : memref<48x480xf32, #tpu.memory_space<vmem>>, vector<16xf32>,
        %parallel_loop3A_598 = arith.select %ge3A_169, %parallel_loop3A_384, %parallel_loop3A_389 : vector<16xi1>, vector<16xf32>
        %parallel_loop3A_599 = arith.constant 0 : i32
        %parallel_loop3A_600 = vector.broadcast %parallel_loop3A_599 : i32 to vector<16xi32>
        %parallel_loop3A_601 = arith.cmpi slt, %and3A_168, %parallel_loop3A_600 : vector<16xi32>
        %parallel_loop3A_602 = arith.constant 16 : i32
        %parallel_loop3A_603 = vector.broadcast %parallel_loop3A_602 : i32 to vector<16xi32>
        %parallel_loop3A_604 = arith.addi %and3A_168, %parallel_loop3A_603 : vector<16xi32>
        %parallel_loop3A_605 = arith.select %parallel_loop3A_601, %parallel_loop3A_604, %and3A_168 : vector<16xi1>, vector<16xi32>
        %parallel_loop3A_606 = vector.shape_cast %parallel_loop3A_605 : vector<16xi32> to vector<16x1xi32>
        %parallel_loop3A_607 = vector.shape_cast %parallel_loop3A_606 : vector<16x1xi32> to vector<16xi32>
        %parallel_loop3A_608 = tpu.dynamic_gather %parallel_loop3A_598[%parallel_loop3A_607] in [0] : vector<16xf32>, vector<16xi32> -> vector<16xf32>
        %parallel_loop3A_609 = arith.index_cast %parallel_loop3A_344 : i32 to index
        %parallel_loop3A_610 = arith.constant 112 : index
        %parallel_loop3A_611 = tpu.vector_load %arg12[%parallel_loop3A_609, %parallel_loop3A_610] {strides = array<i32>} : memref<48x480xf32, #tpu.memory_space<vmem>>, vector<16xf32>,
        tpu.vector_store %arg12[%parallel_loop3A_609, %parallel_loop3A_610], %parallel_loop3A_608 {strides = array<i32>} : memref<48x480xf32, #tpu.memory_space<vmem>>, vector<16xf32>,
        %parallel_loop3A_612 = arith.select %ge3A_169, %parallel_loop3A_389, %parallel_loop3A_394 : vector<16xi1>, vector<16xf32>
        %parallel_loop3A_613 = arith.constant 0 : i32
        %parallel_loop3A_614 = vector.broadcast %parallel_loop3A_613 : i32 to vector<16xi32>
        %parallel_loop3A_615 = arith.cmpi slt, %and3A_168, %parallel_loop3A_614 : vector<16xi32>
        %parallel_loop3A_616 = arith.constant 16 : i32
        %parallel_loop3A_617 = vector.broadcast %parallel_loop3A_616 : i32 to vector<16xi32>
        %parallel_loop3A_618 = arith.addi %and3A_168, %parallel_loop3A_617 : vector<16xi32>
        %parallel_loop3A_619 = arith.select %parallel_loop3A_615, %parallel_loop3A_618, %and3A_168 : vector<16xi1>, vector<16xi32>
        %parallel_loop3A_620 = vector.shape_cast %parallel_loop3A_619 : vector<16xi32> to vector<16x1xi32>
        %parallel_loop3A_621 = vector.shape_cast %parallel_loop3A_620 : vector<16x1xi32> to vector<16xi32>
        %parallel_loop3A_622 = tpu.dynamic_gather %parallel_loop3A_612[%parallel_loop3A_621] in [0] : vector<16xf32>, vector<16xi32> -> vector<16xf32>
        %parallel_loop3A_623 = arith.index_cast %parallel_loop3A_344 : i32 to index
        %parallel_loop3A_624 = arith.constant 128 : index
        %parallel_loop3A_625 = tpu.vector_load %arg12[%parallel_loop3A_623, %parallel_loop3A_624] {strides = array<i32>} : memref<48x480xf32, #tpu.memory_space<vmem>>, vector<16xf32>,
        tpu.vector_store %arg12[%parallel_loop3A_623, %parallel_loop3A_624], %parallel_loop3A_622 {strides = array<i32>} : memref<48x480xf32, #tpu.memory_space<vmem>>, vector<16xf32>,
        %parallel_loop3A_626 = arith.select %ge3A_169, %parallel_loop3A_394, %parallel_loop3A_399 : vector<16xi1>, vector<16xf32>
        %parallel_loop3A_627 = arith.constant 0 : i32
        %parallel_loop3A_628 = vector.broadcast %parallel_loop3A_627 : i32 to vector<16xi32>
        %parallel_loop3A_629 = arith.cmpi slt, %and3A_168, %parallel_loop3A_628 : vector<16xi32>
        %parallel_loop3A_630 = arith.constant 16 : i32
        %parallel_loop3A_631 = vector.broadcast %parallel_loop3A_630 : i32 to vector<16xi32>
        %parallel_loop3A_632 = arith.addi %and3A_168, %parallel_loop3A_631 : vector<16xi32>
        %parallel_loop3A_633 = arith.select %parallel_loop3A_629, %parallel_loop3A_632, %and3A_168 : vector<16xi1>, vector<16xi32>
        %parallel_loop3A_634 = vector.shape_cast %parallel_loop3A_633 : vector<16xi32> to vector<16x1xi32>
        %parallel_loop3A_635 = vector.shape_cast %parallel_loop3A_634 : vector<16x1xi32> to vector<16xi32>
        %parallel_loop3A_636 = tpu.dynamic_gather %parallel_loop3A_626[%parallel_loop3A_635] in [0] : vector<16xf32>, vector<16xi32> -> vector<16xf32>
        %parallel_loop3A_637 = arith.index_cast %parallel_loop3A_344 : i32 to index
        %parallel_loop3A_638 = arith.constant 144 : index
        %parallel_loop3A_639 = tpu.vector_load %arg12[%parallel_loop3A_637, %parallel_loop3A_638] {strides = array<i32>} : memref<48x480xf32, #tpu.memory_space<vmem>>, vector<16xf32>,
        tpu.vector_store %arg12[%parallel_loop3A_637, %parallel_loop3A_638], %parallel_loop3A_636 {strides = array<i32>} : memref<48x480xf32, #tpu.memory_space<vmem>>, vector<16xf32>,
        %parallel_loop3A_640 = arith.select %ge3A_169, %parallel_loop3A_399, %parallel_loop3A_404 : vector<16xi1>, vector<16xf32>
        %parallel_loop3A_641 = arith.constant 0 : i32
        %parallel_loop3A_642 = vector.broadcast %parallel_loop3A_641 : i32 to vector<16xi32>
        %parallel_loop3A_643 = arith.cmpi slt, %and3A_168, %parallel_loop3A_642 : vector<16xi32>
        %parallel_loop3A_644 = arith.constant 16 : i32
        %parallel_loop3A_645 = vector.broadcast %parallel_loop3A_644 : i32 to vector<16xi32>
        %parallel_loop3A_646 = arith.addi %and3A_168, %parallel_loop3A_645 : vector<16xi32>
        %parallel_loop3A_647 = arith.select %parallel_loop3A_643, %parallel_loop3A_646, %and3A_168 : vector<16xi1>, vector<16xi32>
        %parallel_loop3A_648 = vector.shape_cast %parallel_loop3A_647 : vector<16xi32> to vector<16x1xi32>
        %parallel_loop3A_649 = vector.shape_cast %parallel_loop3A_648 : vector<16x1xi32> to vector<16xi32>
        %parallel_loop3A_650 = tpu.dynamic_gather %parallel_loop3A_640[%parallel_loop3A_649] in [0] : vector<16xf32>, vector<16xi32> -> vector<16xf32>
        %parallel_loop3A_651 = arith.index_cast %parallel_loop3A_344 : i32 to index
        %parallel_loop3A_652 = arith.constant 160 : index
        %parallel_loop3A_653 = tpu.vector_load %arg12[%parallel_loop3A_651, %parallel_loop3A_652] {strides = array<i32>} : memref<48x480xf32, #tpu.memory_space<vmem>>, vector<16xf32>,
        tpu.vector_store %arg12[%parallel_loop3A_651, %parallel_loop3A_652], %parallel_loop3A_650 {strides = array<i32>} : memref<48x480xf32, #tpu.memory_space<vmem>>, vector<16xf32>,
        %parallel_loop3A_654 = arith.select %ge3A_169, %parallel_loop3A_404, %parallel_loop3A_409 : vector<16xi1>, vector<16xf32>
        %parallel_loop3A_655 = arith.constant 0 : i32
        %parallel_loop3A_656 = vector.broadcast %parallel_loop3A_655 : i32 to vector<16xi32>
        %parallel_loop3A_657 = arith.cmpi slt, %and3A_168, %parallel_loop3A_656 : vector<16xi32>
        %parallel_loop3A_658 = arith.constant 16 : i32
        %parallel_loop3A_659 = vector.broadcast %parallel_loop3A_658 : i32 to vector<16xi32>
        %parallel_loop3A_660 = arith.addi %and3A_168, %parallel_loop3A_659 : vector<16xi32>
        %parallel_loop3A_661 = arith.select %parallel_loop3A_657, %parallel_loop3A_660, %and3A_168 : vector<16xi1>, vector<16xi32>
        %parallel_loop3A_662 = vector.shape_cast %parallel_loop3A_661 : vector<16xi32> to vector<16x1xi32>
        %parallel_loop3A_663 = vector.shape_cast %parallel_loop3A_662 : vector<16x1xi32> to vector<16xi32>
        %parallel_loop3A_664 = tpu.dynamic_gather %parallel_loop3A_654[%parallel_loop3A_663] in [0] : vector<16xf32>, vector<16xi32> -> vector<16xf32>
        %parallel_loop3A_665 = arith.index_cast %parallel_loop3A_344 : i32 to index
        %parallel_loop3A_666 = arith.constant 176 : index
        %parallel_loop3A_667 = tpu.vector_load %arg12[%parallel_loop3A_665, %parallel_loop3A_666] {strides = array<i32>} : memref<48x480xf32, #tpu.memory_space<vmem>>, vector<16xf32>,
        tpu.vector_store %arg12[%parallel_loop3A_665, %parallel_loop3A_666], %parallel_loop3A_664 {strides = array<i32>} : memref<48x480xf32, #tpu.memory_space<vmem>>, vector<16xf32>,
        %parallel_loop3A_668 = arith.select %ge3A_169, %parallel_loop3A_409, %parallel_loop3A_414 : vector<16xi1>, vector<16xf32>
        %parallel_loop3A_669 = arith.constant 0 : i32
        %parallel_loop3A_670 = vector.broadcast %parallel_loop3A_669 : i32 to vector<16xi32>
        %parallel_loop3A_671 = arith.cmpi slt, %and3A_168, %parallel_loop3A_670 : vector<16xi32>
        %parallel_loop3A_672 = arith.constant 16 : i32
        %parallel_loop3A_673 = vector.broadcast %parallel_loop3A_672 : i32 to vector<16xi32>
        %parallel_loop3A_674 = arith.addi %and3A_168, %parallel_loop3A_673 : vector<16xi32>
        %parallel_loop3A_675 = arith.select %parallel_loop3A_671, %parallel_loop3A_674, %and3A_168 : vector<16xi1>, vector<16xi32>
        %parallel_loop3A_676 = vector.shape_cast %parallel_loop3A_675 : vector<16xi32> to vector<16x1xi32>
        %parallel_loop3A_677 = vector.shape_cast %parallel_loop3A_676 : vector<16x1xi32> to vector<16xi32>
        %parallel_loop3A_678 = tpu.dynamic_gather %parallel_loop3A_668[%parallel_loop3A_677] in [0] : vector<16xf32>, vector<16xi32> -> vector<16xf32>
        %parallel_loop3A_679 = arith.index_cast %parallel_loop3A_344 : i32 to index
        %parallel_loop3A_680 = arith.constant 192 : index
        %parallel_loop3A_681 = tpu.vector_load %arg12[%parallel_loop3A_679, %parallel_loop3A_680] {strides = array<i32>} : memref<48x480xf32, #tpu.memory_space<vmem>>, vector<16xf32>,
        tpu.vector_store %arg12[%parallel_loop3A_679, %parallel_loop3A_680], %parallel_loop3A_678 {strides = array<i32>} : memref<48x480xf32, #tpu.memory_space<vmem>>, vector<16xf32>,
        %parallel_loop3A_682 = arith.select %ge3A_169, %parallel_loop3A_414, %parallel_loop3A_419 : vector<16xi1>, vector<16xf32>
        %parallel_loop3A_683 = arith.constant 0 : i32
        %parallel_loop3A_684 = vector.broadcast %parallel_loop3A_683 : i32 to vector<16xi32>
        %parallel_loop3A_685 = arith.cmpi slt, %and3A_168, %parallel_loop3A_684 : vector<16xi32>
        %parallel_loop3A_686 = arith.constant 16 : i32
        %parallel_loop3A_687 = vector.broadcast %parallel_loop3A_686 : i32 to vector<16xi32>
        %parallel_loop3A_688 = arith.addi %and3A_168, %parallel_loop3A_687 : vector<16xi32>
        %parallel_loop3A_689 = arith.select %parallel_loop3A_685, %parallel_loop3A_688, %and3A_168 : vector<16xi1>, vector<16xi32>
        %parallel_loop3A_690 = vector.shape_cast %parallel_loop3A_689 : vector<16xi32> to vector<16x1xi32>
        %parallel_loop3A_691 = vector.shape_cast %parallel_loop3A_690 : vector<16x1xi32> to vector<16xi32>
        %parallel_loop3A_692 = tpu.dynamic_gather %parallel_loop3A_682[%parallel_loop3A_691] in [0] : vector<16xf32>, vector<16xi32> -> vector<16xf32>
        %parallel_loop3A_693 = arith.index_cast %parallel_loop3A_344 : i32 to index
        %parallel_loop3A_694 = arith.constant 208 : index
        %parallel_loop3A_695 = tpu.vector_load %arg12[%parallel_loop3A_693, %parallel_loop3A_694] {strides = array<i32>} : memref<48x480xf32, #tpu.memory_space<vmem>>, vector<16xf32>,
        tpu.vector_store %arg12[%parallel_loop3A_693, %parallel_loop3A_694], %parallel_loop3A_692 {strides = array<i32>} : memref<48x480xf32, #tpu.memory_space<vmem>>, vector<16xf32>,
        %parallel_loop3A_696 = arith.select %ge3A_169, %parallel_loop3A_419, %parallel_loop3A_424 : vector<16xi1>, vector<16xf32>
        %parallel_loop3A_697 = arith.constant 0 : i32
        %parallel_loop3A_698 = vector.broadcast %parallel_loop3A_697 : i32 to vector<16xi32>
        %parallel_loop3A_699 = arith.cmpi slt, %and3A_168, %parallel_loop3A_698 : vector<16xi32>
        %parallel_loop3A_700 = arith.constant 16 : i32
        %parallel_loop3A_701 = vector.broadcast %parallel_loop3A_700 : i32 to vector<16xi32>
        %parallel_loop3A_702 = arith.addi %and3A_168, %parallel_loop3A_701 : vector<16xi32>
        %parallel_loop3A_703 = arith.select %parallel_loop3A_699, %parallel_loop3A_702, %and3A_168 : vector<16xi1>, vector<16xi32>
        %parallel_loop3A_704 = vector.shape_cast %parallel_loop3A_703 : vector<16xi32> to vector<16x1xi32>
        %parallel_loop3A_705 = vector.shape_cast %parallel_loop3A_704 : vector<16x1xi32> to vector<16xi32>
        %parallel_loop3A_706 = tpu.dynamic_gather %parallel_loop3A_696[%parallel_loop3A_705] in [0] : vector<16xf32>, vector<16xi32> -> vector<16xf32>
        %parallel_loop3A_707 = arith.index_cast %parallel_loop3A_344 : i32 to index
        %parallel_loop3A_708 = arith.constant 224 : index
        %parallel_loop3A_709 = tpu.vector_load %arg12[%parallel_loop3A_707, %parallel_loop3A_708] {strides = array<i32>} : memref<48x480xf32, #tpu.memory_space<vmem>>, vector<16xf32>,
        tpu.vector_store %arg12[%parallel_loop3A_707, %parallel_loop3A_708], %parallel_loop3A_706 {strides = array<i32>} : memref<48x480xf32, #tpu.memory_space<vmem>>, vector<16xf32>,
        %parallel_loop3A_710 = arith.select %ge3A_169, %parallel_loop3A_424, %parallel_loop3A_429 : vector<16xi1>, vector<16xf32>
        %parallel_loop3A_711 = arith.constant 0 : i32
        %parallel_loop3A_712 = vector.broadcast %parallel_loop3A_711 : i32 to vector<16xi32>
        %parallel_loop3A_713 = arith.cmpi slt, %and3A_168, %parallel_loop3A_712 : vector<16xi32>
        %parallel_loop3A_714 = arith.constant 16 : i32
        %parallel_loop3A_715 = vector.broadcast %parallel_loop3A_714 : i32 to vector<16xi32>
        %parallel_loop3A_716 = arith.addi %and3A_168, %parallel_loop3A_715 : vector<16xi32>
        %parallel_loop3A_717 = arith.select %parallel_loop3A_713, %parallel_loop3A_716, %and3A_168 : vector<16xi1>, vector<16xi32>
        %parallel_loop3A_718 = vector.shape_cast %parallel_loop3A_717 : vector<16xi32> to vector<16x1xi32>
        %parallel_loop3A_719 = vector.shape_cast %parallel_loop3A_718 : vector<16x1xi32> to vector<16xi32>
        %parallel_loop3A_720 = tpu.dynamic_gather %parallel_loop3A_710[%parallel_loop3A_719] in [0] : vector<16xf32>, vector<16xi32> -> vector<16xf32>
        %parallel_loop3A_721 = arith.index_cast %parallel_loop3A_344 : i32 to index
        %parallel_loop3A_722 = arith.constant 240 : index
        %parallel_loop3A_723 = tpu.vector_load %arg12[%parallel_loop3A_721, %parallel_loop3A_722] {strides = array<i32>} : memref<48x480xf32, #tpu.memory_space<vmem>>, vector<16xf32>,
        tpu.vector_store %arg12[%parallel_loop3A_721, %parallel_loop3A_722], %parallel_loop3A_720 {strides = array<i32>} : memref<48x480xf32, #tpu.memory_space<vmem>>, vector<16xf32>,
        %parallel_loop3A_724 = arith.select %ge3A_169, %parallel_loop3A_429, %parallel_loop3A_434 : vector<16xi1>, vector<16xf32>
        %parallel_loop3A_725 = arith.constant 0 : i32
        %parallel_loop3A_726 = vector.broadcast %parallel_loop3A_725 : i32 to vector<16xi32>
        %parallel_loop3A_727 = arith.cmpi slt, %and3A_168, %parallel_loop3A_726 : vector<16xi32>
        %parallel_loop3A_728 = arith.constant 16 : i32
        %parallel_loop3A_729 = vector.broadcast %parallel_loop3A_728 : i32 to vector<16xi32>
        %parallel_loop3A_730 = arith.addi %and3A_168, %parallel_loop3A_729 : vector<16xi32>
        %parallel_loop3A_731 = arith.select %parallel_loop3A_727, %parallel_loop3A_730, %and3A_168 : vector<16xi1>, vector<16xi32>
        %parallel_loop3A_732 = vector.shape_cast %parallel_loop3A_731 : vector<16xi32> to vector<16x1xi32>
        %parallel_loop3A_733 = vector.shape_cast %parallel_loop3A_732 : vector<16x1xi32> to vector<16xi32>
        %parallel_loop3A_734 = tpu.dynamic_gather %parallel_loop3A_724[%parallel_loop3A_733] in [0] : vector<16xf32>, vector<16xi32> -> vector<16xf32>
        %parallel_loop3A_735 = arith.index_cast %parallel_loop3A_344 : i32 to index
        %parallel_loop3A_736 = arith.constant 256 : index
        %parallel_loop3A_737 = tpu.vector_load %arg12[%parallel_loop3A_735, %parallel_loop3A_736] {strides = array<i32>} : memref<48x480xf32, #tpu.memory_space<vmem>>, vector<16xf32>,
        tpu.vector_store %arg12[%parallel_loop3A_735, %parallel_loop3A_736], %parallel_loop3A_734 {strides = array<i32>} : memref<48x480xf32, #tpu.memory_space<vmem>>, vector<16xf32>,
        %parallel_loop3A_738 = arith.select %ge3A_169, %parallel_loop3A_434, %parallel_loop3A_439 : vector<16xi1>, vector<16xf32>
        %parallel_loop3A_739 = arith.constant 0 : i32
        %parallel_loop3A_740 = vector.broadcast %parallel_loop3A_739 : i32 to vector<16xi32>
        %parallel_loop3A_741 = arith.cmpi slt, %and3A_168, %parallel_loop3A_740 : vector<16xi32>
        %parallel_loop3A_742 = arith.constant 16 : i32
        %parallel_loop3A_743 = vector.broadcast %parallel_loop3A_742 : i32 to vector<16xi32>
        %parallel_loop3A_744 = arith.addi %and3A_168, %parallel_loop3A_743 : vector<16xi32>
        %parallel_loop3A_745 = arith.select %parallel_loop3A_741, %parallel_loop3A_744, %and3A_168 : vector<16xi1>, vector<16xi32>
        %parallel_loop3A_746 = vector.shape_cast %parallel_loop3A_745 : vector<16xi32> to vector<16x1xi32>
        %parallel_loop3A_747 = vector.shape_cast %parallel_loop3A_746 : vector<16x1xi32> to vector<16xi32>
        %parallel_loop3A_748 = tpu.dynamic_gather %parallel_loop3A_738[%parallel_loop3A_747] in [0] : vector<16xf32>, vector<16xi32> -> vector<16xf32>
        %parallel_loop3A_749 = arith.index_cast %parallel_loop3A_344 : i32 to index
        %parallel_loop3A_750 = arith.constant 272 : index
        %parallel_loop3A_751 = tpu.vector_load %arg12[%parallel_loop3A_749, %parallel_loop3A_750] {strides = array<i32>} : memref<48x480xf32, #tpu.memory_space<vmem>>, vector<16xf32>,
        tpu.vector_store %arg12[%parallel_loop3A_749, %parallel_loop3A_750], %parallel_loop3A_748 {strides = array<i32>} : memref<48x480xf32, #tpu.memory_space<vmem>>, vector<16xf32>,
        %parallel_loop3A_752 = arith.select %ge3A_169, %parallel_loop3A_439, %parallel_loop3A_444 : vector<16xi1>, vector<16xf32>
        %parallel_loop3A_753 = arith.constant 0 : i32
        %parallel_loop3A_754 = vector.broadcast %parallel_loop3A_753 : i32 to vector<16xi32>
        %parallel_loop3A_755 = arith.cmpi slt, %and3A_168, %parallel_loop3A_754 : vector<16xi32>
        %parallel_loop3A_756 = arith.constant 16 : i32
        %parallel_loop3A_757 = vector.broadcast %parallel_loop3A_756 : i32 to vector<16xi32>
        %parallel_loop3A_758 = arith.addi %and3A_168, %parallel_loop3A_757 : vector<16xi32>
        %parallel_loop3A_759 = arith.select %parallel_loop3A_755, %parallel_loop3A_758, %and3A_168 : vector<16xi1>, vector<16xi32>
        %parallel_loop3A_760 = vector.shape_cast %parallel_loop3A_759 : vector<16xi32> to vector<16x1xi32>
        %parallel_loop3A_761 = vector.shape_cast %parallel_loop3A_760 : vector<16x1xi32> to vector<16xi32>
        %parallel_loop3A_762 = tpu.dynamic_gather %parallel_loop3A_752[%parallel_loop3A_761] in [0] : vector<16xf32>, vector<16xi32> -> vector<16xf32>
        %parallel_loop3A_763 = arith.index_cast %parallel_loop3A_344 : i32 to index
        %parallel_loop3A_764 = arith.constant 288 : index
        %parallel_loop3A_765 = tpu.vector_load %arg12[%parallel_loop3A_763, %parallel_loop3A_764] {strides = array<i32>} : memref<48x480xf32, #tpu.memory_space<vmem>>, vector<16xf32>,
        tpu.vector_store %arg12[%parallel_loop3A_763, %parallel_loop3A_764], %parallel_loop3A_762 {strides = array<i32>} : memref<48x480xf32, #tpu.memory_space<vmem>>, vector<16xf32>,
        %parallel_loop3A_766 = arith.select %ge3A_169, %parallel_loop3A_444, %parallel_loop3A_449 : vector<16xi1>, vector<16xf32>
        %parallel_loop3A_767 = arith.constant 0 : i32
        %parallel_loop3A_768 = vector.broadcast %parallel_loop3A_767 : i32 to vector<16xi32>
        %parallel_loop3A_769 = arith.cmpi slt, %and3A_168, %parallel_loop3A_768 : vector<16xi32>
        %parallel_loop3A_770 = arith.constant 16 : i32
        %parallel_loop3A_771 = vector.broadcast %parallel_loop3A_770 : i32 to vector<16xi32>
        %parallel_loop3A_772 = arith.addi %and3A_168, %parallel_loop3A_771 : vector<16xi32>
        %parallel_loop3A_773 = arith.select %parallel_loop3A_769, %parallel_loop3A_772, %and3A_168 : vector<16xi1>, vector<16xi32>
        %parallel_loop3A_774 = vector.shape_cast %parallel_loop3A_773 : vector<16xi32> to vector<16x1xi32>
        %parallel_loop3A_775 = vector.shape_cast %parallel_loop3A_774 : vector<16x1xi32> to vector<16xi32>
        %parallel_loop3A_776 = tpu.dynamic_gather %parallel_loop3A_766[%parallel_loop3A_775] in [0] : vector<16xf32>, vector<16xi32> -> vector<16xf32>
        %parallel_loop3A_777 = arith.index_cast %parallel_loop3A_344 : i32 to index
        %parallel_loop3A_778 = arith.constant 304 : index
        %parallel_loop3A_779 = tpu.vector_load %arg12[%parallel_loop3A_777, %parallel_loop3A_778] {strides = array<i32>} : memref<48x480xf32, #tpu.memory_space<vmem>>, vector<16xf32>,
        tpu.vector_store %arg12[%parallel_loop3A_777, %parallel_loop3A_778], %parallel_loop3A_776 {strides = array<i32>} : memref<48x480xf32, #tpu.memory_space<vmem>>, vector<16xf32>,
        %parallel_loop3A_780 = arith.select %ge3A_169, %parallel_loop3A_449, %parallel_loop3A_454 : vector<16xi1>, vector<16xf32>
        %parallel_loop3A_781 = arith.constant 0 : i32
        %parallel_loop3A_782 = vector.broadcast %parallel_loop3A_781 : i32 to vector<16xi32>
        %parallel_loop3A_783 = arith.cmpi slt, %and3A_168, %parallel_loop3A_782 : vector<16xi32>
        %parallel_loop3A_784 = arith.constant 16 : i32
        %parallel_loop3A_785 = vector.broadcast %parallel_loop3A_784 : i32 to vector<16xi32>
        %parallel_loop3A_786 = arith.addi %and3A_168, %parallel_loop3A_785 : vector<16xi32>
        %parallel_loop3A_787 = arith.select %parallel_loop3A_783, %parallel_loop3A_786, %and3A_168 : vector<16xi1>, vector<16xi32>
        %parallel_loop3A_788 = vector.shape_cast %parallel_loop3A_787 : vector<16xi32> to vector<16x1xi32>
        %parallel_loop3A_789 = vector.shape_cast %parallel_loop3A_788 : vector<16x1xi32> to vector<16xi32>
        %parallel_loop3A_790 = tpu.dynamic_gather %parallel_loop3A_780[%parallel_loop3A_789] in [0] : vector<16xf32>, vector<16xi32> -> vector<16xf32>
        %parallel_loop3A_791 = arith.index_cast %parallel_loop3A_344 : i32 to index
        %parallel_loop3A_792 = arith.constant 320 : index
        %parallel_loop3A_793 = tpu.vector_load %arg12[%parallel_loop3A_791, %parallel_loop3A_792] {strides = array<i32>} : memref<48x480xf32, #tpu.memory_space<vmem>>, vector<16xf32>,
        tpu.vector_store %arg12[%parallel_loop3A_791, %parallel_loop3A_792], %parallel_loop3A_790 {strides = array<i32>} : memref<48x480xf32, #tpu.memory_space<vmem>>, vector<16xf32>,
        %parallel_loop3A_794 = arith.select %ge3A_169, %parallel_loop3A_454, %parallel_loop3A_459 : vector<16xi1>, vector<16xf32>
        %parallel_loop3A_795 = arith.constant 0 : i32
        %parallel_loop3A_796 = vector.broadcast %parallel_loop3A_795 : i32 to vector<16xi32>
        %parallel_loop3A_797 = arith.cmpi slt, %and3A_168, %parallel_loop3A_796 : vector<16xi32>
        %parallel_loop3A_798 = arith.constant 16 : i32
        %parallel_loop3A_799 = vector.broadcast %parallel_loop3A_798 : i32 to vector<16xi32>
        %parallel_loop3A_800 = arith.addi %and3A_168, %parallel_loop3A_799 : vector<16xi32>
        %parallel_loop3A_801 = arith.select %parallel_loop3A_797, %parallel_loop3A_800, %and3A_168 : vector<16xi1>, vector<16xi32>
        %parallel_loop3A_802 = vector.shape_cast %parallel_loop3A_801 : vector<16xi32> to vector<16x1xi32>
        %parallel_loop3A_803 = vector.shape_cast %parallel_loop3A_802 : vector<16x1xi32> to vector<16xi32>
        %parallel_loop3A_804 = tpu.dynamic_gather %parallel_loop3A_794[%parallel_loop3A_803] in [0] : vector<16xf32>, vector<16xi32> -> vector<16xf32>
        %parallel_loop3A_805 = arith.index_cast %parallel_loop3A_344 : i32 to index
        %parallel_loop3A_806 = arith.constant 336 : index
        %parallel_loop3A_807 = tpu.vector_load %arg12[%parallel_loop3A_805, %parallel_loop3A_806] {strides = array<i32>} : memref<48x480xf32, #tpu.memory_space<vmem>>, vector<16xf32>,
        tpu.vector_store %arg12[%parallel_loop3A_805, %parallel_loop3A_806], %parallel_loop3A_804 {strides = array<i32>} : memref<48x480xf32, #tpu.memory_space<vmem>>, vector<16xf32>,
        %parallel_loop3A_808 = arith.select %ge3A_169, %parallel_loop3A_459, %parallel_loop3A_464 : vector<16xi1>, vector<16xf32>
        %parallel_loop3A_809 = arith.constant 0 : i32
        %parallel_loop3A_810 = vector.broadcast %parallel_loop3A_809 : i32 to vector<16xi32>
        %parallel_loop3A_811 = arith.cmpi slt, %and3A_168, %parallel_loop3A_810 : vector<16xi32>
        %parallel_loop3A_812 = arith.constant 16 : i32
        %parallel_loop3A_813 = vector.broadcast %parallel_loop3A_812 : i32 to vector<16xi32>
        %parallel_loop3A_814 = arith.addi %and3A_168, %parallel_loop3A_813 : vector<16xi32>
        %parallel_loop3A_815 = arith.select %parallel_loop3A_811, %parallel_loop3A_814, %and3A_168 : vector<16xi1>, vector<16xi32>
        %parallel_loop3A_816 = vector.shape_cast %parallel_loop3A_815 : vector<16xi32> to vector<16x1xi32>
        %parallel_loop3A_817 = vector.shape_cast %parallel_loop3A_816 : vector<16x1xi32> to vector<16xi32>
        %parallel_loop3A_818 = tpu.dynamic_gather %parallel_loop3A_808[%parallel_loop3A_817] in [0] : vector<16xf32>, vector<16xi32> -> vector<16xf32>
        %parallel_loop3A_819 = arith.index_cast %parallel_loop3A_344 : i32 to index
        %parallel_loop3A_820 = arith.constant 352 : index
        %parallel_loop3A_821 = tpu.vector_load %arg12[%parallel_loop3A_819, %parallel_loop3A_820] {strides = array<i32>} : memref<48x480xf32, #tpu.memory_space<vmem>>, vector<16xf32>,
        tpu.vector_store %arg12[%parallel_loop3A_819, %parallel_loop3A_820], %parallel_loop3A_818 {strides = array<i32>} : memref<48x480xf32, #tpu.memory_space<vmem>>, vector<16xf32>,
        %parallel_loop3A_822 = arith.select %ge3A_169, %parallel_loop3A_464, %parallel_loop3A_469 : vector<16xi1>, vector<16xf32>
        %parallel_loop3A_823 = arith.constant 0 : i32
        %parallel_loop3A_824 = vector.broadcast %parallel_loop3A_823 : i32 to vector<16xi32>
        %parallel_loop3A_825 = arith.cmpi slt, %and3A_168, %parallel_loop3A_824 : vector<16xi32>
        %parallel_loop3A_826 = arith.constant 16 : i32
        %parallel_loop3A_827 = vector.broadcast %parallel_loop3A_826 : i32 to vector<16xi32>
        %parallel_loop3A_828 = arith.addi %and3A_168, %parallel_loop3A_827 : vector<16xi32>
        %parallel_loop3A_829 = arith.select %parallel_loop3A_825, %parallel_loop3A_828, %and3A_168 : vector<16xi1>, vector<16xi32>
        %parallel_loop3A_830 = vector.shape_cast %parallel_loop3A_829 : vector<16xi32> to vector<16x1xi32>
        %parallel_loop3A_831 = vector.shape_cast %parallel_loop3A_830 : vector<16x1xi32> to vector<16xi32>
        %parallel_loop3A_832 = tpu.dynamic_gather %parallel_loop3A_822[%parallel_loop3A_831] in [0] : vector<16xf32>, vector<16xi32> -> vector<16xf32>
        %parallel_loop3A_833 = arith.index_cast %parallel_loop3A_344 : i32 to index
        %parallel_loop3A_834 = arith.constant 368 : index
        %parallel_loop3A_835 = tpu.vector_load %arg12[%parallel_loop3A_833, %parallel_loop3A_834] {strides = array<i32>} : memref<48x480xf32, #tpu.memory_space<vmem>>, vector<16xf32>,
        tpu.vector_store %arg12[%parallel_loop3A_833, %parallel_loop3A_834], %parallel_loop3A_832 {strides = array<i32>} : memref<48x480xf32, #tpu.memory_space<vmem>>, vector<16xf32>,
        %parallel_loop3A_836 = arith.select %ge3A_169, %parallel_loop3A_469, %parallel_loop3A_474 : vector<16xi1>, vector<16xf32>
        %parallel_loop3A_837 = arith.constant 0 : i32
        %parallel_loop3A_838 = vector.broadcast %parallel_loop3A_837 : i32 to vector<16xi32>
        %parallel_loop3A_839 = arith.cmpi slt, %and3A_168, %parallel_loop3A_838 : vector<16xi32>
        %parallel_loop3A_840 = arith.constant 16 : i32
        %parallel_loop3A_841 = vector.broadcast %parallel_loop3A_840 : i32 to vector<16xi32>
        %parallel_loop3A_842 = arith.addi %and3A_168, %parallel_loop3A_841 : vector<16xi32>
        %parallel_loop3A_843 = arith.select %parallel_loop3A_839, %parallel_loop3A_842, %and3A_168 : vector<16xi1>, vector<16xi32>
        %parallel_loop3A_844 = vector.shape_cast %parallel_loop3A_843 : vector<16xi32> to vector<16x1xi32>
        %parallel_loop3A_845 = vector.shape_cast %parallel_loop3A_844 : vector<16x1xi32> to vector<16xi32>
        %parallel_loop3A_846 = tpu.dynamic_gather %parallel_loop3A_836[%parallel_loop3A_845] in [0] : vector<16xf32>, vector<16xi32> -> vector<16xf32>
        %parallel_loop3A_847 = arith.index_cast %parallel_loop3A_344 : i32 to index
        %parallel_loop3A_848 = arith.constant 384 : index
        %parallel_loop3A_849 = tpu.vector_load %arg12[%parallel_loop3A_847, %parallel_loop3A_848] {strides = array<i32>} : memref<48x480xf32, #tpu.memory_space<vmem>>, vector<16xf32>,
        tpu.vector_store %arg12[%parallel_loop3A_847, %parallel_loop3A_848], %parallel_loop3A_846 {strides = array<i32>} : memref<48x480xf32, #tpu.memory_space<vmem>>, vector<16xf32>,
        %parallel_loop3A_850 = arith.select %ge3A_169, %parallel_loop3A_474, %parallel_loop3A_479 : vector<16xi1>, vector<16xf32>
        %parallel_loop3A_851 = arith.constant 0 : i32
        %parallel_loop3A_852 = vector.broadcast %parallel_loop3A_851 : i32 to vector<16xi32>
        %parallel_loop3A_853 = arith.cmpi slt, %and3A_168, %parallel_loop3A_852 : vector<16xi32>
        %parallel_loop3A_854 = arith.constant 16 : i32
        %parallel_loop3A_855 = vector.broadcast %parallel_loop3A_854 : i32 to vector<16xi32>
        %parallel_loop3A_856 = arith.addi %and3A_168, %parallel_loop3A_855 : vector<16xi32>
        %parallel_loop3A_857 = arith.select %parallel_loop3A_853, %parallel_loop3A_856, %and3A_168 : vector<16xi1>, vector<16xi32>
        %parallel_loop3A_858 = vector.shape_cast %parallel_loop3A_857 : vector<16xi32> to vector<16x1xi32>
        %parallel_loop3A_859 = vector.shape_cast %parallel_loop3A_858 : vector<16x1xi32> to vector<16xi32>
        %parallel_loop3A_860 = tpu.dynamic_gather %parallel_loop3A_850[%parallel_loop3A_859] in [0] : vector<16xf32>, vector<16xi32> -> vector<16xf32>
        %parallel_loop3A_861 = arith.index_cast %parallel_loop3A_344 : i32 to index
        %parallel_loop3A_862 = arith.constant 400 : index
        %parallel_loop3A_863 = tpu.vector_load %arg12[%parallel_loop3A_861, %parallel_loop3A_862] {strides = array<i32>} : memref<48x480xf32, #tpu.memory_space<vmem>>, vector<16xf32>,
        tpu.vector_store %arg12[%parallel_loop3A_861, %parallel_loop3A_862], %parallel_loop3A_860 {strides = array<i32>} : memref<48x480xf32, #tpu.memory_space<vmem>>, vector<16xf32>,
        %parallel_loop3A_864 = arith.select %ge3A_169, %parallel_loop3A_479, %parallel_loop3A_484 : vector<16xi1>, vector<16xf32>
        %parallel_loop3A_865 = arith.constant 0 : i32
        %parallel_loop3A_866 = vector.broadcast %parallel_loop3A_865 : i32 to vector<16xi32>
        %parallel_loop3A_867 = arith.cmpi slt, %and3A_168, %parallel_loop3A_866 : vector<16xi32>
        %parallel_loop3A_868 = arith.constant 16 : i32
        %parallel_loop3A_869 = vector.broadcast %parallel_loop3A_868 : i32 to vector<16xi32>
        %parallel_loop3A_870 = arith.addi %and3A_168, %parallel_loop3A_869 : vector<16xi32>
        %parallel_loop3A_871 = arith.select %parallel_loop3A_867, %parallel_loop3A_870, %and3A_168 : vector<16xi1>, vector<16xi32>
        %parallel_loop3A_872 = vector.shape_cast %parallel_loop3A_871 : vector<16xi32> to vector<16x1xi32>
        %parallel_loop3A_873 = vector.shape_cast %parallel_loop3A_872 : vector<16x1xi32> to vector<16xi32>
        %parallel_loop3A_874 = tpu.dynamic_gather %parallel_loop3A_864[%parallel_loop3A_873] in [0] : vector<16xf32>, vector<16xi32> -> vector<16xf32>
        %parallel_loop3A_875 = arith.index_cast %parallel_loop3A_344 : i32 to index
        %parallel_loop3A_876 = arith.constant 416 : index
        %parallel_loop3A_877 = tpu.vector_load %arg12[%parallel_loop3A_875, %parallel_loop3A_876] {strides = array<i32>} : memref<48x480xf32, #tpu.memory_space<vmem>>, vector<16xf32>,
        tpu.vector_store %arg12[%parallel_loop3A_875, %parallel_loop3A_876], %parallel_loop3A_874 {strides = array<i32>} : memref<48x480xf32, #tpu.memory_space<vmem>>, vector<16xf32>,
        %parallel_loop3A_878 = arith.select %ge3A_169, %parallel_loop3A_484, %parallel_loop3A_489 : vector<16xi1>, vector<16xf32>
        %parallel_loop3A_879 = arith.constant 0 : i32
        %parallel_loop3A_880 = vector.broadcast %parallel_loop3A_879 : i32 to vector<16xi32>
        %parallel_loop3A_881 = arith.cmpi slt, %and3A_168, %parallel_loop3A_880 : vector<16xi32>
        %parallel_loop3A_882 = arith.constant 16 : i32
        %parallel_loop3A_883 = vector.broadcast %parallel_loop3A_882 : i32 to vector<16xi32>
        %parallel_loop3A_884 = arith.addi %and3A_168, %parallel_loop3A_883 : vector<16xi32>
        %parallel_loop3A_885 = arith.select %parallel_loop3A_881, %parallel_loop3A_884, %and3A_168 : vector<16xi1>, vector<16xi32>
        %parallel_loop3A_886 = vector.shape_cast %parallel_loop3A_885 : vector<16xi32> to vector<16x1xi32>
        %parallel_loop3A_887 = vector.shape_cast %parallel_loop3A_886 : vector<16x1xi32> to vector<16xi32>
        %parallel_loop3A_888 = tpu.dynamic_gather %parallel_loop3A_878[%parallel_loop3A_887] in [0] : vector<16xf32>, vector<16xi32> -> vector<16xf32>
        %parallel_loop3A_889 = arith.index_cast %parallel_loop3A_344 : i32 to index
        %parallel_loop3A_890 = arith.constant 432 : index
        %parallel_loop3A_891 = tpu.vector_load %arg12[%parallel_loop3A_889, %parallel_loop3A_890] {strides = array<i32>} : memref<48x480xf32, #tpu.memory_space<vmem>>, vector<16xf32>,
        tpu.vector_store %arg12[%parallel_loop3A_889, %parallel_loop3A_890], %parallel_loop3A_888 {strides = array<i32>} : memref<48x480xf32, #tpu.memory_space<vmem>>, vector<16xf32>,
        %parallel_loop3A_892 = arith.select %ge3A_169, %parallel_loop3A_489, %parallel_loop3A_494 : vector<16xi1>, vector<16xf32>
        %parallel_loop3A_893 = arith.constant 0 : i32
        %parallel_loop3A_894 = vector.broadcast %parallel_loop3A_893 : i32 to vector<16xi32>
        %parallel_loop3A_895 = arith.cmpi slt, %and3A_168, %parallel_loop3A_894 : vector<16xi32>
        %parallel_loop3A_896 = arith.constant 16 : i32
        %parallel_loop3A_897 = vector.broadcast %parallel_loop3A_896 : i32 to vector<16xi32>
        %parallel_loop3A_898 = arith.addi %and3A_168, %parallel_loop3A_897 : vector<16xi32>
        %parallel_loop3A_899 = arith.select %parallel_loop3A_895, %parallel_loop3A_898, %and3A_168 : vector<16xi1>, vector<16xi32>
        %parallel_loop3A_900 = vector.shape_cast %parallel_loop3A_899 : vector<16xi32> to vector<16x1xi32>
        %parallel_loop3A_901 = vector.shape_cast %parallel_loop3A_900 : vector<16x1xi32> to vector<16xi32>
        %parallel_loop3A_902 = tpu.dynamic_gather %parallel_loop3A_892[%parallel_loop3A_901] in [0] : vector<16xf32>, vector<16xi32> -> vector<16xf32>
        %parallel_loop3A_903 = arith.index_cast %parallel_loop3A_344 : i32 to index
        %parallel_loop3A_904 = arith.constant 448 : index
        %parallel_loop3A_905 = tpu.vector_load %arg12[%parallel_loop3A_903, %parallel_loop3A_904] {strides = array<i32>} : memref<48x480xf32, #tpu.memory_space<vmem>>, vector<16xf32>,
        tpu.vector_store %arg12[%parallel_loop3A_903, %parallel_loop3A_904], %parallel_loop3A_902 {strides = array<i32>} : memref<48x480xf32, #tpu.memory_space<vmem>>, vector<16xf32>,
        %parallel_loop3A_906 = arith.select %ge3A_169, %parallel_loop3A_494, %parallel_loop3A_499 : vector<16xi1>, vector<16xf32>
        %parallel_loop3A_907 = arith.constant 0 : i32
        %parallel_loop3A_908 = vector.broadcast %parallel_loop3A_907 : i32 to vector<16xi32>
        %parallel_loop3A_909 = arith.cmpi slt, %and3A_168, %parallel_loop3A_908 : vector<16xi32>
        %parallel_loop3A_910 = arith.constant 16 : i32
        %parallel_loop3A_911 = vector.broadcast %parallel_loop3A_910 : i32 to vector<16xi32>
        %parallel_loop3A_912 = arith.addi %and3A_168, %parallel_loop3A_911 : vector<16xi32>
        %parallel_loop3A_913 = arith.select %parallel_loop3A_909, %parallel_loop3A_912, %and3A_168 : vector<16xi1>, vector<16xi32>
        %parallel_loop3A_914 = vector.shape_cast %parallel_loop3A_913 : vector<16xi32> to vector<16x1xi32>
        %parallel_loop3A_915 = vector.shape_cast %parallel_loop3A_914 : vector<16x1xi32> to vector<16xi32>
        %parallel_loop3A_916 = tpu.dynamic_gather %parallel_loop3A_906[%parallel_loop3A_915] in [0] : vector<16xf32>, vector<16xi32> -> vector<16xf32>
        %parallel_loop3A_917 = arith.index_cast %parallel_loop3A_344 : i32 to index
        %parallel_loop3A_918 = arith.constant 464 : index
        %parallel_loop3A_919 = tpu.vector_load %arg12[%parallel_loop3A_917, %parallel_loop3A_918] {strides = array<i32>} : memref<48x480xf32, #tpu.memory_space<vmem>>, vector<16xf32>,
        tpu.vector_store %arg12[%parallel_loop3A_917, %parallel_loop3A_918], %parallel_loop3A_916 {strides = array<i32>} : memref<48x480xf32, #tpu.memory_space<vmem>>, vector<16xf32>,
      } {sc.loop_unroll_factor = 4 : i64, sc.parallel_access}
      %jit3A_172 = arith.constant 10 : i32
      %div3A_173 = arith.divsi %mul3A_54, %jit3A_172 : i32
      %sign3A_174 = arith.constant 0 : i32
      %sign3A_175 = arith.cmpi sgt, %mul3A_54, %sign3A_174 : i32
      %sign3A_176 = arith.extui %sign3A_175 : i1 to i32
      %sign3A_177 = arith.constant 0 : i32
      %sign3A_178 = arith.cmpi slt, %mul3A_54, %sign3A_177 : i32
      %sign3A_179 = arith.extui %sign3A_178 : i1 to i32
      %sign3A_180 = arith.subi %sign3A_176, %sign3A_179 : i32
      %sign3A_181 = arith.constant 0 : i32
      %sign3A_182 = arith.cmpi sgt, %jit3A_172, %sign3A_181 : i32
      %sign3A_183 = arith.extui %sign3A_182 : i1 to i32
      %sign3A_184 = arith.constant 0 : i32
      %sign3A_185 = arith.cmpi slt, %jit3A_172, %sign3A_184 : i32
      %sign3A_186 = arith.extui %sign3A_185 : i1 to i32
      %sign3A_187 = arith.subi %sign3A_183, %sign3A_186 : i32
      %ne3A_188 = arith.cmpi ne, %sign3A_180, %sign3A_187 : i32
      %rem3A_189 = arith.remsi %mul3A_54, %jit3A_172 : i32
      %ne3A_190 = arith.constant 0 : i32
      %ne3A_191 = arith.cmpi ne, %rem3A_189, %ne3A_190 : i32
      %and3A_192 = arith.andi %ne3A_188, %ne3A_191 : i1
      %sub3A_193 = arith.constant 1 : i32
      %sub3A_194 = arith.subi %div3A_173, %sub3A_193 : i32
      %select_n3A_195 = arith.select %and3A_192, %sub3A_194, %div3A_173 : i32
      %jit3A_196 = arith.constant 10 : i32
      %eq3A_197 = arith.constant 0 : i32
      %eq3A_198 = arith.cmpi eq, %jit3A_196, %eq3A_197 : i32
      %jit3A_199 = arith.constant 1 : i32
      %select_n3A_200 = arith.select %eq3A_198, %jit3A_199, %jit3A_196 : i32
      %rem3A_201 = arith.remsi %mul3A_54, %select_n3A_200 : i32
      %ne3A_202 = arith.constant 0 : i32
      %ne3A_203 = arith.cmpi ne, %rem3A_201, %ne3A_202 : i32
      %lt3A_204 = arith.constant 0 : i32
      %lt3A_205 = arith.cmpi slt, %rem3A_201, %lt3A_204 : i32
      %lt3A_206 = arith.constant 0 : i32
      %lt3A_207 = arith.cmpi slt, %select_n3A_200, %lt3A_206 : i32
      %ne3A_208 = arith.xori %lt3A_205, %lt3A_207 : i1
      %and3A_209 = arith.andi %ne3A_208, %ne3A_203 : i1
      %add3A_210 = arith.addi %rem3A_201, %select_n3A_200 : i32
      %select_n3A_211 = arith.select %and3A_209, %add3A_210, %rem3A_201 : i32
      %mul3A_212 = arith.constant 6 : i32
      %mul3A_213 = arith.muli %add3A, %mul3A_212 : i32
      %add3A_214 = arith.addi %mul3A_213, %select_n3A_195 : i32
      %mul3A_215 = arith.constant 480 : i32
      %mul3A_216 = arith.muli %add3A_214, %mul3A_215 : i32
      %mul3A_217 = arith.constant 48 : i32
      %mul3A_218 = arith.muli %select_n3A_211, %mul3A_217 : i32
      %add3A_219 = arith.addi %mul3A_216, %mul3A_218 : i32
      %multiple_of3A_220 = tpu.assume_multiple %add3A_219, 16 : i32
      %dma_start3A_221 = arith.constant 0 : i32
      %dma_start3A_222 = tpu.memref_slice %arg5[%multiple_of3A_220, %dma_start3A_221] : memref<92160x480xf32, #tpu.memory_space<hbm>> -> memref<48x480xf32, #tpu.memory_space<hbm>>
      %dma_start3A_223 = arith.constant 0 : i32
      %dma_start3A_224 = tpu.memref_slice %arg5[%multiple_of3A_220, %dma_start3A_223] : memref<92160x480xf32, #tpu.memory_space<hbm>> -> memref<48x480xf32, #tpu.memory_space<hbm>>
      tpu.enqueue_dma source(%arg12 : memref<48x480xf32, #tpu.memory_space<vmem>>) target(%dma_start3A_224 : memref<48x480xf32, #tpu.memory_space<hbm>>) target_semaphore(%arg16 : memref<!tpu.dma_semaphore, #tpu.memory_space<semaphore_mem>>)
      %lt3A_225 = arith.constant 29 : i32
      %lt3A_226 = arith.cmpi slt, %scan3A_52, %lt3A_225 : i32
      %convert_element_type3A_227 = arith.extui %lt3A_226 : i1 to i32
      %cond3A_228 = arith.constant 0 : i32
      %cond3A_229 = arith.cmpi ne, %convert_element_type3A_227, %cond3A_228 : i32
      scf.if %cond3A_229 {
        %add3A_344 = arith.constant 2 : i32
        %add3A_345 = arith.addi %mul3A_54, %add3A_344 : i32
        %jit3A_346 = arith.constant 10 : i32
        %div3A_347 = arith.divsi %add3A_345, %jit3A_346 : i32
        %sign3A_348 = arith.constant 0 : i32
        %sign3A_349 = arith.cmpi sgt, %add3A_345, %sign3A_348 : i32
        %sign3A_350 = arith.extui %sign3A_349 : i1 to i32
        %sign3A_351 = arith.constant 0 : i32
        %sign3A_352 = arith.cmpi slt, %add3A_345, %sign3A_351 : i32
        %sign3A_353 = arith.extui %sign3A_352 : i1 to i32
        %sign3A_354 = arith.subi %sign3A_350, %sign3A_353 : i32
        %sign3A_355 = arith.constant 0 : i32
        %sign3A_356 = arith.cmpi sgt, %jit3A_346, %sign3A_355 : i32
        %sign3A_357 = arith.extui %sign3A_356 : i1 to i32
        %sign3A_358 = arith.constant 0 : i32
        %sign3A_359 = arith.cmpi slt, %jit3A_346, %sign3A_358 : i32
        %sign3A_360 = arith.extui %sign3A_359 : i1 to i32
        %sign3A_361 = arith.subi %sign3A_357, %sign3A_360 : i32
        %ne3A_362 = arith.cmpi ne, %sign3A_354, %sign3A_361 : i32
        %rem3A_363 = arith.remsi %add3A_345, %jit3A_346 : i32
        %ne3A_364 = arith.constant 0 : i32
        %ne3A_365 = arith.cmpi ne, %rem3A_363, %ne3A_364 : i32
        %and3A_366 = arith.andi %ne3A_362, %ne3A_365 : i1
        %sub3A_367 = arith.constant 1 : i32
        %sub3A_368 = arith.subi %div3A_347, %sub3A_367 : i32
        %select_n3A_369 = arith.select %and3A_366, %sub3A_368, %div3A_347 : i32
        %jit3A_370 = arith.constant 10 : i32
        %eq3A_371 = arith.constant 0 : i32
        %eq3A_372 = arith.cmpi eq, %jit3A_370, %eq3A_371 : i32
        %jit3A_373 = arith.constant 1 : i32
        %select_n3A_374 = arith.select %eq3A_372, %jit3A_373, %jit3A_370 : i32
        %rem3A_375 = arith.remsi %add3A_345, %select_n3A_374 : i32
        %ne3A_376 = arith.constant 0 : i32
        %ne3A_377 = arith.cmpi ne, %rem3A_375, %ne3A_376 : i32
        %lt3A_378 = arith.constant 0 : i32
        %lt3A_379 = arith.cmpi slt, %rem3A_375, %lt3A_378 : i32
        %lt3A_380 = arith.constant 0 : i32
        %lt3A_381 = arith.cmpi slt, %select_n3A_374, %lt3A_380 : i32
        %ne3A_382 = arith.xori %lt3A_379, %lt3A_381 : i1
        %and3A_383 = arith.andi %ne3A_382, %ne3A_377 : i1
        %add3A_384 = arith.addi %rem3A_375, %select_n3A_374 : i32
        %select_n3A_385 = arith.select %and3A_383, %add3A_384, %rem3A_375 : i32
        %get3A_386 = arith.index_cast %select_n3A_369 : i32 to index
        %get3A_387 = arith.constant 0 : index
        %get3A_388 = tpu.vector_load %arg6[%get3A_386, %get3A_387] {strides = array<i32>} : memref<6x16xi32, #tpu.memory_space<vmem>>, vector<16xi32>,
        %mul3A_389 = arith.constant 48 : i32
        %mul3A_390 = arith.muli %select_n3A_385, %mul3A_389 : i32
        %add3A_391 = arith.constant 0 : i32
        %add3A_392 = arith.addi %mul3A_390, %add3A_391 : i32
        %add3A_393 = vector.broadcast %add3A_392 : i32 to vector<16xi32>
        %add3A_394 = arith.addi %get3A_388, %add3A_393 : vector<16xi32>
        %add3A_395 = arith.addi %add3A_394, %iota3A : vector<16xi32>
        %swap3A_396 = arith.constant 0 : index
        %swap3A_397 = tpu.vector_load %arg8[%swap3A_396] {strides = array<i32>} : memref<48xi32, #tpu.memory_space<vmem>>, vector<16xi32>,
        tpu.vector_store %arg8[%swap3A_396], %add3A_395 {strides = array<i32>} : memref<48xi32, #tpu.memory_space<vmem>>, vector<16xi32>,
        %add3A_398 = arith.constant 16 : i32
        %add3A_399 = arith.addi %mul3A_390, %add3A_398 : i32
        %add3A_400 = vector.broadcast %add3A_399 : i32 to vector<16xi32>
        %add3A_401 = arith.addi %get3A_388, %add3A_400 : vector<16xi32>
        %add3A_402 = arith.addi %add3A_401, %iota3A : vector<16xi32>
        %swap3A_403 = arith.constant 16 : index
        %swap3A_404 = tpu.vector_load %arg8[%swap3A_403] {strides = array<i32>} : memref<48xi32, #tpu.memory_space<vmem>>, vector<16xi32>,
        tpu.vector_store %arg8[%swap3A_403], %add3A_402 {strides = array<i32>} : memref<48xi32, #tpu.memory_space<vmem>>, vector<16xi32>,
        %add3A_405 = arith.constant 32 : i32
        %add3A_406 = arith.addi %mul3A_390, %add3A_405 : i32
        %add3A_407 = vector.broadcast %add3A_406 : i32 to vector<16xi32>
        %add3A_408 = arith.addi %get3A_388, %add3A_407 : vector<16xi32>
        %add3A_409 = arith.addi %add3A_408, %iota3A : vector<16xi32>
        %swap3A_410 = arith.constant 32 : index
        %swap3A_411 = tpu.vector_load %arg8[%swap3A_410] {strides = array<i32>} : memref<48xi32, #tpu.memory_space<vmem>>, vector<16xi32>,
        tpu.vector_store %arg8[%swap3A_410], %add3A_409 {strides = array<i32>} : memref<48xi32, #tpu.memory_space<vmem>>, vector<16xi32>,
        %dma_start3A_412 = arith.constant 0 : i32
        %dma_start3A_413 = arith.constant 0 : i32
        %dma_start3A_414 = tpu.memref_slice %arg2[%dma_start3A_412, %dma_start3A_413] : memref<49152x512xf32, #tpu.memory_space<hbm>> -> memref<49152x512xf32, #tpu.memory_space<hbm>>
        tpu.enqueue_indirect_dma source(%dma_start3A_414 : memref<49152x512xf32, #tpu.memory_space<hbm>>) target(%arg10 : memref<48x512xf32, #tpu.memory_space<vmem>>) offsets(%arg8 : memref<48xi32, #tpu.memory_space<vmem>>) semaphore(%arg14 : memref<!tpu.dma_semaphore, #tpu.memory_space<semaphore_mem>>)
      } else {
      }
      %dma_wait3A_230 = arith.constant 0 : i32
      %dma_wait3A_231 = arith.constant 0 : i32
      %dma_wait3A_232 = tpu.memref_slice %arg2[%dma_wait3A_230, %dma_wait3A_231] : memref<49152x512xf32, #tpu.memory_space<hbm>> -> memref<49152x512xf32, #tpu.memory_space<hbm>>
      tpu.wait_indirect_dma semaphore(%arg15 : memref<!tpu.dma_semaphore, #tpu.memory_space<semaphore_mem>>) src(%dma_wait3A_232 : memref<49152x512xf32, #tpu.memory_space<hbm>>) dst(%arg11 : memref<48x512xf32, #tpu.memory_space<vmem>>)
      %ge3A_233 = arith.constant 1 : i32
      %ge3A_234 = arith.cmpi sge, %scan3A_52, %ge3A_233 : i32
      %convert_element_type3A_235 = arith.extui %ge3A_234 : i1 to i32
      %cond3A_236 = arith.constant 0 : i32
      %cond3A_237 = arith.cmpi ne, %convert_element_type3A_235, %cond3A_236 : i32
      scf.if %cond3A_237 {
        %jit3A_344 = arith.constant 10 : i32
        %div3A_345 = arith.divsi %add3A_56, %jit3A_344 : i32
        %sign3A_346 = arith.constant 0 : i32
        %sign3A_347 = arith.cmpi sgt, %add3A_56, %sign3A_346 : i32
        %sign3A_348 = arith.extui %sign3A_347 : i1 to i32
        %sign3A_349 = arith.constant 0 : i32
        %sign3A_350 = arith.cmpi slt, %add3A_56, %sign3A_349 : i32
        %sign3A_351 = arith.extui %sign3A_350 : i1 to i32
        %sign3A_352 = arith.subi %sign3A_348, %sign3A_351 : i32
        %sign3A_353 = arith.constant 0 : i32
        %sign3A_354 = arith.cmpi sgt, %jit3A_344, %sign3A_353 : i32
        %sign3A_355 = arith.extui %sign3A_354 : i1 to i32
        %sign3A_356 = arith.constant 0 : i32
        %sign3A_357 = arith.cmpi slt, %jit3A_344, %sign3A_356 : i32
        %sign3A_358 = arith.extui %sign3A_357 : i1 to i32
        %sign3A_359 = arith.subi %sign3A_355, %sign3A_358 : i32
        %ne3A_360 = arith.cmpi ne, %sign3A_352, %sign3A_359 : i32
        %rem3A_361 = arith.remsi %add3A_56, %jit3A_344 : i32
        %ne3A_362 = arith.constant 0 : i32
        %ne3A_363 = arith.cmpi ne, %rem3A_361, %ne3A_362 : i32
        %and3A_364 = arith.andi %ne3A_360, %ne3A_363 : i1
        %sub3A_365 = arith.constant 1 : i32
        %sub3A_366 = arith.subi %div3A_345, %sub3A_365 : i32
        %select_n3A_367 = arith.select %and3A_364, %sub3A_366, %div3A_345 : i32
        %jit3A_368 = arith.constant 10 : i32
        %eq3A_369 = arith.constant 0 : i32
        %eq3A_370 = arith.cmpi eq, %jit3A_368, %eq3A_369 : i32
        %jit3A_371 = arith.constant 1 : i32
        %select_n3A_372 = arith.select %eq3A_370, %jit3A_371, %jit3A_368 : i32
        %rem3A_373 = arith.remsi %add3A_56, %select_n3A_372 : i32
        %ne3A_374 = arith.constant 0 : i32
        %ne3A_375 = arith.cmpi ne, %rem3A_373, %ne3A_374 : i32
        %lt3A_376 = arith.constant 0 : i32
        %lt3A_377 = arith.cmpi slt, %rem3A_373, %lt3A_376 : i32
        %lt3A_378 = arith.constant 0 : i32
        %lt3A_379 = arith.cmpi slt, %select_n3A_372, %lt3A_378 : i32
        %ne3A_380 = arith.xori %lt3A_377, %lt3A_379 : i1
        %and3A_381 = arith.andi %ne3A_380, %ne3A_375 : i1
        %add3A_382 = arith.addi %rem3A_373, %select_n3A_372 : i32
        %select_n3A_383 = arith.select %and3A_381, %add3A_382, %rem3A_373 : i32
        %mul3A_384 = arith.constant 6 : i32
        %mul3A_385 = arith.muli %add3A, %mul3A_384 : i32
        %add3A_386 = arith.addi %mul3A_385, %select_n3A_367 : i32
        %mul3A_387 = arith.constant 480 : i32
        %mul3A_388 = arith.muli %add3A_386, %mul3A_387 : i32
        %mul3A_389 = arith.constant 48 : i32
        %mul3A_390 = arith.muli %select_n3A_383, %mul3A_389 : i32
        %add3A_391 = arith.addi %mul3A_388, %mul3A_390 : i32
        %multiple_of3A_392 = tpu.assume_multiple %add3A_391, 16 : i32
        %dma_wait3A_393 = arith.constant 0 : i32
        %dma_wait3A_394 = tpu.memref_slice %arg5[%multiple_of3A_392, %dma_wait3A_393] : memref<92160x480xf32, #tpu.memory_space<hbm>> -> memref<48x480xf32, #tpu.memory_space<hbm>>
        %dma_wait3A_395 = arith.constant 0 : i32
        %dma_wait3A_396 = tpu.memref_slice %arg5[%multiple_of3A_392, %dma_wait3A_395] : memref<92160x480xf32, #tpu.memory_space<hbm>> -> memref<48x480xf32, #tpu.memory_space<hbm>>
        tpu.wait_dma2 semaphore(%arg17 : memref<!tpu.dma_semaphore, #tpu.memory_space<semaphore_mem>>) src(%arg13 : memref<48x480xf32, #tpu.memory_space<vmem>>) dst(%dma_wait3A_396 : memref<48x480xf32, #tpu.memory_space<hbm>>)
      } else {
      }
      %jit3A_238 = arith.constant 10 : i32
      %div3A_239 = arith.divsi %add3A_56, %jit3A_238 : i32
      %sign3A_240 = arith.constant 0 : i32
      %sign3A_241 = arith.cmpi sgt, %add3A_56, %sign3A_240 : i32
      %sign3A_242 = arith.extui %sign3A_241 : i1 to i32
      %sign3A_243 = arith.constant 0 : i32
      %sign3A_244 = arith.cmpi slt, %add3A_56, %sign3A_243 : i32
      %sign3A_245 = arith.extui %sign3A_244 : i1 to i32
      %sign3A_246 = arith.subi %sign3A_242, %sign3A_245 : i32
      %sign3A_247 = arith.constant 0 : i32
      %sign3A_248 = arith.cmpi sgt, %jit3A_238, %sign3A_247 : i32
      %sign3A_249 = arith.extui %sign3A_248 : i1 to i32
      %sign3A_250 = arith.constant 0 : i32
      %sign3A_251 = arith.cmpi slt, %jit3A_238, %sign3A_250 : i32
      %sign3A_252 = arith.extui %sign3A_251 : i1 to i32
      %sign3A_253 = arith.subi %sign3A_249, %sign3A_252 : i32
      %ne3A_254 = arith.cmpi ne, %sign3A_246, %sign3A_253 : i32
      %rem3A_255 = arith.remsi %add3A_56, %jit3A_238 : i32
      %ne3A_256 = arith.constant 0 : i32
      %ne3A_257 = arith.cmpi ne, %rem3A_255, %ne3A_256 : i32
      %and3A_258 = arith.andi %ne3A_254, %ne3A_257 : i1
      %sub3A_259 = arith.constant 1 : i32
      %sub3A_260 = arith.subi %div3A_239, %sub3A_259 : i32
      %select_n3A_261 = arith.select %and3A_258, %sub3A_260, %div3A_239 : i32
      %get3A_262 = arith.index_cast %select_n3A_261 : i32 to index
      %get3A_263 = arith.constant 0 : index
      %get3A_264 = tpu.vector_load %arg7[%get3A_262, %get3A_263] {strides = array<i32>} : memref<6x16xi32, #tpu.memory_space<vmem>>, vector<16xi32>,
      %reduce_max3A_265 = arith.constant true
      %reduce_max3A_266 = vector.broadcast %reduce_max3A_265 : i1 to vector<16xi1>
      %reduce_max3A_267 = arith.constant -2147483648 : i32
      %reduce_max3A_268 = vector.broadcast %reduce_max3A_267 : i32 to vector<16xi32>
      %reduce_max3A_269 = arith.xori %get3A_264, %reduce_max3A_268 : vector<16xi32>
      %reduce_max3A_270 = tpu.scan <max>, %reduce_max3A_269 masked %reduce_max3A_266 : vector<16xi32>, vector<16xi1> -> vector<16xi32>
      %reduce_max3A_271 = arith.xori %reduce_max3A_270, %reduce_max3A_268 : vector<16xi32>
      %reduce_max3A_272 = vector.extract %reduce_max3A_271[15] : i32 from vector<16xi32>
      %get3A_273 = arith.index_cast %select_n3A_261 : i32 to index
      %get3A_274 = arith.constant 0 : index
      %get3A_275 = tpu.vector_load %arg7[%get3A_273, %get3A_274] {strides = array<i32>} : memref<6x16xi32, #tpu.memory_space<vmem>>, vector<16xi32>,
      %and3A_276 = arith.constant 15 : i32
      %and3A_277 = vector.broadcast %and3A_276 : i32 to vector<16xi32>
      %and3A_278 = arith.andi %get3A_275, %and3A_277 : vector<16xi32>
      %and3A_279 = arith.constant 15 : i32
      %and3A_280 = arith.andi %reduce_max3A_272, %and3A_279 : i32
      %sub3A_281 = arith.subi %reduce_max3A_272, %and3A_280 : i32
      %multiple_of3A_282 = tpu.assume_multiple %sub3A_281, 16 : i32
      %add3A_283 = arith.addi %iota3A, %and3A_278 : vector<16xi32>
      %and3A_284 = arith.constant 15 : i32
      %and3A_285 = vector.broadcast %and3A_284 : i32 to vector<16xi32>
      %and3A_286 = arith.andi %add3A_283, %and3A_285 : vector<16xi32>
      %ge3A_287 = arith.cmpi sge, %iota3A, %and3A_278 : vector<16xi32>
      %parallel_loop3A_288 = arith.constant 0 : i32
      %parallel_loop3A_289 = arith.constant 48 : i32
      %parallel_loop3A_290 = arith.constant 1 : i32
      scf.for %parallel_loop3A_344 = %parallel_loop3A_288 to %parallel_loop3A_289 step %parallel_loop3A_290  : i32 {
        %parallel_loop3A_345 = arith.constant 0 : i32
        %parallel_loop3A_346 = arith.addi %multiple_of3A_282, %parallel_loop3A_345 : i32
        %parallel_loop3A_347 = arith.index_cast %parallel_loop3A_344 : i32 to index
        %parallel_loop3A_348 = arith.index_cast %parallel_loop3A_346 : i32 to index
        %parallel_loop3A_349 = tpu.vector_load %arg11[%parallel_loop3A_347, %parallel_loop3A_348] {strides = array<i32>} : memref<48x512xf32, #tpu.memory_space<vmem>>, vector<16xf32>,
        %parallel_loop3A_350 = arith.constant 16 : i32
        %parallel_loop3A_351 = arith.addi %multiple_of3A_282, %parallel_loop3A_350 : i32
        %parallel_loop3A_352 = arith.index_cast %parallel_loop3A_344 : i32 to index
        %parallel_loop3A_353 = arith.index_cast %parallel_loop3A_351 : i32 to index
        %parallel_loop3A_354 = tpu.vector_load %arg11[%parallel_loop3A_352, %parallel_loop3A_353] {strides = array<i32>} : memref<48x512xf32, #tpu.memory_space<vmem>>, vector<16xf32>,
        %parallel_loop3A_355 = arith.constant 32 : i32
        %parallel_loop3A_356 = arith.addi %multiple_of3A_282, %parallel_loop3A_355 : i32
        %parallel_loop3A_357 = arith.index_cast %parallel_loop3A_344 : i32 to index
        %parallel_loop3A_358 = arith.index_cast %parallel_loop3A_356 : i32 to index
        %parallel_loop3A_359 = tpu.vector_load %arg11[%parallel_loop3A_357, %parallel_loop3A_358] {strides = array<i32>} : memref<48x512xf32, #tpu.memory_space<vmem>>, vector<16xf32>,
        %parallel_loop3A_360 = arith.constant 48 : i32
        %parallel_loop3A_361 = arith.addi %multiple_of3A_282, %parallel_loop3A_360 : i32
        %parallel_loop3A_362 = arith.index_cast %parallel_loop3A_344 : i32 to index
        %parallel_loop3A_363 = arith.index_cast %parallel_loop3A_361 : i32 to index
        %parallel_loop3A_364 = tpu.vector_load %arg11[%parallel_loop3A_362, %parallel_loop3A_363] {strides = array<i32>} : memref<48x512xf32, #tpu.memory_space<vmem>>, vector<16xf32>,
        %parallel_loop3A_365 = arith.constant 64 : i32
        %parallel_loop3A_366 = arith.addi %multiple_of3A_282, %parallel_loop3A_365 : i32
        %parallel_loop3A_367 = arith.index_cast %parallel_loop3A_344 : i32 to index
        %parallel_loop3A_368 = arith.index_cast %parallel_loop3A_366 : i32 to index
        %parallel_loop3A_369 = tpu.vector_load %arg11[%parallel_loop3A_367, %parallel_loop3A_368] {strides = array<i32>} : memref<48x512xf32, #tpu.memory_space<vmem>>, vector<16xf32>,
        %parallel_loop3A_370 = arith.constant 80 : i32
        %parallel_loop3A_371 = arith.addi %multiple_of3A_282, %parallel_loop3A_370 : i32
        %parallel_loop3A_372 = arith.index_cast %parallel_loop3A_344 : i32 to index
        %parallel_loop3A_373 = arith.index_cast %parallel_loop3A_371 : i32 to index
        %parallel_loop3A_374 = tpu.vector_load %arg11[%parallel_loop3A_372, %parallel_loop3A_373] {strides = array<i32>} : memref<48x512xf32, #tpu.memory_space<vmem>>, vector<16xf32>,
        %parallel_loop3A_375 = arith.constant 96 : i32
        %parallel_loop3A_376 = arith.addi %multiple_of3A_282, %parallel_loop3A_375 : i32
        %parallel_loop3A_377 = arith.index_cast %parallel_loop3A_344 : i32 to index
        %parallel_loop3A_378 = arith.index_cast %parallel_loop3A_376 : i32 to index
        %parallel_loop3A_379 = tpu.vector_load %arg11[%parallel_loop3A_377, %parallel_loop3A_378] {strides = array<i32>} : memref<48x512xf32, #tpu.memory_space<vmem>>, vector<16xf32>,
        %parallel_loop3A_380 = arith.constant 112 : i32
        %parallel_loop3A_381 = arith.addi %multiple_of3A_282, %parallel_loop3A_380 : i32
        %parallel_loop3A_382 = arith.index_cast %parallel_loop3A_344 : i32 to index
        %parallel_loop3A_383 = arith.index_cast %parallel_loop3A_381 : i32 to index
        %parallel_loop3A_384 = tpu.vector_load %arg11[%parallel_loop3A_382, %parallel_loop3A_383] {strides = array<i32>} : memref<48x512xf32, #tpu.memory_space<vmem>>, vector<16xf32>,
        %parallel_loop3A_385 = arith.constant 128 : i32
        %parallel_loop3A_386 = arith.addi %multiple_of3A_282, %parallel_loop3A_385 : i32
        %parallel_loop3A_387 = arith.index_cast %parallel_loop3A_344 : i32 to index
        %parallel_loop3A_388 = arith.index_cast %parallel_loop3A_386 : i32 to index
        %parallel_loop3A_389 = tpu.vector_load %arg11[%parallel_loop3A_387, %parallel_loop3A_388] {strides = array<i32>} : memref<48x512xf32, #tpu.memory_space<vmem>>, vector<16xf32>,
        %parallel_loop3A_390 = arith.constant 144 : i32
        %parallel_loop3A_391 = arith.addi %multiple_of3A_282, %parallel_loop3A_390 : i32
        %parallel_loop3A_392 = arith.index_cast %parallel_loop3A_344 : i32 to index
        %parallel_loop3A_393 = arith.index_cast %parallel_loop3A_391 : i32 to index
        %parallel_loop3A_394 = tpu.vector_load %arg11[%parallel_loop3A_392, %parallel_loop3A_393] {strides = array<i32>} : memref<48x512xf32, #tpu.memory_space<vmem>>, vector<16xf32>,
        %parallel_loop3A_395 = arith.constant 160 : i32
        %parallel_loop3A_396 = arith.addi %multiple_of3A_282, %parallel_loop3A_395 : i32
        %parallel_loop3A_397 = arith.index_cast %parallel_loop3A_344 : i32 to index
        %parallel_loop3A_398 = arith.index_cast %parallel_loop3A_396 : i32 to index
        %parallel_loop3A_399 = tpu.vector_load %arg11[%parallel_loop3A_397, %parallel_loop3A_398] {strides = array<i32>} : memref<48x512xf32, #tpu.memory_space<vmem>>, vector<16xf32>,
        %parallel_loop3A_400 = arith.constant 176 : i32
        %parallel_loop3A_401 = arith.addi %multiple_of3A_282, %parallel_loop3A_400 : i32
        %parallel_loop3A_402 = arith.index_cast %parallel_loop3A_344 : i32 to index
        %parallel_loop3A_403 = arith.index_cast %parallel_loop3A_401 : i32 to index
        %parallel_loop3A_404 = tpu.vector_load %arg11[%parallel_loop3A_402, %parallel_loop3A_403] {strides = array<i32>} : memref<48x512xf32, #tpu.memory_space<vmem>>, vector<16xf32>,
        %parallel_loop3A_405 = arith.constant 192 : i32
        %parallel_loop3A_406 = arith.addi %multiple_of3A_282, %parallel_loop3A_405 : i32
        %parallel_loop3A_407 = arith.index_cast %parallel_loop3A_344 : i32 to index
        %parallel_loop3A_408 = arith.index_cast %parallel_loop3A_406 : i32 to index
        %parallel_loop3A_409 = tpu.vector_load %arg11[%parallel_loop3A_407, %parallel_loop3A_408] {strides = array<i32>} : memref<48x512xf32, #tpu.memory_space<vmem>>, vector<16xf32>,
        %parallel_loop3A_410 = arith.constant 208 : i32
        %parallel_loop3A_411 = arith.addi %multiple_of3A_282, %parallel_loop3A_410 : i32
        %parallel_loop3A_412 = arith.index_cast %parallel_loop3A_344 : i32 to index
        %parallel_loop3A_413 = arith.index_cast %parallel_loop3A_411 : i32 to index
        %parallel_loop3A_414 = tpu.vector_load %arg11[%parallel_loop3A_412, %parallel_loop3A_413] {strides = array<i32>} : memref<48x512xf32, #tpu.memory_space<vmem>>, vector<16xf32>,
        %parallel_loop3A_415 = arith.constant 224 : i32
        %parallel_loop3A_416 = arith.addi %multiple_of3A_282, %parallel_loop3A_415 : i32
        %parallel_loop3A_417 = arith.index_cast %parallel_loop3A_344 : i32 to index
        %parallel_loop3A_418 = arith.index_cast %parallel_loop3A_416 : i32 to index
        %parallel_loop3A_419 = tpu.vector_load %arg11[%parallel_loop3A_417, %parallel_loop3A_418] {strides = array<i32>} : memref<48x512xf32, #tpu.memory_space<vmem>>, vector<16xf32>,
        %parallel_loop3A_420 = arith.constant 240 : i32
        %parallel_loop3A_421 = arith.addi %multiple_of3A_282, %parallel_loop3A_420 : i32
        %parallel_loop3A_422 = arith.index_cast %parallel_loop3A_344 : i32 to index
        %parallel_loop3A_423 = arith.index_cast %parallel_loop3A_421 : i32 to index
        %parallel_loop3A_424 = tpu.vector_load %arg11[%parallel_loop3A_422, %parallel_loop3A_423] {strides = array<i32>} : memref<48x512xf32, #tpu.memory_space<vmem>>, vector<16xf32>,
        %parallel_loop3A_425 = arith.constant 256 : i32
        %parallel_loop3A_426 = arith.addi %multiple_of3A_282, %parallel_loop3A_425 : i32
        %parallel_loop3A_427 = arith.index_cast %parallel_loop3A_344 : i32 to index
        %parallel_loop3A_428 = arith.index_cast %parallel_loop3A_426 : i32 to index
        %parallel_loop3A_429 = tpu.vector_load %arg11[%parallel_loop3A_427, %parallel_loop3A_428] {strides = array<i32>} : memref<48x512xf32, #tpu.memory_space<vmem>>, vector<16xf32>,
        %parallel_loop3A_430 = arith.constant 272 : i32
        %parallel_loop3A_431 = arith.addi %multiple_of3A_282, %parallel_loop3A_430 : i32
        %parallel_loop3A_432 = arith.index_cast %parallel_loop3A_344 : i32 to index
        %parallel_loop3A_433 = arith.index_cast %parallel_loop3A_431 : i32 to index
        %parallel_loop3A_434 = tpu.vector_load %arg11[%parallel_loop3A_432, %parallel_loop3A_433] {strides = array<i32>} : memref<48x512xf32, #tpu.memory_space<vmem>>, vector<16xf32>,
        %parallel_loop3A_435 = arith.constant 288 : i32
        %parallel_loop3A_436 = arith.addi %multiple_of3A_282, %parallel_loop3A_435 : i32
        %parallel_loop3A_437 = arith.index_cast %parallel_loop3A_344 : i32 to index
        %parallel_loop3A_438 = arith.index_cast %parallel_loop3A_436 : i32 to index
        %parallel_loop3A_439 = tpu.vector_load %arg11[%parallel_loop3A_437, %parallel_loop3A_438] {strides = array<i32>} : memref<48x512xf32, #tpu.memory_space<vmem>>, vector<16xf32>,
        %parallel_loop3A_440 = arith.constant 304 : i32
        %parallel_loop3A_441 = arith.addi %multiple_of3A_282, %parallel_loop3A_440 : i32
        %parallel_loop3A_442 = arith.index_cast %parallel_loop3A_344 : i32 to index
        %parallel_loop3A_443 = arith.index_cast %parallel_loop3A_441 : i32 to index
        %parallel_loop3A_444 = tpu.vector_load %arg11[%parallel_loop3A_442, %parallel_loop3A_443] {strides = array<i32>} : memref<48x512xf32, #tpu.memory_space<vmem>>, vector<16xf32>,
        %parallel_loop3A_445 = arith.constant 320 : i32
        %parallel_loop3A_446 = arith.addi %multiple_of3A_282, %parallel_loop3A_445 : i32
        %parallel_loop3A_447 = arith.index_cast %parallel_loop3A_344 : i32 to index
        %parallel_loop3A_448 = arith.index_cast %parallel_loop3A_446 : i32 to index
        %parallel_loop3A_449 = tpu.vector_load %arg11[%parallel_loop3A_447, %parallel_loop3A_448] {strides = array<i32>} : memref<48x512xf32, #tpu.memory_space<vmem>>, vector<16xf32>,
        %parallel_loop3A_450 = arith.constant 336 : i32
        %parallel_loop3A_451 = arith.addi %multiple_of3A_282, %parallel_loop3A_450 : i32
        %parallel_loop3A_452 = arith.index_cast %parallel_loop3A_344 : i32 to index
        %parallel_loop3A_453 = arith.index_cast %parallel_loop3A_451 : i32 to index
        %parallel_loop3A_454 = tpu.vector_load %arg11[%parallel_loop3A_452, %parallel_loop3A_453] {strides = array<i32>} : memref<48x512xf32, #tpu.memory_space<vmem>>, vector<16xf32>,
        %parallel_loop3A_455 = arith.constant 352 : i32
        %parallel_loop3A_456 = arith.addi %multiple_of3A_282, %parallel_loop3A_455 : i32
        %parallel_loop3A_457 = arith.index_cast %parallel_loop3A_344 : i32 to index
        %parallel_loop3A_458 = arith.index_cast %parallel_loop3A_456 : i32 to index
        %parallel_loop3A_459 = tpu.vector_load %arg11[%parallel_loop3A_457, %parallel_loop3A_458] {strides = array<i32>} : memref<48x512xf32, #tpu.memory_space<vmem>>, vector<16xf32>,
        %parallel_loop3A_460 = arith.constant 368 : i32
        %parallel_loop3A_461 = arith.addi %multiple_of3A_282, %parallel_loop3A_460 : i32
        %parallel_loop3A_462 = arith.index_cast %parallel_loop3A_344 : i32 to index
        %parallel_loop3A_463 = arith.index_cast %parallel_loop3A_461 : i32 to index
        %parallel_loop3A_464 = tpu.vector_load %arg11[%parallel_loop3A_462, %parallel_loop3A_463] {strides = array<i32>} : memref<48x512xf32, #tpu.memory_space<vmem>>, vector<16xf32>,
        %parallel_loop3A_465 = arith.constant 384 : i32
        %parallel_loop3A_466 = arith.addi %multiple_of3A_282, %parallel_loop3A_465 : i32
        %parallel_loop3A_467 = arith.index_cast %parallel_loop3A_344 : i32 to index
        %parallel_loop3A_468 = arith.index_cast %parallel_loop3A_466 : i32 to index
        %parallel_loop3A_469 = tpu.vector_load %arg11[%parallel_loop3A_467, %parallel_loop3A_468] {strides = array<i32>} : memref<48x512xf32, #tpu.memory_space<vmem>>, vector<16xf32>,
        %parallel_loop3A_470 = arith.constant 400 : i32
        %parallel_loop3A_471 = arith.addi %multiple_of3A_282, %parallel_loop3A_470 : i32
        %parallel_loop3A_472 = arith.index_cast %parallel_loop3A_344 : i32 to index
        %parallel_loop3A_473 = arith.index_cast %parallel_loop3A_471 : i32 to index
        %parallel_loop3A_474 = tpu.vector_load %arg11[%parallel_loop3A_472, %parallel_loop3A_473] {strides = array<i32>} : memref<48x512xf32, #tpu.memory_space<vmem>>, vector<16xf32>,
        %parallel_loop3A_475 = arith.constant 416 : i32
        %parallel_loop3A_476 = arith.addi %multiple_of3A_282, %parallel_loop3A_475 : i32
        %parallel_loop3A_477 = arith.index_cast %parallel_loop3A_344 : i32 to index
        %parallel_loop3A_478 = arith.index_cast %parallel_loop3A_476 : i32 to index
        %parallel_loop3A_479 = tpu.vector_load %arg11[%parallel_loop3A_477, %parallel_loop3A_478] {strides = array<i32>} : memref<48x512xf32, #tpu.memory_space<vmem>>, vector<16xf32>,
        %parallel_loop3A_480 = arith.constant 432 : i32
        %parallel_loop3A_481 = arith.addi %multiple_of3A_282, %parallel_loop3A_480 : i32
        %parallel_loop3A_482 = arith.index_cast %parallel_loop3A_344 : i32 to index
        %parallel_loop3A_483 = arith.index_cast %parallel_loop3A_481 : i32 to index
        %parallel_loop3A_484 = tpu.vector_load %arg11[%parallel_loop3A_482, %parallel_loop3A_483] {strides = array<i32>} : memref<48x512xf32, #tpu.memory_space<vmem>>, vector<16xf32>,
        %parallel_loop3A_485 = arith.constant 448 : i32
        %parallel_loop3A_486 = arith.addi %multiple_of3A_282, %parallel_loop3A_485 : i32
        %parallel_loop3A_487 = arith.index_cast %parallel_loop3A_344 : i32 to index
        %parallel_loop3A_488 = arith.index_cast %parallel_loop3A_486 : i32 to index
        %parallel_loop3A_489 = tpu.vector_load %arg11[%parallel_loop3A_487, %parallel_loop3A_488] {strides = array<i32>} : memref<48x512xf32, #tpu.memory_space<vmem>>, vector<16xf32>,
        %parallel_loop3A_490 = arith.constant 464 : i32
        %parallel_loop3A_491 = arith.addi %multiple_of3A_282, %parallel_loop3A_490 : i32
        %parallel_loop3A_492 = arith.index_cast %parallel_loop3A_344 : i32 to index
        %parallel_loop3A_493 = arith.index_cast %parallel_loop3A_491 : i32 to index
        %parallel_loop3A_494 = tpu.vector_load %arg11[%parallel_loop3A_492, %parallel_loop3A_493] {strides = array<i32>} : memref<48x512xf32, #tpu.memory_space<vmem>>, vector<16xf32>,
        %parallel_loop3A_495 = arith.constant 480 : i32
        %parallel_loop3A_496 = arith.addi %multiple_of3A_282, %parallel_loop3A_495 : i32
        %parallel_loop3A_497 = arith.index_cast %parallel_loop3A_344 : i32 to index
        %parallel_loop3A_498 = arith.index_cast %parallel_loop3A_496 : i32 to index
        %parallel_loop3A_499 = tpu.vector_load %arg11[%parallel_loop3A_497, %parallel_loop3A_498] {strides = array<i32>} : memref<48x512xf32, #tpu.memory_space<vmem>>, vector<16xf32>,
        %parallel_loop3A_500 = arith.select %ge3A_287, %parallel_loop3A_349, %parallel_loop3A_354 : vector<16xi1>, vector<16xf32>
        %parallel_loop3A_501 = arith.constant 0 : i32
        %parallel_loop3A_502 = vector.broadcast %parallel_loop3A_501 : i32 to vector<16xi32>
        %parallel_loop3A_503 = arith.cmpi slt, %and3A_286, %parallel_loop3A_502 : vector<16xi32>
        %parallel_loop3A_504 = arith.constant 16 : i32
        %parallel_loop3A_505 = vector.broadcast %parallel_loop3A_504 : i32 to vector<16xi32>
        %parallel_loop3A_506 = arith.addi %and3A_286, %parallel_loop3A_505 : vector<16xi32>
        %parallel_loop3A_507 = arith.select %parallel_loop3A_503, %parallel_loop3A_506, %and3A_286 : vector<16xi1>, vector<16xi32>
        %parallel_loop3A_508 = vector.shape_cast %parallel_loop3A_507 : vector<16xi32> to vector<16x1xi32>
        %parallel_loop3A_509 = vector.shape_cast %parallel_loop3A_508 : vector<16x1xi32> to vector<16xi32>
        %parallel_loop3A_510 = tpu.dynamic_gather %parallel_loop3A_500[%parallel_loop3A_509] in [0] : vector<16xf32>, vector<16xi32> -> vector<16xf32>
        %parallel_loop3A_511 = arith.index_cast %parallel_loop3A_344 : i32 to index
        %parallel_loop3A_512 = arith.constant 0 : index
        %parallel_loop3A_513 = tpu.vector_load %arg13[%parallel_loop3A_511, %parallel_loop3A_512] {strides = array<i32>} : memref<48x480xf32, #tpu.memory_space<vmem>>, vector<16xf32>,
        tpu.vector_store %arg13[%parallel_loop3A_511, %parallel_loop3A_512], %parallel_loop3A_510 {strides = array<i32>} : memref<48x480xf32, #tpu.memory_space<vmem>>, vector<16xf32>,
        %parallel_loop3A_514 = arith.select %ge3A_287, %parallel_loop3A_354, %parallel_loop3A_359 : vector<16xi1>, vector<16xf32>
        %parallel_loop3A_515 = arith.constant 0 : i32
        %parallel_loop3A_516 = vector.broadcast %parallel_loop3A_515 : i32 to vector<16xi32>
        %parallel_loop3A_517 = arith.cmpi slt, %and3A_286, %parallel_loop3A_516 : vector<16xi32>
        %parallel_loop3A_518 = arith.constant 16 : i32
        %parallel_loop3A_519 = vector.broadcast %parallel_loop3A_518 : i32 to vector<16xi32>
        %parallel_loop3A_520 = arith.addi %and3A_286, %parallel_loop3A_519 : vector<16xi32>
        %parallel_loop3A_521 = arith.select %parallel_loop3A_517, %parallel_loop3A_520, %and3A_286 : vector<16xi1>, vector<16xi32>
        %parallel_loop3A_522 = vector.shape_cast %parallel_loop3A_521 : vector<16xi32> to vector<16x1xi32>
        %parallel_loop3A_523 = vector.shape_cast %parallel_loop3A_522 : vector<16x1xi32> to vector<16xi32>
        %parallel_loop3A_524 = tpu.dynamic_gather %parallel_loop3A_514[%parallel_loop3A_523] in [0] : vector<16xf32>, vector<16xi32> -> vector<16xf32>
        %parallel_loop3A_525 = arith.index_cast %parallel_loop3A_344 : i32 to index
        %parallel_loop3A_526 = arith.constant 16 : index
        %parallel_loop3A_527 = tpu.vector_load %arg13[%parallel_loop3A_525, %parallel_loop3A_526] {strides = array<i32>} : memref<48x480xf32, #tpu.memory_space<vmem>>, vector<16xf32>,
        tpu.vector_store %arg13[%parallel_loop3A_525, %parallel_loop3A_526], %parallel_loop3A_524 {strides = array<i32>} : memref<48x480xf32, #tpu.memory_space<vmem>>, vector<16xf32>,
        %parallel_loop3A_528 = arith.select %ge3A_287, %parallel_loop3A_359, %parallel_loop3A_364 : vector<16xi1>, vector<16xf32>
        %parallel_loop3A_529 = arith.constant 0 : i32
        %parallel_loop3A_530 = vector.broadcast %parallel_loop3A_529 : i32 to vector<16xi32>
        %parallel_loop3A_531 = arith.cmpi slt, %and3A_286, %parallel_loop3A_530 : vector<16xi32>
        %parallel_loop3A_532 = arith.constant 16 : i32
        %parallel_loop3A_533 = vector.broadcast %parallel_loop3A_532 : i32 to vector<16xi32>
        %parallel_loop3A_534 = arith.addi %and3A_286, %parallel_loop3A_533 : vector<16xi32>
        %parallel_loop3A_535 = arith.select %parallel_loop3A_531, %parallel_loop3A_534, %and3A_286 : vector<16xi1>, vector<16xi32>
        %parallel_loop3A_536 = vector.shape_cast %parallel_loop3A_535 : vector<16xi32> to vector<16x1xi32>
        %parallel_loop3A_537 = vector.shape_cast %parallel_loop3A_536 : vector<16x1xi32> to vector<16xi32>
        %parallel_loop3A_538 = tpu.dynamic_gather %parallel_loop3A_528[%parallel_loop3A_537] in [0] : vector<16xf32>, vector<16xi32> -> vector<16xf32>
        %parallel_loop3A_539 = arith.index_cast %parallel_loop3A_344 : i32 to index
        %parallel_loop3A_540 = arith.constant 32 : index
        %parallel_loop3A_541 = tpu.vector_load %arg13[%parallel_loop3A_539, %parallel_loop3A_540] {strides = array<i32>} : memref<48x480xf32, #tpu.memory_space<vmem>>, vector<16xf32>,
        tpu.vector_store %arg13[%parallel_loop3A_539, %parallel_loop3A_540], %parallel_loop3A_538 {strides = array<i32>} : memref<48x480xf32, #tpu.memory_space<vmem>>, vector<16xf32>,
        %parallel_loop3A_542 = arith.select %ge3A_287, %parallel_loop3A_364, %parallel_loop3A_369 : vector<16xi1>, vector<16xf32>
        %parallel_loop3A_543 = arith.constant 0 : i32
        %parallel_loop3A_544 = vector.broadcast %parallel_loop3A_543 : i32 to vector<16xi32>
        %parallel_loop3A_545 = arith.cmpi slt, %and3A_286, %parallel_loop3A_544 : vector<16xi32>
        %parallel_loop3A_546 = arith.constant 16 : i32
        %parallel_loop3A_547 = vector.broadcast %parallel_loop3A_546 : i32 to vector<16xi32>
        %parallel_loop3A_548 = arith.addi %and3A_286, %parallel_loop3A_547 : vector<16xi32>
        %parallel_loop3A_549 = arith.select %parallel_loop3A_545, %parallel_loop3A_548, %and3A_286 : vector<16xi1>, vector<16xi32>
        %parallel_loop3A_550 = vector.shape_cast %parallel_loop3A_549 : vector<16xi32> to vector<16x1xi32>
        %parallel_loop3A_551 = vector.shape_cast %parallel_loop3A_550 : vector<16x1xi32> to vector<16xi32>
        %parallel_loop3A_552 = tpu.dynamic_gather %parallel_loop3A_542[%parallel_loop3A_551] in [0] : vector<16xf32>, vector<16xi32> -> vector<16xf32>
        %parallel_loop3A_553 = arith.index_cast %parallel_loop3A_344 : i32 to index
        %parallel_loop3A_554 = arith.constant 48 : index
        %parallel_loop3A_555 = tpu.vector_load %arg13[%parallel_loop3A_553, %parallel_loop3A_554] {strides = array<i32>} : memref<48x480xf32, #tpu.memory_space<vmem>>, vector<16xf32>,
        tpu.vector_store %arg13[%parallel_loop3A_553, %parallel_loop3A_554], %parallel_loop3A_552 {strides = array<i32>} : memref<48x480xf32, #tpu.memory_space<vmem>>, vector<16xf32>,
        %parallel_loop3A_556 = arith.select %ge3A_287, %parallel_loop3A_369, %parallel_loop3A_374 : vector<16xi1>, vector<16xf32>
        %parallel_loop3A_557 = arith.constant 0 : i32
        %parallel_loop3A_558 = vector.broadcast %parallel_loop3A_557 : i32 to vector<16xi32>
        %parallel_loop3A_559 = arith.cmpi slt, %and3A_286, %parallel_loop3A_558 : vector<16xi32>
        %parallel_loop3A_560 = arith.constant 16 : i32
        %parallel_loop3A_561 = vector.broadcast %parallel_loop3A_560 : i32 to vector<16xi32>
        %parallel_loop3A_562 = arith.addi %and3A_286, %parallel_loop3A_561 : vector<16xi32>
        %parallel_loop3A_563 = arith.select %parallel_loop3A_559, %parallel_loop3A_562, %and3A_286 : vector<16xi1>, vector<16xi32>
        %parallel_loop3A_564 = vector.shape_cast %parallel_loop3A_563 : vector<16xi32> to vector<16x1xi32>
        %parallel_loop3A_565 = vector.shape_cast %parallel_loop3A_564 : vector<16x1xi32> to vector<16xi32>
        %parallel_loop3A_566 = tpu.dynamic_gather %parallel_loop3A_556[%parallel_loop3A_565] in [0] : vector<16xf32>, vector<16xi32> -> vector<16xf32>
        %parallel_loop3A_567 = arith.index_cast %parallel_loop3A_344 : i32 to index
        %parallel_loop3A_568 = arith.constant 64 : index
        %parallel_loop3A_569 = tpu.vector_load %arg13[%parallel_loop3A_567, %parallel_loop3A_568] {strides = array<i32>} : memref<48x480xf32, #tpu.memory_space<vmem>>, vector<16xf32>,
        tpu.vector_store %arg13[%parallel_loop3A_567, %parallel_loop3A_568], %parallel_loop3A_566 {strides = array<i32>} : memref<48x480xf32, #tpu.memory_space<vmem>>, vector<16xf32>,
        %parallel_loop3A_570 = arith.select %ge3A_287, %parallel_loop3A_374, %parallel_loop3A_379 : vector<16xi1>, vector<16xf32>
        %parallel_loop3A_571 = arith.constant 0 : i32
        %parallel_loop3A_572 = vector.broadcast %parallel_loop3A_571 : i32 to vector<16xi32>
        %parallel_loop3A_573 = arith.cmpi slt, %and3A_286, %parallel_loop3A_572 : vector<16xi32>
        %parallel_loop3A_574 = arith.constant 16 : i32
        %parallel_loop3A_575 = vector.broadcast %parallel_loop3A_574 : i32 to vector<16xi32>
        %parallel_loop3A_576 = arith.addi %and3A_286, %parallel_loop3A_575 : vector<16xi32>
        %parallel_loop3A_577 = arith.select %parallel_loop3A_573, %parallel_loop3A_576, %and3A_286 : vector<16xi1>, vector<16xi32>
        %parallel_loop3A_578 = vector.shape_cast %parallel_loop3A_577 : vector<16xi32> to vector<16x1xi32>
        %parallel_loop3A_579 = vector.shape_cast %parallel_loop3A_578 : vector<16x1xi32> to vector<16xi32>
        %parallel_loop3A_580 = tpu.dynamic_gather %parallel_loop3A_570[%parallel_loop3A_579] in [0] : vector<16xf32>, vector<16xi32> -> vector<16xf32>
        %parallel_loop3A_581 = arith.index_cast %parallel_loop3A_344 : i32 to index
        %parallel_loop3A_582 = arith.constant 80 : index
        %parallel_loop3A_583 = tpu.vector_load %arg13[%parallel_loop3A_581, %parallel_loop3A_582] {strides = array<i32>} : memref<48x480xf32, #tpu.memory_space<vmem>>, vector<16xf32>,
        tpu.vector_store %arg13[%parallel_loop3A_581, %parallel_loop3A_582], %parallel_loop3A_580 {strides = array<i32>} : memref<48x480xf32, #tpu.memory_space<vmem>>, vector<16xf32>,
        %parallel_loop3A_584 = arith.select %ge3A_287, %parallel_loop3A_379, %parallel_loop3A_384 : vector<16xi1>, vector<16xf32>
        %parallel_loop3A_585 = arith.constant 0 : i32
        %parallel_loop3A_586 = vector.broadcast %parallel_loop3A_585 : i32 to vector<16xi32>
        %parallel_loop3A_587 = arith.cmpi slt, %and3A_286, %parallel_loop3A_586 : vector<16xi32>
        %parallel_loop3A_588 = arith.constant 16 : i32
        %parallel_loop3A_589 = vector.broadcast %parallel_loop3A_588 : i32 to vector<16xi32>
        %parallel_loop3A_590 = arith.addi %and3A_286, %parallel_loop3A_589 : vector<16xi32>
        %parallel_loop3A_591 = arith.select %parallel_loop3A_587, %parallel_loop3A_590, %and3A_286 : vector<16xi1>, vector<16xi32>
        %parallel_loop3A_592 = vector.shape_cast %parallel_loop3A_591 : vector<16xi32> to vector<16x1xi32>
        %parallel_loop3A_593 = vector.shape_cast %parallel_loop3A_592 : vector<16x1xi32> to vector<16xi32>
        %parallel_loop3A_594 = tpu.dynamic_gather %parallel_loop3A_584[%parallel_loop3A_593] in [0] : vector<16xf32>, vector<16xi32> -> vector<16xf32>
        %parallel_loop3A_595 = arith.index_cast %parallel_loop3A_344 : i32 to index
        %parallel_loop3A_596 = arith.constant 96 : index
        %parallel_loop3A_597 = tpu.vector_load %arg13[%parallel_loop3A_595, %parallel_loop3A_596] {strides = array<i32>} : memref<48x480xf32, #tpu.memory_space<vmem>>, vector<16xf32>,
        tpu.vector_store %arg13[%parallel_loop3A_595, %parallel_loop3A_596], %parallel_loop3A_594 {strides = array<i32>} : memref<48x480xf32, #tpu.memory_space<vmem>>, vector<16xf32>,
        %parallel_loop3A_598 = arith.select %ge3A_287, %parallel_loop3A_384, %parallel_loop3A_389 : vector<16xi1>, vector<16xf32>
        %parallel_loop3A_599 = arith.constant 0 : i32
        %parallel_loop3A_600 = vector.broadcast %parallel_loop3A_599 : i32 to vector<16xi32>
        %parallel_loop3A_601 = arith.cmpi slt, %and3A_286, %parallel_loop3A_600 : vector<16xi32>
        %parallel_loop3A_602 = arith.constant 16 : i32
        %parallel_loop3A_603 = vector.broadcast %parallel_loop3A_602 : i32 to vector<16xi32>
        %parallel_loop3A_604 = arith.addi %and3A_286, %parallel_loop3A_603 : vector<16xi32>
        %parallel_loop3A_605 = arith.select %parallel_loop3A_601, %parallel_loop3A_604, %and3A_286 : vector<16xi1>, vector<16xi32>
        %parallel_loop3A_606 = vector.shape_cast %parallel_loop3A_605 : vector<16xi32> to vector<16x1xi32>
        %parallel_loop3A_607 = vector.shape_cast %parallel_loop3A_606 : vector<16x1xi32> to vector<16xi32>
        %parallel_loop3A_608 = tpu.dynamic_gather %parallel_loop3A_598[%parallel_loop3A_607] in [0] : vector<16xf32>, vector<16xi32> -> vector<16xf32>
        %parallel_loop3A_609 = arith.index_cast %parallel_loop3A_344 : i32 to index
        %parallel_loop3A_610 = arith.constant 112 : index
        %parallel_loop3A_611 = tpu.vector_load %arg13[%parallel_loop3A_609, %parallel_loop3A_610] {strides = array<i32>} : memref<48x480xf32, #tpu.memory_space<vmem>>, vector<16xf32>,
        tpu.vector_store %arg13[%parallel_loop3A_609, %parallel_loop3A_610], %parallel_loop3A_608 {strides = array<i32>} : memref<48x480xf32, #tpu.memory_space<vmem>>, vector<16xf32>,
        %parallel_loop3A_612 = arith.select %ge3A_287, %parallel_loop3A_389, %parallel_loop3A_394 : vector<16xi1>, vector<16xf32>
        %parallel_loop3A_613 = arith.constant 0 : i32
        %parallel_loop3A_614 = vector.broadcast %parallel_loop3A_613 : i32 to vector<16xi32>
        %parallel_loop3A_615 = arith.cmpi slt, %and3A_286, %parallel_loop3A_614 : vector<16xi32>
        %parallel_loop3A_616 = arith.constant 16 : i32
        %parallel_loop3A_617 = vector.broadcast %parallel_loop3A_616 : i32 to vector<16xi32>
        %parallel_loop3A_618 = arith.addi %and3A_286, %parallel_loop3A_617 : vector<16xi32>
        %parallel_loop3A_619 = arith.select %parallel_loop3A_615, %parallel_loop3A_618, %and3A_286 : vector<16xi1>, vector<16xi32>
        %parallel_loop3A_620 = vector.shape_cast %parallel_loop3A_619 : vector<16xi32> to vector<16x1xi32>
        %parallel_loop3A_621 = vector.shape_cast %parallel_loop3A_620 : vector<16x1xi32> to vector<16xi32>
        %parallel_loop3A_622 = tpu.dynamic_gather %parallel_loop3A_612[%parallel_loop3A_621] in [0] : vector<16xf32>, vector<16xi32> -> vector<16xf32>
        %parallel_loop3A_623 = arith.index_cast %parallel_loop3A_344 : i32 to index
        %parallel_loop3A_624 = arith.constant 128 : index
        %parallel_loop3A_625 = tpu.vector_load %arg13[%parallel_loop3A_623, %parallel_loop3A_624] {strides = array<i32>} : memref<48x480xf32, #tpu.memory_space<vmem>>, vector<16xf32>,
        tpu.vector_store %arg13[%parallel_loop3A_623, %parallel_loop3A_624], %parallel_loop3A_622 {strides = array<i32>} : memref<48x480xf32, #tpu.memory_space<vmem>>, vector<16xf32>,
        %parallel_loop3A_626 = arith.select %ge3A_287, %parallel_loop3A_394, %parallel_loop3A_399 : vector<16xi1>, vector<16xf32>
        %parallel_loop3A_627 = arith.constant 0 : i32
        %parallel_loop3A_628 = vector.broadcast %parallel_loop3A_627 : i32 to vector<16xi32>
        %parallel_loop3A_629 = arith.cmpi slt, %and3A_286, %parallel_loop3A_628 : vector<16xi32>
        %parallel_loop3A_630 = arith.constant 16 : i32
        %parallel_loop3A_631 = vector.broadcast %parallel_loop3A_630 : i32 to vector<16xi32>
        %parallel_loop3A_632 = arith.addi %and3A_286, %parallel_loop3A_631 : vector<16xi32>
        %parallel_loop3A_633 = arith.select %parallel_loop3A_629, %parallel_loop3A_632, %and3A_286 : vector<16xi1>, vector<16xi32>
        %parallel_loop3A_634 = vector.shape_cast %parallel_loop3A_633 : vector<16xi32> to vector<16x1xi32>
        %parallel_loop3A_635 = vector.shape_cast %parallel_loop3A_634 : vector<16x1xi32> to vector<16xi32>
        %parallel_loop3A_636 = tpu.dynamic_gather %parallel_loop3A_626[%parallel_loop3A_635] in [0] : vector<16xf32>, vector<16xi32> -> vector<16xf32>
        %parallel_loop3A_637 = arith.index_cast %parallel_loop3A_344 : i32 to index
        %parallel_loop3A_638 = arith.constant 144 : index
        %parallel_loop3A_639 = tpu.vector_load %arg13[%parallel_loop3A_637, %parallel_loop3A_638] {strides = array<i32>} : memref<48x480xf32, #tpu.memory_space<vmem>>, vector<16xf32>,
        tpu.vector_store %arg13[%parallel_loop3A_637, %parallel_loop3A_638], %parallel_loop3A_636 {strides = array<i32>} : memref<48x480xf32, #tpu.memory_space<vmem>>, vector<16xf32>,
        %parallel_loop3A_640 = arith.select %ge3A_287, %parallel_loop3A_399, %parallel_loop3A_404 : vector<16xi1>, vector<16xf32>
        %parallel_loop3A_641 = arith.constant 0 : i32
        %parallel_loop3A_642 = vector.broadcast %parallel_loop3A_641 : i32 to vector<16xi32>
        %parallel_loop3A_643 = arith.cmpi slt, %and3A_286, %parallel_loop3A_642 : vector<16xi32>
        %parallel_loop3A_644 = arith.constant 16 : i32
        %parallel_loop3A_645 = vector.broadcast %parallel_loop3A_644 : i32 to vector<16xi32>
        %parallel_loop3A_646 = arith.addi %and3A_286, %parallel_loop3A_645 : vector<16xi32>
        %parallel_loop3A_647 = arith.select %parallel_loop3A_643, %parallel_loop3A_646, %and3A_286 : vector<16xi1>, vector<16xi32>
        %parallel_loop3A_648 = vector.shape_cast %parallel_loop3A_647 : vector<16xi32> to vector<16x1xi32>
        %parallel_loop3A_649 = vector.shape_cast %parallel_loop3A_648 : vector<16x1xi32> to vector<16xi32>
        %parallel_loop3A_650 = tpu.dynamic_gather %parallel_loop3A_640[%parallel_loop3A_649] in [0] : vector<16xf32>, vector<16xi32> -> vector<16xf32>
        %parallel_loop3A_651 = arith.index_cast %parallel_loop3A_344 : i32 to index
        %parallel_loop3A_652 = arith.constant 160 : index
        %parallel_loop3A_653 = tpu.vector_load %arg13[%parallel_loop3A_651, %parallel_loop3A_652] {strides = array<i32>} : memref<48x480xf32, #tpu.memory_space<vmem>>, vector<16xf32>,
        tpu.vector_store %arg13[%parallel_loop3A_651, %parallel_loop3A_652], %parallel_loop3A_650 {strides = array<i32>} : memref<48x480xf32, #tpu.memory_space<vmem>>, vector<16xf32>,
        %parallel_loop3A_654 = arith.select %ge3A_287, %parallel_loop3A_404, %parallel_loop3A_409 : vector<16xi1>, vector<16xf32>
        %parallel_loop3A_655 = arith.constant 0 : i32
        %parallel_loop3A_656 = vector.broadcast %parallel_loop3A_655 : i32 to vector<16xi32>
        %parallel_loop3A_657 = arith.cmpi slt, %and3A_286, %parallel_loop3A_656 : vector<16xi32>
        %parallel_loop3A_658 = arith.constant 16 : i32
        %parallel_loop3A_659 = vector.broadcast %parallel_loop3A_658 : i32 to vector<16xi32>
        %parallel_loop3A_660 = arith.addi %and3A_286, %parallel_loop3A_659 : vector<16xi32>
        %parallel_loop3A_661 = arith.select %parallel_loop3A_657, %parallel_loop3A_660, %and3A_286 : vector<16xi1>, vector<16xi32>
        %parallel_loop3A_662 = vector.shape_cast %parallel_loop3A_661 : vector<16xi32> to vector<16x1xi32>
        %parallel_loop3A_663 = vector.shape_cast %parallel_loop3A_662 : vector<16x1xi32> to vector<16xi32>
        %parallel_loop3A_664 = tpu.dynamic_gather %parallel_loop3A_654[%parallel_loop3A_663] in [0] : vector<16xf32>, vector<16xi32> -> vector<16xf32>
        %parallel_loop3A_665 = arith.index_cast %parallel_loop3A_344 : i32 to index
        %parallel_loop3A_666 = arith.constant 176 : index
        %parallel_loop3A_667 = tpu.vector_load %arg13[%parallel_loop3A_665, %parallel_loop3A_666] {strides = array<i32>} : memref<48x480xf32, #tpu.memory_space<vmem>>, vector<16xf32>,
        tpu.vector_store %arg13[%parallel_loop3A_665, %parallel_loop3A_666], %parallel_loop3A_664 {strides = array<i32>} : memref<48x480xf32, #tpu.memory_space<vmem>>, vector<16xf32>,
        %parallel_loop3A_668 = arith.select %ge3A_287, %parallel_loop3A_409, %parallel_loop3A_414 : vector<16xi1>, vector<16xf32>
        %parallel_loop3A_669 = arith.constant 0 : i32
        %parallel_loop3A_670 = vector.broadcast %parallel_loop3A_669 : i32 to vector<16xi32>
        %parallel_loop3A_671 = arith.cmpi slt, %and3A_286, %parallel_loop3A_670 : vector<16xi32>
        %parallel_loop3A_672 = arith.constant 16 : i32
        %parallel_loop3A_673 = vector.broadcast %parallel_loop3A_672 : i32 to vector<16xi32>
        %parallel_loop3A_674 = arith.addi %and3A_286, %parallel_loop3A_673 : vector<16xi32>
        %parallel_loop3A_675 = arith.select %parallel_loop3A_671, %parallel_loop3A_674, %and3A_286 : vector<16xi1>, vector<16xi32>
        %parallel_loop3A_676 = vector.shape_cast %parallel_loop3A_675 : vector<16xi32> to vector<16x1xi32>
        %parallel_loop3A_677 = vector.shape_cast %parallel_loop3A_676 : vector<16x1xi32> to vector<16xi32>
        %parallel_loop3A_678 = tpu.dynamic_gather %parallel_loop3A_668[%parallel_loop3A_677] in [0] : vector<16xf32>, vector<16xi32> -> vector<16xf32>
        %parallel_loop3A_679 = arith.index_cast %parallel_loop3A_344 : i32 to index
        %parallel_loop3A_680 = arith.constant 192 : index
        %parallel_loop3A_681 = tpu.vector_load %arg13[%parallel_loop3A_679, %parallel_loop3A_680] {strides = array<i32>} : memref<48x480xf32, #tpu.memory_space<vmem>>, vector<16xf32>,
        tpu.vector_store %arg13[%parallel_loop3A_679, %parallel_loop3A_680], %parallel_loop3A_678 {strides = array<i32>} : memref<48x480xf32, #tpu.memory_space<vmem>>, vector<16xf32>,
        %parallel_loop3A_682 = arith.select %ge3A_287, %parallel_loop3A_414, %parallel_loop3A_419 : vector<16xi1>, vector<16xf32>
        %parallel_loop3A_683 = arith.constant 0 : i32
        %parallel_loop3A_684 = vector.broadcast %parallel_loop3A_683 : i32 to vector<16xi32>
        %parallel_loop3A_685 = arith.cmpi slt, %and3A_286, %parallel_loop3A_684 : vector<16xi32>
        %parallel_loop3A_686 = arith.constant 16 : i32
        %parallel_loop3A_687 = vector.broadcast %parallel_loop3A_686 : i32 to vector<16xi32>
        %parallel_loop3A_688 = arith.addi %and3A_286, %parallel_loop3A_687 : vector<16xi32>
        %parallel_loop3A_689 = arith.select %parallel_loop3A_685, %parallel_loop3A_688, %and3A_286 : vector<16xi1>, vector<16xi32>
        %parallel_loop3A_690 = vector.shape_cast %parallel_loop3A_689 : vector<16xi32> to vector<16x1xi32>
        %parallel_loop3A_691 = vector.shape_cast %parallel_loop3A_690 : vector<16x1xi32> to vector<16xi32>
        %parallel_loop3A_692 = tpu.dynamic_gather %parallel_loop3A_682[%parallel_loop3A_691] in [0] : vector<16xf32>, vector<16xi32> -> vector<16xf32>
        %parallel_loop3A_693 = arith.index_cast %parallel_loop3A_344 : i32 to index
        %parallel_loop3A_694 = arith.constant 208 : index
        %parallel_loop3A_695 = tpu.vector_load %arg13[%parallel_loop3A_693, %parallel_loop3A_694] {strides = array<i32>} : memref<48x480xf32, #tpu.memory_space<vmem>>, vector<16xf32>,
        tpu.vector_store %arg13[%parallel_loop3A_693, %parallel_loop3A_694], %parallel_loop3A_692 {strides = array<i32>} : memref<48x480xf32, #tpu.memory_space<vmem>>, vector<16xf32>,
        %parallel_loop3A_696 = arith.select %ge3A_287, %parallel_loop3A_419, %parallel_loop3A_424 : vector<16xi1>, vector<16xf32>
        %parallel_loop3A_697 = arith.constant 0 : i32
        %parallel_loop3A_698 = vector.broadcast %parallel_loop3A_697 : i32 to vector<16xi32>
        %parallel_loop3A_699 = arith.cmpi slt, %and3A_286, %parallel_loop3A_698 : vector<16xi32>
        %parallel_loop3A_700 = arith.constant 16 : i32
        %parallel_loop3A_701 = vector.broadcast %parallel_loop3A_700 : i32 to vector<16xi32>
        %parallel_loop3A_702 = arith.addi %and3A_286, %parallel_loop3A_701 : vector<16xi32>
        %parallel_loop3A_703 = arith.select %parallel_loop3A_699, %parallel_loop3A_702, %and3A_286 : vector<16xi1>, vector<16xi32>
        %parallel_loop3A_704 = vector.shape_cast %parallel_loop3A_703 : vector<16xi32> to vector<16x1xi32>
        %parallel_loop3A_705 = vector.shape_cast %parallel_loop3A_704 : vector<16x1xi32> to vector<16xi32>
        %parallel_loop3A_706 = tpu.dynamic_gather %parallel_loop3A_696[%parallel_loop3A_705] in [0] : vector<16xf32>, vector<16xi32> -> vector<16xf32>
        %parallel_loop3A_707 = arith.index_cast %parallel_loop3A_344 : i32 to index
        %parallel_loop3A_708 = arith.constant 224 : index
        %parallel_loop3A_709 = tpu.vector_load %arg13[%parallel_loop3A_707, %parallel_loop3A_708] {strides = array<i32>} : memref<48x480xf32, #tpu.memory_space<vmem>>, vector<16xf32>,
        tpu.vector_store %arg13[%parallel_loop3A_707, %parallel_loop3A_708], %parallel_loop3A_706 {strides = array<i32>} : memref<48x480xf32, #tpu.memory_space<vmem>>, vector<16xf32>,
        %parallel_loop3A_710 = arith.select %ge3A_287, %parallel_loop3A_424, %parallel_loop3A_429 : vector<16xi1>, vector<16xf32>
        %parallel_loop3A_711 = arith.constant 0 : i32
        %parallel_loop3A_712 = vector.broadcast %parallel_loop3A_711 : i32 to vector<16xi32>
        %parallel_loop3A_713 = arith.cmpi slt, %and3A_286, %parallel_loop3A_712 : vector<16xi32>
        %parallel_loop3A_714 = arith.constant 16 : i32
        %parallel_loop3A_715 = vector.broadcast %parallel_loop3A_714 : i32 to vector<16xi32>
        %parallel_loop3A_716 = arith.addi %and3A_286, %parallel_loop3A_715 : vector<16xi32>
        %parallel_loop3A_717 = arith.select %parallel_loop3A_713, %parallel_loop3A_716, %and3A_286 : vector<16xi1>, vector<16xi32>
        %parallel_loop3A_718 = vector.shape_cast %parallel_loop3A_717 : vector<16xi32> to vector<16x1xi32>
        %parallel_loop3A_719 = vector.shape_cast %parallel_loop3A_718 : vector<16x1xi32> to vector<16xi32>
        %parallel_loop3A_720 = tpu.dynamic_gather %parallel_loop3A_710[%parallel_loop3A_719] in [0] : vector<16xf32>, vector<16xi32> -> vector<16xf32>
        %parallel_loop3A_721 = arith.index_cast %parallel_loop3A_344 : i32 to index
        %parallel_loop3A_722 = arith.constant 240 : index
        %parallel_loop3A_723 = tpu.vector_load %arg13[%parallel_loop3A_721, %parallel_loop3A_722] {strides = array<i32>} : memref<48x480xf32, #tpu.memory_space<vmem>>, vector<16xf32>,
        tpu.vector_store %arg13[%parallel_loop3A_721, %parallel_loop3A_722], %parallel_loop3A_720 {strides = array<i32>} : memref<48x480xf32, #tpu.memory_space<vmem>>, vector<16xf32>,
        %parallel_loop3A_724 = arith.select %ge3A_287, %parallel_loop3A_429, %parallel_loop3A_434 : vector<16xi1>, vector<16xf32>
        %parallel_loop3A_725 = arith.constant 0 : i32
        %parallel_loop3A_726 = vector.broadcast %parallel_loop3A_725 : i32 to vector<16xi32>
        %parallel_loop3A_727 = arith.cmpi slt, %and3A_286, %parallel_loop3A_726 : vector<16xi32>
        %parallel_loop3A_728 = arith.constant 16 : i32
        %parallel_loop3A_729 = vector.broadcast %parallel_loop3A_728 : i32 to vector<16xi32>
        %parallel_loop3A_730 = arith.addi %and3A_286, %parallel_loop3A_729 : vector<16xi32>
        %parallel_loop3A_731 = arith.select %parallel_loop3A_727, %parallel_loop3A_730, %and3A_286 : vector<16xi1>, vector<16xi32>
        %parallel_loop3A_732 = vector.shape_cast %parallel_loop3A_731 : vector<16xi32> to vector<16x1xi32>
        %parallel_loop3A_733 = vector.shape_cast %parallel_loop3A_732 : vector<16x1xi32> to vector<16xi32>
        %parallel_loop3A_734 = tpu.dynamic_gather %parallel_loop3A_724[%parallel_loop3A_733] in [0] : vector<16xf32>, vector<16xi32> -> vector<16xf32>
        %parallel_loop3A_735 = arith.index_cast %parallel_loop3A_344 : i32 to index
        %parallel_loop3A_736 = arith.constant 256 : index
        %parallel_loop3A_737 = tpu.vector_load %arg13[%parallel_loop3A_735, %parallel_loop3A_736] {strides = array<i32>} : memref<48x480xf32, #tpu.memory_space<vmem>>, vector<16xf32>,
        tpu.vector_store %arg13[%parallel_loop3A_735, %parallel_loop3A_736], %parallel_loop3A_734 {strides = array<i32>} : memref<48x480xf32, #tpu.memory_space<vmem>>, vector<16xf32>,
        %parallel_loop3A_738 = arith.select %ge3A_287, %parallel_loop3A_434, %parallel_loop3A_439 : vector<16xi1>, vector<16xf32>
        %parallel_loop3A_739 = arith.constant 0 : i32
        %parallel_loop3A_740 = vector.broadcast %parallel_loop3A_739 : i32 to vector<16xi32>
        %parallel_loop3A_741 = arith.cmpi slt, %and3A_286, %parallel_loop3A_740 : vector<16xi32>
        %parallel_loop3A_742 = arith.constant 16 : i32
        %parallel_loop3A_743 = vector.broadcast %parallel_loop3A_742 : i32 to vector<16xi32>
        %parallel_loop3A_744 = arith.addi %and3A_286, %parallel_loop3A_743 : vector<16xi32>
        %parallel_loop3A_745 = arith.select %parallel_loop3A_741, %parallel_loop3A_744, %and3A_286 : vector<16xi1>, vector<16xi32>
        %parallel_loop3A_746 = vector.shape_cast %parallel_loop3A_745 : vector<16xi32> to vector<16x1xi32>
        %parallel_loop3A_747 = vector.shape_cast %parallel_loop3A_746 : vector<16x1xi32> to vector<16xi32>
        %parallel_loop3A_748 = tpu.dynamic_gather %parallel_loop3A_738[%parallel_loop3A_747] in [0] : vector<16xf32>, vector<16xi32> -> vector<16xf32>
        %parallel_loop3A_749 = arith.index_cast %parallel_loop3A_344 : i32 to index
        %parallel_loop3A_750 = arith.constant 272 : index
        %parallel_loop3A_751 = tpu.vector_load %arg13[%parallel_loop3A_749, %parallel_loop3A_750] {strides = array<i32>} : memref<48x480xf32, #tpu.memory_space<vmem>>, vector<16xf32>,
        tpu.vector_store %arg13[%parallel_loop3A_749, %parallel_loop3A_750], %parallel_loop3A_748 {strides = array<i32>} : memref<48x480xf32, #tpu.memory_space<vmem>>, vector<16xf32>,
        %parallel_loop3A_752 = arith.select %ge3A_287, %parallel_loop3A_439, %parallel_loop3A_444 : vector<16xi1>, vector<16xf32>
        %parallel_loop3A_753 = arith.constant 0 : i32
        %parallel_loop3A_754 = vector.broadcast %parallel_loop3A_753 : i32 to vector<16xi32>
        %parallel_loop3A_755 = arith.cmpi slt, %and3A_286, %parallel_loop3A_754 : vector<16xi32>
        %parallel_loop3A_756 = arith.constant 16 : i32
        %parallel_loop3A_757 = vector.broadcast %parallel_loop3A_756 : i32 to vector<16xi32>
        %parallel_loop3A_758 = arith.addi %and3A_286, %parallel_loop3A_757 : vector<16xi32>
        %parallel_loop3A_759 = arith.select %parallel_loop3A_755, %parallel_loop3A_758, %and3A_286 : vector<16xi1>, vector<16xi32>
        %parallel_loop3A_760 = vector.shape_cast %parallel_loop3A_759 : vector<16xi32> to vector<16x1xi32>
        %parallel_loop3A_761 = vector.shape_cast %parallel_loop3A_760 : vector<16x1xi32> to vector<16xi32>
        %parallel_loop3A_762 = tpu.dynamic_gather %parallel_loop3A_752[%parallel_loop3A_761] in [0] : vector<16xf32>, vector<16xi32> -> vector<16xf32>
        %parallel_loop3A_763 = arith.index_cast %parallel_loop3A_344 : i32 to index
        %parallel_loop3A_764 = arith.constant 288 : index
        %parallel_loop3A_765 = tpu.vector_load %arg13[%parallel_loop3A_763, %parallel_loop3A_764] {strides = array<i32>} : memref<48x480xf32, #tpu.memory_space<vmem>>, vector<16xf32>,
        tpu.vector_store %arg13[%parallel_loop3A_763, %parallel_loop3A_764], %parallel_loop3A_762 {strides = array<i32>} : memref<48x480xf32, #tpu.memory_space<vmem>>, vector<16xf32>,
        %parallel_loop3A_766 = arith.select %ge3A_287, %parallel_loop3A_444, %parallel_loop3A_449 : vector<16xi1>, vector<16xf32>
        %parallel_loop3A_767 = arith.constant 0 : i32
        %parallel_loop3A_768 = vector.broadcast %parallel_loop3A_767 : i32 to vector<16xi32>
        %parallel_loop3A_769 = arith.cmpi slt, %and3A_286, %parallel_loop3A_768 : vector<16xi32>
        %parallel_loop3A_770 = arith.constant 16 : i32
        %parallel_loop3A_771 = vector.broadcast %parallel_loop3A_770 : i32 to vector<16xi32>
        %parallel_loop3A_772 = arith.addi %and3A_286, %parallel_loop3A_771 : vector<16xi32>
        %parallel_loop3A_773 = arith.select %parallel_loop3A_769, %parallel_loop3A_772, %and3A_286 : vector<16xi1>, vector<16xi32>
        %parallel_loop3A_774 = vector.shape_cast %parallel_loop3A_773 : vector<16xi32> to vector<16x1xi32>
        %parallel_loop3A_775 = vector.shape_cast %parallel_loop3A_774 : vector<16x1xi32> to vector<16xi32>
        %parallel_loop3A_776 = tpu.dynamic_gather %parallel_loop3A_766[%parallel_loop3A_775] in [0] : vector<16xf32>, vector<16xi32> -> vector<16xf32>
        %parallel_loop3A_777 = arith.index_cast %parallel_loop3A_344 : i32 to index
        %parallel_loop3A_778 = arith.constant 304 : index
        %parallel_loop3A_779 = tpu.vector_load %arg13[%parallel_loop3A_777, %parallel_loop3A_778] {strides = array<i32>} : memref<48x480xf32, #tpu.memory_space<vmem>>, vector<16xf32>,
        tpu.vector_store %arg13[%parallel_loop3A_777, %parallel_loop3A_778], %parallel_loop3A_776 {strides = array<i32>} : memref<48x480xf32, #tpu.memory_space<vmem>>, vector<16xf32>,
        %parallel_loop3A_780 = arith.select %ge3A_287, %parallel_loop3A_449, %parallel_loop3A_454 : vector<16xi1>, vector<16xf32>
        %parallel_loop3A_781 = arith.constant 0 : i32
        %parallel_loop3A_782 = vector.broadcast %parallel_loop3A_781 : i32 to vector<16xi32>
        %parallel_loop3A_783 = arith.cmpi slt, %and3A_286, %parallel_loop3A_782 : vector<16xi32>
        %parallel_loop3A_784 = arith.constant 16 : i32
        %parallel_loop3A_785 = vector.broadcast %parallel_loop3A_784 : i32 to vector<16xi32>
        %parallel_loop3A_786 = arith.addi %and3A_286, %parallel_loop3A_785 : vector<16xi32>
        %parallel_loop3A_787 = arith.select %parallel_loop3A_783, %parallel_loop3A_786, %and3A_286 : vector<16xi1>, vector<16xi32>
        %parallel_loop3A_788 = vector.shape_cast %parallel_loop3A_787 : vector<16xi32> to vector<16x1xi32>
        %parallel_loop3A_789 = vector.shape_cast %parallel_loop3A_788 : vector<16x1xi32> to vector<16xi32>
        %parallel_loop3A_790 = tpu.dynamic_gather %parallel_loop3A_780[%parallel_loop3A_789] in [0] : vector<16xf32>, vector<16xi32> -> vector<16xf32>
        %parallel_loop3A_791 = arith.index_cast %parallel_loop3A_344 : i32 to index
        %parallel_loop3A_792 = arith.constant 320 : index
        %parallel_loop3A_793 = tpu.vector_load %arg13[%parallel_loop3A_791, %parallel_loop3A_792] {strides = array<i32>} : memref<48x480xf32, #tpu.memory_space<vmem>>, vector<16xf32>,
        tpu.vector_store %arg13[%parallel_loop3A_791, %parallel_loop3A_792], %parallel_loop3A_790 {strides = array<i32>} : memref<48x480xf32, #tpu.memory_space<vmem>>, vector<16xf32>,
        %parallel_loop3A_794 = arith.select %ge3A_287, %parallel_loop3A_454, %parallel_loop3A_459 : vector<16xi1>, vector<16xf32>
        %parallel_loop3A_795 = arith.constant 0 : i32
        %parallel_loop3A_796 = vector.broadcast %parallel_loop3A_795 : i32 to vector<16xi32>
        %parallel_loop3A_797 = arith.cmpi slt, %and3A_286, %parallel_loop3A_796 : vector<16xi32>
        %parallel_loop3A_798 = arith.constant 16 : i32
        %parallel_loop3A_799 = vector.broadcast %parallel_loop3A_798 : i32 to vector<16xi32>
        %parallel_loop3A_800 = arith.addi %and3A_286, %parallel_loop3A_799 : vector<16xi32>
        %parallel_loop3A_801 = arith.select %parallel_loop3A_797, %parallel_loop3A_800, %and3A_286 : vector<16xi1>, vector<16xi32>
        %parallel_loop3A_802 = vector.shape_cast %parallel_loop3A_801 : vector<16xi32> to vector<16x1xi32>
        %parallel_loop3A_803 = vector.shape_cast %parallel_loop3A_802 : vector<16x1xi32> to vector<16xi32>
        %parallel_loop3A_804 = tpu.dynamic_gather %parallel_loop3A_794[%parallel_loop3A_803] in [0] : vector<16xf32>, vector<16xi32> -> vector<16xf32>
        %parallel_loop3A_805 = arith.index_cast %parallel_loop3A_344 : i32 to index
        %parallel_loop3A_806 = arith.constant 336 : index
        %parallel_loop3A_807 = tpu.vector_load %arg13[%parallel_loop3A_805, %parallel_loop3A_806] {strides = array<i32>} : memref<48x480xf32, #tpu.memory_space<vmem>>, vector<16xf32>,
        tpu.vector_store %arg13[%parallel_loop3A_805, %parallel_loop3A_806], %parallel_loop3A_804 {strides = array<i32>} : memref<48x480xf32, #tpu.memory_space<vmem>>, vector<16xf32>,
        %parallel_loop3A_808 = arith.select %ge3A_287, %parallel_loop3A_459, %parallel_loop3A_464 : vector<16xi1>, vector<16xf32>
        %parallel_loop3A_809 = arith.constant 0 : i32
        %parallel_loop3A_810 = vector.broadcast %parallel_loop3A_809 : i32 to vector<16xi32>
        %parallel_loop3A_811 = arith.cmpi slt, %and3A_286, %parallel_loop3A_810 : vector<16xi32>
        %parallel_loop3A_812 = arith.constant 16 : i32
        %parallel_loop3A_813 = vector.broadcast %parallel_loop3A_812 : i32 to vector<16xi32>
        %parallel_loop3A_814 = arith.addi %and3A_286, %parallel_loop3A_813 : vector<16xi32>
        %parallel_loop3A_815 = arith.select %parallel_loop3A_811, %parallel_loop3A_814, %and3A_286 : vector<16xi1>, vector<16xi32>
        %parallel_loop3A_816 = vector.shape_cast %parallel_loop3A_815 : vector<16xi32> to vector<16x1xi32>
        %parallel_loop3A_817 = vector.shape_cast %parallel_loop3A_816 : vector<16x1xi32> to vector<16xi32>
        %parallel_loop3A_818 = tpu.dynamic_gather %parallel_loop3A_808[%parallel_loop3A_817] in [0] : vector<16xf32>, vector<16xi32> -> vector<16xf32>
        %parallel_loop3A_819 = arith.index_cast %parallel_loop3A_344 : i32 to index
        %parallel_loop3A_820 = arith.constant 352 : index
        %parallel_loop3A_821 = tpu.vector_load %arg13[%parallel_loop3A_819, %parallel_loop3A_820] {strides = array<i32>} : memref<48x480xf32, #tpu.memory_space<vmem>>, vector<16xf32>,
        tpu.vector_store %arg13[%parallel_loop3A_819, %parallel_loop3A_820], %parallel_loop3A_818 {strides = array<i32>} : memref<48x480xf32, #tpu.memory_space<vmem>>, vector<16xf32>,
        %parallel_loop3A_822 = arith.select %ge3A_287, %parallel_loop3A_464, %parallel_loop3A_469 : vector<16xi1>, vector<16xf32>
        %parallel_loop3A_823 = arith.constant 0 : i32
        %parallel_loop3A_824 = vector.broadcast %parallel_loop3A_823 : i32 to vector<16xi32>
        %parallel_loop3A_825 = arith.cmpi slt, %and3A_286, %parallel_loop3A_824 : vector<16xi32>
        %parallel_loop3A_826 = arith.constant 16 : i32
        %parallel_loop3A_827 = vector.broadcast %parallel_loop3A_826 : i32 to vector<16xi32>
        %parallel_loop3A_828 = arith.addi %and3A_286, %parallel_loop3A_827 : vector<16xi32>
        %parallel_loop3A_829 = arith.select %parallel_loop3A_825, %parallel_loop3A_828, %and3A_286 : vector<16xi1>, vector<16xi32>
        %parallel_loop3A_830 = vector.shape_cast %parallel_loop3A_829 : vector<16xi32> to vector<16x1xi32>
        %parallel_loop3A_831 = vector.shape_cast %parallel_loop3A_830 : vector<16x1xi32> to vector<16xi32>
        %parallel_loop3A_832 = tpu.dynamic_gather %parallel_loop3A_822[%parallel_loop3A_831] in [0] : vector<16xf32>, vector<16xi32> -> vector<16xf32>
        %parallel_loop3A_833 = arith.index_cast %parallel_loop3A_344 : i32 to index
        %parallel_loop3A_834 = arith.constant 368 : index
        %parallel_loop3A_835 = tpu.vector_load %arg13[%parallel_loop3A_833, %parallel_loop3A_834] {strides = array<i32>} : memref<48x480xf32, #tpu.memory_space<vmem>>, vector<16xf32>,
        tpu.vector_store %arg13[%parallel_loop3A_833, %parallel_loop3A_834], %parallel_loop3A_832 {strides = array<i32>} : memref<48x480xf32, #tpu.memory_space<vmem>>, vector<16xf32>,
        %parallel_loop3A_836 = arith.select %ge3A_287, %parallel_loop3A_469, %parallel_loop3A_474 : vector<16xi1>, vector<16xf32>
        %parallel_loop3A_837 = arith.constant 0 : i32
        %parallel_loop3A_838 = vector.broadcast %parallel_loop3A_837 : i32 to vector<16xi32>
        %parallel_loop3A_839 = arith.cmpi slt, %and3A_286, %parallel_loop3A_838 : vector<16xi32>
        %parallel_loop3A_840 = arith.constant 16 : i32
        %parallel_loop3A_841 = vector.broadcast %parallel_loop3A_840 : i32 to vector<16xi32>
        %parallel_loop3A_842 = arith.addi %and3A_286, %parallel_loop3A_841 : vector<16xi32>
        %parallel_loop3A_843 = arith.select %parallel_loop3A_839, %parallel_loop3A_842, %and3A_286 : vector<16xi1>, vector<16xi32>
        %parallel_loop3A_844 = vector.shape_cast %parallel_loop3A_843 : vector<16xi32> to vector<16x1xi32>
        %parallel_loop3A_845 = vector.shape_cast %parallel_loop3A_844 : vector<16x1xi32> to vector<16xi32>
        %parallel_loop3A_846 = tpu.dynamic_gather %parallel_loop3A_836[%parallel_loop3A_845] in [0] : vector<16xf32>, vector<16xi32> -> vector<16xf32>
        %parallel_loop3A_847 = arith.index_cast %parallel_loop3A_344 : i32 to index
        %parallel_loop3A_848 = arith.constant 384 : index
        %parallel_loop3A_849 = tpu.vector_load %arg13[%parallel_loop3A_847, %parallel_loop3A_848] {strides = array<i32>} : memref<48x480xf32, #tpu.memory_space<vmem>>, vector<16xf32>,
        tpu.vector_store %arg13[%parallel_loop3A_847, %parallel_loop3A_848], %parallel_loop3A_846 {strides = array<i32>} : memref<48x480xf32, #tpu.memory_space<vmem>>, vector<16xf32>,
        %parallel_loop3A_850 = arith.select %ge3A_287, %parallel_loop3A_474, %parallel_loop3A_479 : vector<16xi1>, vector<16xf32>
        %parallel_loop3A_851 = arith.constant 0 : i32
        %parallel_loop3A_852 = vector.broadcast %parallel_loop3A_851 : i32 to vector<16xi32>
        %parallel_loop3A_853 = arith.cmpi slt, %and3A_286, %parallel_loop3A_852 : vector<16xi32>
        %parallel_loop3A_854 = arith.constant 16 : i32
        %parallel_loop3A_855 = vector.broadcast %parallel_loop3A_854 : i32 to vector<16xi32>
        %parallel_loop3A_856 = arith.addi %and3A_286, %parallel_loop3A_855 : vector<16xi32>
        %parallel_loop3A_857 = arith.select %parallel_loop3A_853, %parallel_loop3A_856, %and3A_286 : vector<16xi1>, vector<16xi32>
        %parallel_loop3A_858 = vector.shape_cast %parallel_loop3A_857 : vector<16xi32> to vector<16x1xi32>
        %parallel_loop3A_859 = vector.shape_cast %parallel_loop3A_858 : vector<16x1xi32> to vector<16xi32>
        %parallel_loop3A_860 = tpu.dynamic_gather %parallel_loop3A_850[%parallel_loop3A_859] in [0] : vector<16xf32>, vector<16xi32> -> vector<16xf32>
        %parallel_loop3A_861 = arith.index_cast %parallel_loop3A_344 : i32 to index
        %parallel_loop3A_862 = arith.constant 400 : index
        %parallel_loop3A_863 = tpu.vector_load %arg13[%parallel_loop3A_861, %parallel_loop3A_862] {strides = array<i32>} : memref<48x480xf32, #tpu.memory_space<vmem>>, vector<16xf32>,
        tpu.vector_store %arg13[%parallel_loop3A_861, %parallel_loop3A_862], %parallel_loop3A_860 {strides = array<i32>} : memref<48x480xf32, #tpu.memory_space<vmem>>, vector<16xf32>,
        %parallel_loop3A_864 = arith.select %ge3A_287, %parallel_loop3A_479, %parallel_loop3A_484 : vector<16xi1>, vector<16xf32>
        %parallel_loop3A_865 = arith.constant 0 : i32
        %parallel_loop3A_866 = vector.broadcast %parallel_loop3A_865 : i32 to vector<16xi32>
        %parallel_loop3A_867 = arith.cmpi slt, %and3A_286, %parallel_loop3A_866 : vector<16xi32>
        %parallel_loop3A_868 = arith.constant 16 : i32
        %parallel_loop3A_869 = vector.broadcast %parallel_loop3A_868 : i32 to vector<16xi32>
        %parallel_loop3A_870 = arith.addi %and3A_286, %parallel_loop3A_869 : vector<16xi32>
        %parallel_loop3A_871 = arith.select %parallel_loop3A_867, %parallel_loop3A_870, %and3A_286 : vector<16xi1>, vector<16xi32>
        %parallel_loop3A_872 = vector.shape_cast %parallel_loop3A_871 : vector<16xi32> to vector<16x1xi32>
        %parallel_loop3A_873 = vector.shape_cast %parallel_loop3A_872 : vector<16x1xi32> to vector<16xi32>
        %parallel_loop3A_874 = tpu.dynamic_gather %parallel_loop3A_864[%parallel_loop3A_873] in [0] : vector<16xf32>, vector<16xi32> -> vector<16xf32>
        %parallel_loop3A_875 = arith.index_cast %parallel_loop3A_344 : i32 to index
        %parallel_loop3A_876 = arith.constant 416 : index
        %parallel_loop3A_877 = tpu.vector_load %arg13[%parallel_loop3A_875, %parallel_loop3A_876] {strides = array<i32>} : memref<48x480xf32, #tpu.memory_space<vmem>>, vector<16xf32>,
        tpu.vector_store %arg13[%parallel_loop3A_875, %parallel_loop3A_876], %parallel_loop3A_874 {strides = array<i32>} : memref<48x480xf32, #tpu.memory_space<vmem>>, vector<16xf32>,
        %parallel_loop3A_878 = arith.select %ge3A_287, %parallel_loop3A_484, %parallel_loop3A_489 : vector<16xi1>, vector<16xf32>
        %parallel_loop3A_879 = arith.constant 0 : i32
        %parallel_loop3A_880 = vector.broadcast %parallel_loop3A_879 : i32 to vector<16xi32>
        %parallel_loop3A_881 = arith.cmpi slt, %and3A_286, %parallel_loop3A_880 : vector<16xi32>
        %parallel_loop3A_882 = arith.constant 16 : i32
        %parallel_loop3A_883 = vector.broadcast %parallel_loop3A_882 : i32 to vector<16xi32>
        %parallel_loop3A_884 = arith.addi %and3A_286, %parallel_loop3A_883 : vector<16xi32>
        %parallel_loop3A_885 = arith.select %parallel_loop3A_881, %parallel_loop3A_884, %and3A_286 : vector<16xi1>, vector<16xi32>
        %parallel_loop3A_886 = vector.shape_cast %parallel_loop3A_885 : vector<16xi32> to vector<16x1xi32>
        %parallel_loop3A_887 = vector.shape_cast %parallel_loop3A_886 : vector<16x1xi32> to vector<16xi32>
        %parallel_loop3A_888 = tpu.dynamic_gather %parallel_loop3A_878[%parallel_loop3A_887] in [0] : vector<16xf32>, vector<16xi32> -> vector<16xf32>
        %parallel_loop3A_889 = arith.index_cast %parallel_loop3A_344 : i32 to index
        %parallel_loop3A_890 = arith.constant 432 : index
        %parallel_loop3A_891 = tpu.vector_load %arg13[%parallel_loop3A_889, %parallel_loop3A_890] {strides = array<i32>} : memref<48x480xf32, #tpu.memory_space<vmem>>, vector<16xf32>,
        tpu.vector_store %arg13[%parallel_loop3A_889, %parallel_loop3A_890], %parallel_loop3A_888 {strides = array<i32>} : memref<48x480xf32, #tpu.memory_space<vmem>>, vector<16xf32>,
        %parallel_loop3A_892 = arith.select %ge3A_287, %parallel_loop3A_489, %parallel_loop3A_494 : vector<16xi1>, vector<16xf32>
        %parallel_loop3A_893 = arith.constant 0 : i32
        %parallel_loop3A_894 = vector.broadcast %parallel_loop3A_893 : i32 to vector<16xi32>
        %parallel_loop3A_895 = arith.cmpi slt, %and3A_286, %parallel_loop3A_894 : vector<16xi32>
        %parallel_loop3A_896 = arith.constant 16 : i32
        %parallel_loop3A_897 = vector.broadcast %parallel_loop3A_896 : i32 to vector<16xi32>
        %parallel_loop3A_898 = arith.addi %and3A_286, %parallel_loop3A_897 : vector<16xi32>
        %parallel_loop3A_899 = arith.select %parallel_loop3A_895, %parallel_loop3A_898, %and3A_286 : vector<16xi1>, vector<16xi32>
        %parallel_loop3A_900 = vector.shape_cast %parallel_loop3A_899 : vector<16xi32> to vector<16x1xi32>
        %parallel_loop3A_901 = vector.shape_cast %parallel_loop3A_900 : vector<16x1xi32> to vector<16xi32>
        %parallel_loop3A_902 = tpu.dynamic_gather %parallel_loop3A_892[%parallel_loop3A_901] in [0] : vector<16xf32>, vector<16xi32> -> vector<16xf32>
        %parallel_loop3A_903 = arith.index_cast %parallel_loop3A_344 : i32 to index
        %parallel_loop3A_904 = arith.constant 448 : index
        %parallel_loop3A_905 = tpu.vector_load %arg13[%parallel_loop3A_903, %parallel_loop3A_904] {strides = array<i32>} : memref<48x480xf32, #tpu.memory_space<vmem>>, vector<16xf32>,
        tpu.vector_store %arg13[%parallel_loop3A_903, %parallel_loop3A_904], %parallel_loop3A_902 {strides = array<i32>} : memref<48x480xf32, #tpu.memory_space<vmem>>, vector<16xf32>,
        %parallel_loop3A_906 = arith.select %ge3A_287, %parallel_loop3A_494, %parallel_loop3A_499 : vector<16xi1>, vector<16xf32>
        %parallel_loop3A_907 = arith.constant 0 : i32
        %parallel_loop3A_908 = vector.broadcast %parallel_loop3A_907 : i32 to vector<16xi32>
        %parallel_loop3A_909 = arith.cmpi slt, %and3A_286, %parallel_loop3A_908 : vector<16xi32>
        %parallel_loop3A_910 = arith.constant 16 : i32
        %parallel_loop3A_911 = vector.broadcast %parallel_loop3A_910 : i32 to vector<16xi32>
        %parallel_loop3A_912 = arith.addi %and3A_286, %parallel_loop3A_911 : vector<16xi32>
        %parallel_loop3A_913 = arith.select %parallel_loop3A_909, %parallel_loop3A_912, %and3A_286 : vector<16xi1>, vector<16xi32>
        %parallel_loop3A_914 = vector.shape_cast %parallel_loop3A_913 : vector<16xi32> to vector<16x1xi32>
        %parallel_loop3A_915 = vector.shape_cast %parallel_loop3A_914 : vector<16x1xi32> to vector<16xi32>
        %parallel_loop3A_916 = tpu.dynamic_gather %parallel_loop3A_906[%parallel_loop3A_915] in [0] : vector<16xf32>, vector<16xi32> -> vector<16xf32>
        %parallel_loop3A_917 = arith.index_cast %parallel_loop3A_344 : i32 to index
        %parallel_loop3A_918 = arith.constant 464 : index
        %parallel_loop3A_919 = tpu.vector_load %arg13[%parallel_loop3A_917, %parallel_loop3A_918] {strides = array<i32>} : memref<48x480xf32, #tpu.memory_space<vmem>>, vector<16xf32>,
        tpu.vector_store %arg13[%parallel_loop3A_917, %parallel_loop3A_918], %parallel_loop3A_916 {strides = array<i32>} : memref<48x480xf32, #tpu.memory_space<vmem>>, vector<16xf32>,
      } {sc.loop_unroll_factor = 4 : i64, sc.parallel_access}
      %jit3A_291 = arith.constant 10 : i32
      %div3A_292 = arith.divsi %add3A_56, %jit3A_291 : i32
      %sign3A_293 = arith.constant 0 : i32
      %sign3A_294 = arith.cmpi sgt, %add3A_56, %sign3A_293 : i32
      %sign3A_295 = arith.extui %sign3A_294 : i1 to i32
      %sign3A_296 = arith.constant 0 : i32
      %sign3A_297 = arith.cmpi slt, %add3A_56, %sign3A_296 : i32
      %sign3A_298 = arith.extui %sign3A_297 : i1 to i32
      %sign3A_299 = arith.subi %sign3A_295, %sign3A_298 : i32
      %sign3A_300 = arith.constant 0 : i32
      %sign3A_301 = arith.cmpi sgt, %jit3A_291, %sign3A_300 : i32
      %sign3A_302 = arith.extui %sign3A_301 : i1 to i32
      %sign3A_303 = arith.constant 0 : i32
      %sign3A_304 = arith.cmpi slt, %jit3A_291, %sign3A_303 : i32
      %sign3A_305 = arith.extui %sign3A_304 : i1 to i32
      %sign3A_306 = arith.subi %sign3A_302, %sign3A_305 : i32
      %ne3A_307 = arith.cmpi ne, %sign3A_299, %sign3A_306 : i32
      %rem3A_308 = arith.remsi %add3A_56, %jit3A_291 : i32
      %ne3A_309 = arith.constant 0 : i32
      %ne3A_310 = arith.cmpi ne, %rem3A_308, %ne3A_309 : i32
      %and3A_311 = arith.andi %ne3A_307, %ne3A_310 : i1
      %sub3A_312 = arith.constant 1 : i32
      %sub3A_313 = arith.subi %div3A_292, %sub3A_312 : i32
      %select_n3A_314 = arith.select %and3A_311, %sub3A_313, %div3A_292 : i32
      %jit3A_315 = arith.constant 10 : i32
      %eq3A_316 = arith.constant 0 : i32
      %eq3A_317 = arith.cmpi eq, %jit3A_315, %eq3A_316 : i32
      %jit3A_318 = arith.constant 1 : i32
      %select_n3A_319 = arith.select %eq3A_317, %jit3A_318, %jit3A_315 : i32
      %rem3A_320 = arith.remsi %add3A_56, %select_n3A_319 : i32
      %ne3A_321 = arith.constant 0 : i32
      %ne3A_322 = arith.cmpi ne, %rem3A_320, %ne3A_321 : i32
      %lt3A_323 = arith.constant 0 : i32
      %lt3A_324 = arith.cmpi slt, %rem3A_320, %lt3A_323 : i32
      %lt3A_325 = arith.constant 0 : i32
      %lt3A_326 = arith.cmpi slt, %select_n3A_319, %lt3A_325 : i32
      %ne3A_327 = arith.xori %lt3A_324, %lt3A_326 : i1
      %and3A_328 = arith.andi %ne3A_327, %ne3A_322 : i1
      %add3A_329 = arith.addi %rem3A_320, %select_n3A_319 : i32
      %select_n3A_330 = arith.select %and3A_328, %add3A_329, %rem3A_320 : i32
      %mul3A_331 = arith.constant 6 : i32
      %mul3A_332 = arith.muli %add3A, %mul3A_331 : i32
      %add3A_333 = arith.addi %mul3A_332, %select_n3A_314 : i32
      %mul3A_334 = arith.constant 480 : i32
      %mul3A_335 = arith.muli %add3A_333, %mul3A_334 : i32
      %mul3A_336 = arith.constant 48 : i32
      %mul3A_337 = arith.muli %select_n3A_330, %mul3A_336 : i32
      %add3A_338 = arith.addi %mul3A_335, %mul3A_337 : i32
      %multiple_of3A_339 = tpu.assume_multiple %add3A_338, 16 : i32
      %dma_start3A_340 = arith.constant 0 : i32
      %dma_start3A_341 = tpu.memref_slice %arg5[%multiple_of3A_339, %dma_start3A_340] : memref<92160x480xf32, #tpu.memory_space<hbm>> -> memref<48x480xf32, #tpu.memory_space<hbm>>
      %dma_start3A_342 = arith.constant 0 : i32
      %dma_start3A_343 = tpu.memref_slice %arg5[%multiple_of3A_339, %dma_start3A_342] : memref<92160x480xf32, #tpu.memory_space<hbm>> -> memref<48x480xf32, #tpu.memory_space<hbm>>
      tpu.enqueue_dma source(%arg13 : memref<48x480xf32, #tpu.memory_space<vmem>>) target(%dma_start3A_343 : memref<48x480xf32, #tpu.memory_space<hbm>>) target_semaphore(%arg17 : memref<!tpu.dma_semaphore, #tpu.memory_space<semaphore_mem>>)
    }
    %scan3A_27 = arith.constant 30 : i32
    %mul3A_28 = arith.constant 6 : i32
    %mul3A_29 = arith.muli %add3A, %mul3A_28 : i32
    %add3A_30 = arith.constant 5 : i32
    %add3A_31 = arith.addi %mul3A_29, %add3A_30 : i32
    %mul3A_32 = arith.constant 480 : i32
    %mul3A_33 = arith.muli %add3A_31, %mul3A_32 : i32
    %add3A_34 = arith.constant 384 : i32
    %add3A_35 = arith.addi %mul3A_33, %add3A_34 : i32
    %multiple_of3A = tpu.assume_multiple %add3A_35, 16 : i32
    %dma_wait3A = arith.constant 0 : i32
    %dma_wait3A_36 = tpu.memref_slice %arg5[%multiple_of3A, %dma_wait3A] : memref<92160x480xf32, #tpu.memory_space<hbm>> -> memref<48x480xf32, #tpu.memory_space<hbm>>
    %dma_wait3A_37 = arith.constant 0 : i32
    %dma_wait3A_38 = tpu.memref_slice %arg5[%multiple_of3A, %dma_wait3A_37] : memref<92160x480xf32, #tpu.memory_space<hbm>> -> memref<48x480xf32, #tpu.memory_space<hbm>>
    tpu.wait_dma2 semaphore(%arg16 : memref<!tpu.dma_semaphore, #tpu.memory_space<semaphore_mem>>) src(%arg12 : memref<48x480xf32, #tpu.memory_space<vmem>>) dst(%dma_wait3A_38 : memref<48x480xf32, #tpu.memory_space<hbm>>)
    %mul3A_39 = arith.constant 6 : i32
    %mul3A_40 = arith.muli %add3A, %mul3A_39 : i32
    %add3A_41 = arith.constant 5 : i32
    %add3A_42 = arith.addi %mul3A_40, %add3A_41 : i32
    %mul3A_43 = arith.constant 480 : i32
    %mul3A_44 = arith.muli %add3A_42, %mul3A_43 : i32
    %add3A_45 = arith.constant 432 : i32
    %add3A_46 = arith.addi %mul3A_44, %add3A_45 : i32
    %multiple_of3A_47 = tpu.assume_multiple %add3A_46, 16 : i32
    %dma_wait3A_48 = arith.constant 0 : i32
    %dma_wait3A_49 = tpu.memref_slice %arg5[%multiple_of3A_47, %dma_wait3A_48] : memref<92160x480xf32, #tpu.memory_space<hbm>> -> memref<48x480xf32, #tpu.memory_space<hbm>>
    %dma_wait3A_50 = arith.constant 0 : i32
    %dma_wait3A_51 = tpu.memref_slice %arg5[%multiple_of3A_47, %dma_wait3A_50] : memref<92160x480xf32, #tpu.memory_space<hbm>> -> memref<48x480xf32, #tpu.memory_space<hbm>>
    tpu.wait_dma2 semaphore(%arg17 : memref<!tpu.dma_semaphore, #tpu.memory_space<semaphore_mem>>) src(%arg13 : memref<48x480xf32, #tpu.memory_space<vmem>>) dst(%dma_wait3A_51 : memref<48x480xf32, #tpu.memory_space<hbm>>)
    return
  }
}

</mosaic_0001>

<sc_bundles>
// kernel: kernel.3.cloned.1.call-start
scs
__scs_entry_jumppad:
0x0: {  	(pc) =	sbr.rel $0x88, $3  }
0x1: {  	(tag) =	ssettag $0x0;
	lr =	simm.s32 $0x1  }
0x2: {  	[smem:$0x3FA0] =	sst lr;
	_ =	strace $0xD0000000  }
0x3: {  	_ = 	snop  }
0x4: {  	_ = 	snop  }
0x5: {  	_ = 	snop  }
0x6: {  	_ = 	snop  }
0x7: {  	_ = 	snop  }
__scs_overlays_trampoline_lowered:
0x8: {  	[smem:$0x3FAF] =	sst s0  }
0x9: {  	[smem:$0x3FB0] =	sst s1  }
0xa: {  	[smem:$0x3FB1] =	sst s2  }
0xb: {  	[smem:$0x3FB2] =	sst s3  }
0xc: {  	[smem:$0x3FB3] =	sst s4  }
0xd: {  	[smem:$0x3FB4] =	sst s5  }
0xe: {  	[smem:$0x3FB5] =	sst s6  }
0xf: {  	[smem:$0x3FB6] =	sst s7  }
0x10: {  	[smem:$0x3FB7] =	sst s8  }
0x11: {  	[smem:$0x3FB8] =	sst s9;
	s0 =	simm.s32 @!p0 $0x0  }
0x12: {  	s1 =	sld [smem:$0x3F9E];
	s0 =	simm.s32 @p0 $0x1  }
0x13: {  	[smem:$0x3FB9] =	sst s0;
	s0 =	simm.s32 @!p1 $0x0  }
0x14: {  	s2 =	sld [smem:$0x3F9D];
	s0 =	simm.s32 @p1 $0x1  }
0x15: {  	[smem:$0x3FBA] =	sst s0;
	s0 =	simm.s32 @!p2 $0x0  }
0x16: {  	s3 =	sld [smem:$0x3FDB];
	s0 =	simm.s32 @p2 $0x1  }
0x17: {  	s4 =	simm.s32 $0x1BF5;
	[smem:$0x3FBC] =	sst s0  }
0x18: {  	s0 =	sld [smem:$0x3F9F];
	_ =	swait.ge [sflag:s4], $0x0  }
0x19: {  	s7 =	sld [smem:$0x3FA0]  }
0x1a: {  	s8 =	sadd.s32 $0xFFFFE003, lr  }
0x1b: {  	s9 =	sadd.s32 $0xFFFFFEF7, lr;
	s5 =	simm.s32 $0xFFFFFFFF;
	p2 =	slt.u32 s8, $0xFFFFF086  }
0x1c: {  	p1 =	slt.u32 s9, $0xF7A;
	s5 =	simm.s32 @!p2 $0x0  }
0x1d: {  	s5 =	simm.s32 @p1 $0x1;
	p0 =	seq.s32 s7, s2  }
0x1e: {  	s7 =	smul.u32 @!p0 $0xF7A, s2;
	p2 =	seq.s32 @!p0 s5, $0x0  }
0x1f: {  	s9 =	smul.u32 $0xF7A, s1;
	s8 =	simm.s32 @!p0 $0x1BF5;
	p2 =	por !p2, p0  }
0x20: {  	[sflag:s8] =	ssyncset.s32 @!p0 $0xFFFFF086;
	s6 =	sadd.s32 @!p0 s3, s7;
	s7 =	simm.s32 @!p0 $0x108  }
0x21: {  	s3 =	sadd.s32 s3, s9;
	s6 =	sadd.s32 @!p0 $0x88, s6;
	s7 =	simm.s32 @p2 $0x1082  }
0x22: {  	[simem:s7], [sflag:s8] =	dma.local @!p0 [hbm:s6], $0xF7A  }
0x23: {  	s9 =	sor.u32 $0xD0000000, s2;
	s6 =	simm.s32 $0x108;
	_ =	swait.ge @!p0 [sflag:s8], $0x0  }
0x24: {  	s3 =	sadd.s32 $0x88, s3;
	s6 =	simm.s32 @!p1 $0x1082;
	[sflag:s4] =	ssyncset.s32 $0xFFFFF086  }
0x25: {  	[simem:s6], [sflag:s4] =	dma.local [hbm:s3], $0xF7A  }
0x26: {  	[smem:$0x3FA0] =	sst s1;
	(tag) =	ssettag s2;
	_ =	strace s9  }
0x27: {  	s1 =	sld [smem:$0x3FB0]  }
0x28: {  	s2 =	sld [smem:$0x3FB1]  }
0x29: {  	s4 =	sld [smem:$0x3FB3]  }
0x2a: {  	p0 =	seq.s32 s5, $0x0;
	s5 =	sld [smem:$0x3FB4]  }
0x2b: {  	s6 =	sld [smem:$0x3FB5]  }
0x2c: {  	s7 =	sld [smem:$0x3FB6]  }
0x2d: {  	s3 =	simm.s32 $0x108;
	s8 =	sld [smem:$0x3FB7]  }
0x2e: {  	s3 =	simm.s32 @!p0 $0x1082;
	s9 =	sld [smem:$0x3FB8]  }
0x2f: {  	lr =	sadd.s32 s0, s3;
	s0 =	sld [smem:$0x3FAF]  }
0x30: {  	s3 =	sld [smem:$0x3FB2]  }
0x31: {  	[smem:$0x3FBB] =	sst s10  }
0x32: {  	s10 =	sld [smem:$0x3FB9];
	_ =	sdelay $0x3  }
0x33: {  	p0 =	seq.s32 s10, $0x1;
	s10 =	sld [smem:$0x3FBB];
	_ =	sdelay $0x3  }
0x34: {  	[smem:$0x3FBB] =	sst s10  }
0x35: {  	s10 =	sld [smem:$0x3FBA];
	_ =	sdelay $0x3  }
0x36: {  	p1 =	seq.s32 s10, $0x1;
	s10 =	sld [smem:$0x3FBB];
	_ =	sdelay $0x3  }
0x37: {  	[smem:$0x3FBB] =	sst s10  }
0x38: {  	s10 =	sld [smem:$0x3FBC]  }
0x39: {  	_ = 	snop;
	(pc) =	sbr.ind lr, $3  }
0x3a: {  	_ = 	snop  }
0x3b: {  	_ = 	snop  }
0x3c: {  	p2 =	seq.s32 s10, $0x1;
	s10 =	sld [smem:$0x3FBB]  }
0x3d: {  	_ =	shalt  }
0x3e: {  	_ =	shalt  }
0x3f: {  	_ =	shalt  }
0x40: {  	_ =	shalt  }
0x41: {  	_ =	shalt  }
0x42: {  	_ =	shalt  }
0x43: {  	_ =	shalt  }
0x44: {  	_ =	shalt  }
0x45: {  	_ =	shalt  }
0x46: {  	_ =	shalt  }
0x47: {  	_ =	shalt  }
0x48: {  	_ =	shalt  }
0x49: {  	_ =	shalt  }
0x4a: {  	_ =	shalt  }
0x4b: {  	_ =	shalt  }
0x4c: {  	_ =	shalt  }
0x4d: {  	_ =	shalt  }
0x4e: {  	_ =	shalt  }
0x4f: {  	_ =	shalt  }
0x50: {  	_ =	shalt  }
0x51: {  	_ =	shalt  }
0x52: {  	_ =	shalt  }
0x53: {  	_ =	shalt  }
0x54: {  	_ =	shalt  }
0x55: {  	_ =	shalt  }
0x56: {  	_ =	shalt  }
0x57: {  	_ =	shalt  }
0x58: {  	_ =	shalt  }
0x59: {  	_ =	shalt  }
0x5a: {  	_ =	shalt  }
0x5b: {  	_ =	shalt  }
0x5c: {  	_ =	shalt  }
0x5d: {  	_ =	shalt  }
0x5e: {  	_ =	shalt  }
0x5f: {  	_ =	shalt  }
0x60: {  	_ =	shalt  }
0x61: {  	_ =	shalt  }
0x62: {  	_ =	shalt  }
0x63: {  	_ =	shalt  }
0x64: {  	_ =	shalt  }
0x65: {  	_ =	shalt  }
0x66: {  	_ =	shalt  }
0x67: {  	_ =	shalt  }
0x68: {  	_ =	shalt  }
0x69: {  	_ =	shalt  }
0x6a: {  	_ =	shalt  }
0x6b: {  	_ =	shalt  }
0x6c: {  	_ =	shalt  }
0x6d: {  	_ =	shalt  }
0x6e: {  	_ =	shalt  }
0x6f: {  	_ =	shalt  }
0x70: {  	_ =	shalt  }
0x71: {  	_ =	shalt  }
0x72: {  	_ =	shalt  }
0x73: {  	_ =	shalt  }
0x74: {  	_ =	shalt  }
0x75: {  	_ =	shalt  }
0x76: {  	_ =	shalt  }
0x77: {  	_ =	shalt  }
0x78: {  	_ =	shalt  }
0x79: {  	_ =	shalt  }
0x7a: {  	_ =	shalt  }
0x7b: {  	_ =	shalt  }
0x7c: {  	_ =	shalt  }
0x7d: {  	_ =	shalt  }
0x7e: {  	_ =	shalt  }
0x7f: {  	_ =	shalt  }
0x80: {  	_ =	shalt  }
0x81: {  	_ =	shalt  }
0x82: {  	_ =	shalt  }
0x83: {  	_ =	shalt  }
0x84: {  	_ =	shalt  }
0x85: {  	_ =	shalt  }
0x86: {  	_ =	shalt  }
0x87: {  	_ =	shalt  }
.Lfunc_end0:
.L_simem_size_0:
called_computation_lowered:
.L_overlay_start_0:
0x88: {  	s2 =	sld [smem:$0x3FD9]  }
0x89: {  	s3 =	sld [smem:$0x3FFE];
	_ =	sdelay $0x1  }
0x8a: {  	s1 =	srdreg.scid  }
0x8b: {  	s0 =	sand.u32 $0x1, s1  }
0x8c: {  	s17 =	sshll.u32 s0, $0xA;
	s2 =	sadd.s32 s3, s2  }
0x8d: {  	s2 =	sadd.s32 s2, s17  }
0x8e: {  	[smem:$0x3FC7] =	sst s2  }
0x8f: {  	_ = 	snop  }
0x90: {  	s2 =	sld [smem:$0x3FC9]  }
0x91: {  	s18 =	sld [smem:$0x3FD0];
	(tm) =	ssettm $0x1  }
0x92: {  	s4 =	sld [smem:$0x3FFB];
	_ =	sdelay $0x3  }
0x93: {  	_ =	strace s4  }
0x94: {  	s4 =	sld [smem:$0x3FFC];
	_ =	sdelay $0x3  }
0x95: {  	_ =	strace s4  }
0x96: {  	s4 =	sld [smem:$0x3FFD];
	_ =	sdelay $0x3  }
0x97: {  	_ =	strace s4  }
0x98: {  	_ =	strace $0x8FFFFFFF  }
0x99: {  	s19 =	sld [smem:$0x3FDB];
	_ =	sdelay $0x1  }
0x9a: {  	s5 =	simm.s32 $_scs_section_size  }
0x9b: {  	s6 =	simm.s32 $_size__tile_overlayer_lowered;
	s7 =	simm.s32 $_tile_overlayer_lowered  }
0x9c: {  	s22 =	simm.s32 $0x1BFF;
	s21 =	sshll.u32 s7, $0x1;
	s4 =	sadd.s32 s5, s19  }
0x9d: {  	s8 =	simm.s32 $0x0;
	s20 =	sshll.u32 s6, $0x1;
	s6 =	sadd.s32 s21, s4  }
0x9e: {  	[timem:s8], [sflag:s22] =	dma.local [hbm:s6], s20  }
0x9f: {  	_ =	swait.ge [sflag:s22], s20  }
0xa0: {  	s5 =	ssub.s32 $0x0, s20;
	[sflag:s22] =	ssyncset.done $0x0  }
0xa1: {  	[sflag:s22] =	ssyncadd.s32 s5;
	_ =	sdelay $0x1  }
0xa2: {  	s23 =	simm.s32 $0x1B8B  }
0xa3: {  	_ =	swait.ge [sflag:s23], $0x1  }
0xa4: {  	[sflag:s23] =	ssyncset.done $0x0  }
0xa5: {  	s25 =	simm.s32 $0x1B8E;
	s24 =	sld [smem:$0x3FFE];
	[sflag:s23] =	ssyncadd.s32 $0xFFFFFFFF  }
0xa6: {  	s26 =	simm.s32 $execute0_lowered;
	[smem:$0x3FD2] =	sst s25  }
0xa7: {  	s6 =	sshll.u32 s26, $0x1;
	_ =	strace $0x80000046;
	[dreg:$0x1] =	wrdreg $0xFFFFFFFF  }
0xa8: {  	s28 =	simm.s32 $_size_execute0_lowered;
	s4 =	sadd.s32 s4, s6;
	[dreg:$0x0] =	wrdreg $0x0  }
0xa9: {  	s6 =	sshll.u32 s28, $0x1;
	[dreg:$0x2] =	wrdreg s4  }
0xaa: {  	[dreg:$0x3] =	wrdreg s6  }
0xab: {  	[dreg:$0x4] =	wrdreg $0xC0  }
0xac: {  	_ =	task [dreg:s8], $0x5FFFF  }
0xad: {  	[dreg:$0x1] =	wrdreg $0xFFFFFFFF  }
0xae: {  	[dreg:$0x0] =	wrdreg $0x60  }
0xaf: {  	[dreg:$0x2] =	wrdreg s2  }
0xb0: {  	[dreg:$0x3] =	wrdreg s24  }
0xb1: {  	[dreg:$0x4] =	wrdreg s18  }
0xb2: {  	[dreg:$0x5] =	wrdreg $0x9  }
0xb3: {  	_ =	task.clear_ibuf [dreg:s8], $0x6FFFF;
	_ =	strace $0x90000046  }
0xb4: {  	s29 =	simm.s32 $0x9;
	_ =	strace $0x80000048  }
0xb5: {  	_ =	swait.ge [sflag:s29], $0x1  }
0xb6: {  	[sflag:s29] =	ssyncadd.s32 $0xFFFFFFFF  }
0xb7: {  	_ =	strace $0x90000048  }
0xb8: {  	_ =	sfence  }
0xb9: {  	s30 =	sld [smem:$0x0];
	_ =	sdelay $0x2  }
0xba: {  	s31 =	sshll.u32 s1, $0xD;
	s1 =	sshrl.u32 s1, $0x2  }
0xbb: {  	s3 =	sand.u32 $0x4000, s31;
	s1 =	sadd.s32 s1, s30  }
0xbc: {  	s0 =	sor.u32 s3, s0;
	s1 =	sshll.u32 s1, $0x11  }
0xbd: {  	s0 =	sor.u32 s1, s0  }
0xbe: {  	s0 =	sadd.s32 $0x8F2B, s0  }
0xbf: {  	[sflag:s0] =	ssyncadd.remote.s32 $0x1  }
0xc0: {  	_ =	sfence.sel $0xFFFF  }
0xc1: {  	[dreg:$0x0] =	wrdreg $0xFFFFFFFF;
	(pc) =	sbr.abs _section_cstart, $3  }
0xc2: {  	[dreg:$0x1] =	wrdreg $0xFFFFFFFF  }
0xc3: {  	_ =	task.clear_ibuf [dreg:s8], $0x2FFFF;
	_ =	strace $0x9FFFFFFF  }
0xc4: {  	(tm) =	ssettm $0x7FFFFFFF  }
0xc5: {  	_ =	shalt  }
tec
execute0_lowered:
.L_overlay_start_1:
0x0: {  	(tag) =	ssettag $0x1  }
0x1: {  	s4 =	rddreg [dreg:$0x0]  }
0x2: {  	s0 =	rddreg [dreg:$0x1]  }
0x3: {  	s1 =	srdreg.scid;
	s2 =	stileid.u32  }
0x4: {  	s5 =	simm.s32 $0x0;
	v1 =	vlaneseq.u32;
	s1 =	sand.u32 $0x1, s1;
	s2 =	sshll.u32 s2, $0x1  }
0x5: {  	[smem:$0x7FF] =	sst s5;
	s29 =	sadd.s32 $0x100, s4;
	v0 =	vor.u32 $0x10, v1;
	s2 =	sor.u32 s1, s2  }
0x6: {  	v2 =	vor.u32 $0x20, v1;
	_ =	strace $0x80000047;
	[tilespmem:$0x1FFA0] =	vst v0;
	s3 =	sshll.u32 s2, $0x7;
	s30 =	smul.u32 $0x6, s2  }
0x7: {  	v62 =	vand.u32 $0x7, v1;
	s1 =	ssub.s32 $0x2, s1;
	[smem:$0x7FB] =	sst s29;
	[tilespmem:$0x1FFB0] =	vst v2;
	s0 =	sadd.s32 s3, s0  }
0x8: {  	v61 =	vshrl.u32 v1, $0x3;
	v63 =	vor.u32 $0x8, v1;
	[tilespmem:$0x1FFC0] =	vst v62;
	s26 =	sshrl.u32 s1, $0x1;
	s28 =	sadd.s32 $0x2000, s0;
	[smem:$0x7FC] =	sst s30  }
0x9: {  	v35 =	vadd.s32 $0x1, v1;
	v0 =	vmul.u32 $0x8, v61;
	[tilespmem:$0x1FFE0] =	vst v63;
	s1 =	ssub.s32 s1, s26;
	s0 =	sadd.s32 $0x1000, s0;
	[smem:$0x7F9] =	sst s28  }
0xa: {  	[tilespmem:$0x1FFF0] =	vst v35;
	s31 =	smax.u32 s1, $0x1;
	[smem:$0x7FA] =	sst s0  }
0xb: {  	vm0 =	vmmov $0xffff;
	s2 =	simm.s32 $0x0;
	[tilespmem:$0x1FFD0] =	vst v0;
	[smem:$0x7FD] =	sst s31  }
.LBB2_1:
0xc: {  	s0 =	sld [smem:$0x7F9];
	_ =	sdelay $0x1  }
0xd: {  	[smem:$0x7F8] =	sst s2;
	s1 =	simm.s32 $0x5  }
0xe: {  	[tilespmem:s5], [sflag:$0x5] =	stream.linear.gather [hbm4b:s0+s5], $0x300, $0x38;
	[tilespmem:$0x18900] =	vst v63  }
0xf: {  	_ =	swait.ge [sflag:s1], $0x300  }
0x10: {  	s14 =	sld [smem:$0x7FA]  }
0x11: {  	[sflag:s1] =	ssyncset.done $0x0  }
0x12: {  	s15 =	simm.s32 $0x400;
	[sflag:s1] =	ssyncadd.s32 $0xFFFFFD00  }
0x13: {  	[tilespmem:s15], [sflag:$0x5] =	stream.linear.gather [hbm4b:s14+s5], $0x300, $0x38;
	[tilespmem:$0x18900] =	vst v63  }
0x14: {  	_ =	swait.ge [sflag:s1], $0x300  }
0x15: {  	[sflag:s1] =	ssyncset.done $0x0  }
0x16: {  	[sflag:s1] =	ssyncadd.s32 $0xFFFFFD00  }
0x17: {  	v0 =	vld [tilespmem:$0x0];
	_ =	sdelay $0x3  }
0x18: {  	v1 =	vlaneseq.u32;
	v4 =	vld [tilespmem:$0x1FFC0]  }
0x19: {  	v1 =	vadd.s32 v1, v0  }
0x1a: {  	v5 =	vld [tilespmem:$0x1FFD0];
	v2 =	vshll.u32 v1, $0x2  }
0x1b: {  	v59 =	vld [tilespmem:$0x1FFA0];
	v3 =	vand.u32 $0x7, v1;
	v2 =	vand.u32 $0xFFFFFFE0, v2  }
0x1c: {  	v6 =	vld [tilespmem:$0x1FFE0];
	v2 =	vor.u32 v3, v2  }
0x1d: {  	v60 =	vld [tilespmem:$0x1FFB0];
	v3 =	vperm.xlane v2, v4;
	_ =	sdelay $0x1  }
0x1e: {  	v3 =	vadd.s32 v5, v3;
	_ =	sdelay $0x1  }
0x1f: {  	[tilespmem:$0x800] =	vst v1;
	v1 =	vadd.s32 v59, v0;
	v2 =	vperm.xlane v2, v6  }
0x20: {  	s18 =	sld [smem:$0x7FB];
	v0 =	vadd.s32 v60, v0;
	[tilespmem:$0x810] =	vst v1  }
0x21: {  	s17 =	simm.s32 $0x900;
	s16 =	rddreg [dreg:$0x0];
	[tilespmem:$0x820] =	vst v0;
	v61 =	vadd.s32 v5, v2  }
0x22: {  	[tilespmem:s17], [sflag:$0x1] =	stream.indirect_vreg.gather [hbm4b:s16+s5], $0x80, v3, vm0, $0xb8;
	[tilespmem:$0x18900] =	vst v63  }
0x23: {  	s19 =	simm.s32 $0x1100  }
0x24: {  	[tilespmem:s19], [sflag:$0x1] =	stream.indirect_vreg.gather [hbm4b:s18+s5], $0x80, v3, vm0, $0xb8;
	[tilespmem:$0x18900] =	vst v63  }
0x25: {  	s20 =	simm.s32 $0x1900  }
0x26: {  	[tilespmem:s20], [sflag:$0x1] =	stream.indirect_vreg.gather [hbm4b:s16+s5], $0x80, v61, vm0, $0xb8;
	[tilespmem:$0x18900] =	vst v63  }
0x27: {  	s21 =	simm.s32 $0x2100  }
0x28: {  	[tilespmem:s21], [sflag:$0x1] =	stream.indirect_vreg.gather [hbm4b:s18+s5], $0x80, v61, vm0, $0xb8;
	[tilespmem:$0x18900] =	vst v63  }
0x29: {  	v0 =	vld [tilespmem:$0x810];
	_ =	sdelay $0x4  }
0x2a: {  	v62 =	vshll.u32 v0, $0x2  }
0x2b: {  	v0 =	vand.u32 $0x7, v0;
	v1 =	vand.u32 $0xFFFFFFE0, v62  }
0x2c: {  	v0 =	vor.u32 v0, v1  }
0x2d: {  	v1 =	vperm.xlane v0, v4;
	_ =	sdelay $0x1  }
0x2e: {  	v1 =	vadd.s32 v5, v1;
	_ =	sdelay $0x1  }
0x2f: {  	v0 =	vperm.xlane v0, v6;
	_ =	sdelay $0x1  }
0x30: {  	s22 =	simm.s32 $0x2900;
	v0 =	vadd.s32 v5, v0  }
0x31: {  	[tilespmem:s22], [sflag:$0x1] =	stream.indirect_vreg.gather [hbm4b:s16+s5], $0x80, v1, vm0, $0xb8;
	[tilespmem:$0x18900] =	vst v63  }
0x32: {  	s23 =	simm.s32 $0x3100  }
0x33: {  	[tilespmem:s23], [sflag:$0x1] =	stream.indirect_vreg.gather [hbm4b:s18+s5], $0x80, v1, vm0, $0xb8;
	[tilespmem:$0x18900] =	vst v63  }
0x34: {  	s24 =	simm.s32 $0x3900  }
0x35: {  	[tilespmem:s24], [sflag:$0x1] =	stream.indirect_vreg.gather [hbm4b:s16+s5], $0x80, v0, vm0, $0xb8;
	[tilespmem:$0x18900] =	vst v63  }
0x36: {  	s25 =	simm.s32 $0x4100  }
0x37: {  	[tilespmem:s25], [sflag:$0x1] =	stream.indirect_vreg.gather [hbm4b:s18+s5], $0x80, v0, vm0, $0xb8;
	[tilespmem:$0x18900] =	vst v63  }
0x38: {  	v0 =	vld [tilespmem:$0x820];
	_ =	sdelay $0x4  }
0x39: {  	v63 =	vshll.u32 v0, $0x2  }
0x3a: {  	v0 =	vand.u32 $0x7, v0;
	v1 =	vand.u32 $0xFFFFFFE0, v63  }
0x3b: {  	v0 =	vor.u32 v0, v1  }
0x3c: {  	v1 =	vperm.xlane v0, v4;
	_ =	sdelay $0x1  }
0x3d: {  	v1 =	vadd.s32 v5, v1;
	_ =	sdelay $0x1  }
0x3e: {  	v0 =	vperm.xlane v0, v6;
	_ =	sdelay $0x1  }
0x3f: {  	s26 =	simm.s32 $0x4900;
	v0 =	vadd.s32 v5, v0  }
0x40: {  	[tilespmem:s26], [sflag:$0x1] =	stream.indirect_vreg.gather [hbm4b:s16+s5], $0x80, v1, vm0, $0xb8;
	[tilespmem:$0x18900] =	vst v63  }
0x41: {  	s28 =	simm.s32 $0x5100  }
0x42: {  	[tilespmem:s28], [sflag:$0x1] =	stream.indirect_vreg.gather [hbm4b:s18+s5], $0x80, v1, vm0, $0xb8;
	[tilespmem:$0x18900] =	vst v63  }
0x43: {  	s29 =	simm.s32 $0x5900  }
0x44: {  	[tilespmem:s29], [sflag:$0x1] =	stream.indirect_vreg.gather [hbm4b:s16+s5], $0x80, v0, vm0, $0xb8;
	[tilespmem:$0x18900] =	vst v63  }
0x45: {  	s30 =	simm.s32 $0x6100;
	s31 =	simm.s32 $0x0  }
0x46: {  	[tilespmem:s30], [sflag:$0x1] =	stream.indirect_vreg.gather [hbm4b:s18+s5], $0x80, v0, vm0, $0xb8;
	[tilespmem:$0x18900] =	vst v63  }
.LBB2_2:
0x47: {  	s0 =	smul.u32 $0xCD, s31;
	s1 =	sshllo.u32 s31, $0x1  }
0x48: {  	s2 =	sand.u32 $0xFF, s1  }
0x49: {  	s0 =	sshrl.u32 s0, $0xA;
	s2 =	smul.u32 $0xCD, s2  }
0x4a: {  	s3 =	sand.u32 $0x3F, s0  }
0x4b: {  	s14 =	sshrl.u32 s2, $0xB;
	[smem:$0x7F3] =	sst s3;
	s3 =	sshll.u32 s3, $0x7  }
0x4c: {  	s0 =	smul.u32 $0xA, s14;
	v0 =	vld [tilespmem:s3+$0x0];
	_ =	sdelay $0x1  }
0x4d: {  	s0 =	ssub.s32 s1, s0  }
0x4e: {  	s0 =	sand.u32 $0xFF, s0  }
0x4f: {  	v4 =	vlaneseq.u32;
	s15 =	smul.u32 $0x30, s0  }
0x50: {  	v5 =	vld [tilespmem:$0x1FFC0];
	v0 =	vadd.s32 v4, v0  }
0x51: {  	v1 =	vadd.s32 s15, v0  }
0x52: {  	v6 =	vld [tilespmem:$0x1FFD0];
	v2 =	vshll.u32 v1, $0x2  }
0x53: {  	v3 =	vand.u32 $0x7, v0;
	v2 =	vand.u32 $0xFFFFFFE0, v2  }
0x54: {  	v7 =	vld [tilespmem:$0x1FFE0];
	v2 =	vor.u32 v3, v2  }
0x55: {  	v3 =	vperm.xlane v2, v5;
	_ =	sdelay $0x1  }
0x56: {  	v3 =	vadd.s32 v6, v3  }
0x57: {  	s0 =	sadd.s32 $0x10, s15  }
0x58: {  	s16 =	sadd.s32 $0x20, s15;
	[tilespmem:$0x880] =	vst v1;
	v57 =	vadd.s32 s0, v0;
	v2 =	vperm.xlane v2, v7  }
0x59: {  	s17 =	rddreg [dreg:$0x0];
	v0 =	vadd.s32 s16, v0;
	[tilespmem:$0x890] =	vst v57  }
0x5a: {  	s18 =	simm.s32 $0x6900;
	s19 =	sld [smem:$0x7FB];
	[tilespmem:$0x8A0] =	vst v0;
	v58 =	vadd.s32 v6, v2  }
0x5b: {  	[tilespmem:s18], [sflag:$0x2] =	stream.indirect_vreg.gather [hbm4b:s17+s5], $0x80, v3, vm0, $0xb8;
	[tilespmem:$0x18900] =	vst v63  }
0x5c: {  	s20 =	simm.s32 $0x7100  }
0x5d: {  	[tilespmem:s20], [sflag:$0x2] =	stream.indirect_vreg.gather [hbm4b:s19+s5], $0x80, v3, vm0, $0xb8;
	[tilespmem:$0x18900] =	vst v63  }
0x5e: {  	s21 =	simm.s32 $0x7900  }
0x5f: {  	[tilespmem:s21], [sflag:$0x2] =	stream.indirect_vreg.gather [hbm4b:s17+s5], $0x80, v58, vm0, $0xb8;
	[tilespmem:$0x18900] =	vst v63  }
0x60: {  	s22 =	simm.s32 $0x8100  }
0x61: {  	[tilespmem:s22], [sflag:$0x2] =	stream.indirect_vreg.gather [hbm4b:s19+s5], $0x80, v58, vm0, $0xb8;
	[tilespmem:$0x18900] =	vst v63  }
0x62: {  	v0 =	vld [tilespmem:$0x890];
	_ =	sdelay $0x4  }
0x63: {  	v59 =	vshll.u32 v0, $0x2  }
0x64: {  	v0 =	vand.u32 $0x7, v0;
	v1 =	vand.u32 $0xFFFFFFE0, v59  }
0x65: {  	v0 =	vor.u32 v0, v1  }
0x66: {  	v1 =	vperm.xlane v0, v5;
	_ =	sdelay $0x1  }
0x67: {  	v1 =	vadd.s32 v6, v1;
	_ =	sdelay $0x1  }
0x68: {  	v0 =	vperm.xlane v0, v7;
	_ =	sdelay $0x1  }
0x69: {  	s23 =	simm.s32 $0x8900;
	v0 =	vadd.s32 v6, v0  }
0x6a: {  	[tilespmem:s23], [sflag:$0x2] =	stream.indirect_vreg.gather [hbm4b:s17+s5], $0x80, v1, vm0, $0xb8;
	[tilespmem:$0x18900] =	vst v63  }
0x6b: {  	s24 =	simm.s32 $0x9100  }
0x6c: {  	[tilespmem:s24], [sflag:$0x2] =	stream.indirect_vreg.gather [hbm4b:s19+s5], $0x80, v1, vm0, $0xb8;
	[tilespmem:$0x18900] =	vst v63  }
0x6d: {  	s25 =	simm.s32 $0x9900  }
0x6e: {  	[tilespmem:s25], [sflag:$0x2] =	stream.indirect_vreg.gather [hbm4b:s17+s5], $0x80, v0, vm0, $0xb8;
	[tilespmem:$0x18900] =	vst v63  }
0x6f: {  	s26 =	simm.s32 $0xA100  }
0x70: {  	[tilespmem:s26], [sflag:$0x2] =	stream.indirect_vreg.gather [hbm4b:s19+s5], $0x80, v0, vm0, $0xb8;
	[tilespmem:$0x18900] =	vst v63  }
0x71: {  	v0 =	vld [tilespmem:$0x8A0];
	_ =	sdelay $0x4  }
0x72: {  	v60 =	vshll.u32 v0, $0x2  }
0x73: {  	v0 =	vand.u32 $0x7, v0;
	v1 =	vand.u32 $0xFFFFFFE0, v60  }
0x74: {  	v0 =	vor.u32 v0, v1  }
0x75: {  	v1 =	vperm.xlane v0, v5;
	_ =	sdelay $0x1  }
0x76: {  	v1 =	vadd.s32 v6, v1;
	_ =	sdelay $0x1  }
0x77: {  	v0 =	vperm.xlane v0, v7;
	_ =	sdelay $0x1  }
0x78: {  	s28 =	simm.s32 $0xA900;
	v0 =	vadd.s32 v6, v0  }
0x79: {  	[tilespmem:s28], [sflag:$0x2] =	stream.indirect_vreg.gather [hbm4b:s17+s5], $0x80, v1, vm0, $0xb8;
	[tilespmem:$0x18900] =	vst v63  }
0x7a: {  	s29 =	simm.s32 $0xB100  }
0x7b: {  	[tilespmem:s29], [sflag:$0x2] =	stream.indirect_vreg.gather [hbm4b:s19+s5], $0x80, v1, vm0, $0xb8;
	[tilespmem:$0x18900] =	vst v63  }
0x7c: {  	s30 =	simm.s32 $0xB900  }
0x7d: {  	[tilespmem:s30], [sflag:$0x2] =	stream.indirect_vreg.gather [hbm4b:s17+s5], $0x80, v0, vm0, $0xb8;
	[tilespmem:$0x18900] =	vst v63  }
0x7e: {  	s4 =	simm.s32 $0x1;
	s2 =	simm.s32 $0xC100;
	[smem:$0x7F4] =	sst s15  }
0x7f: {  	[tilespmem:s2], [sflag:$0x2] =	stream.indirect_vreg.gather [hbm4b:s19+s5], $0x80, v0, vm0, $0xb8;
	[tilespmem:$0x18900] =	vst v63  }
0x80: {  	_ =	swait.ge [sflag:s4], $0x6000  }
0x81: {  	p0 =	seq.s32 s31, $0x0;
	[sflag:s4] =	ssyncset.done $0x0  }
0x82: {  	s0 =	simm.s32 @!p0 $0x3;
	[sflag:s4] =	ssyncadd.s32 $0xFFFFA000  }
0x83: {  	_ =	swait.ge @!p0 [sflag:s0], $0x6000  }
0x84: {  	[sflag:s0] =	ssyncset.done @!p0 $0x0  }
0x85: {  	[sflag:s0] =	ssyncadd.s32 @!p0 $0xFFFFA000  }
0x86: {  	v32 =	vld [tilespmem:s3+$0x400];
	_ =	sdelay $0x4  }
0x87: {  	v61 =	vxor.u32 $0x80000000, v32  }
0x88: {  	(xrf0) =	vmax.scan.msk.u32 $0xffff, v61;
	_ =	sdelay $0x5  }
0x89: {  	v0, _, _ =	vpop (xrf0)  }
0x8a: {  	(v2sf) =	vpush v0, $0xF;
	_ =	sdelay $0xe  }
0x8b: {  	[smem:$0x7F5] =	sst s3;
	s1 =	spop (v2sf)  }
0x8c: {  	p1 =	por $0x0, $0x0;
	[smem:$0x7F6] =	sst s31;
	s0 =	sand.u32 $0xFFFFFFF0, s1  }
0x8d: {  	s5 =	sshll.u32 s1, $0x3;
	s1 =	sand.u32 $0x70, s1;
	s2 =	sadd.s32 $0x10, s0  }
0x8e: {  	s4 =	sand.u32 $0xFFFFFC00, s5;
	s3 =	sadd.s32 $0x20, s0;
	s6 =	sshll.u32 s2, $0x3  }
0x8f: {  	[dreg:$0x4] =	wrdreg s4;
	s8 =	sshll.u32 s3, $0x3;
	s4 =	sadd.s32 $0x30, s0  }
0x90: {  	s2 =	sand.u32 $0x70, s2;
	s3 =	sand.u32 $0x70, s3;
	s7 =	sand.u32 $0xFFFFFC00, s6  }
0x91: {  	s5 =	sand.u32 $0xFFFFFC00, s8;
	s6 =	sshll.u32 s4, $0x3;
	[dreg:$0x5] =	wrdreg s7  }
0x92: {  	s4 =	sand.u32 $0x70, s4;
	v9 =	vmov s3;
	s3 =	simm.s32 $0xFFFFFFFC;
	[dreg:$0x6] =	wrdreg s5  }
0x93: {  	s5 =	sadd.s32 $0x40, s0;
	s7 =	sand.u32 $0xFFFFFC00, s6;
	s6 =	sadd.s32 $0x50, s0  }
0x94: {  	s8 =	sshll.u32 s5, $0x3;
	[dreg:$0x7] =	wrdreg s7;
	s10 =	sshll.u32 s6, $0x3  }
0x95: {  	s7 =	sadd.s32 $0x70, s0;
	s5 =	sand.u32 $0x70, s5;
	s9 =	sand.u32 $0xFFFFFC00, s8  }
0x96: {  	s11 =	sand.u32 $0xFFFFFC00, s10;
	s8 =	sadd.s32 $0x60, s0;
	[dreg:$0x8] =	wrdreg s9  }
0x97: {  	[dreg:$0x9] =	wrdreg s11;
	s9 =	sshll.u32 s8, $0x3;
	s11 =	sshll.u32 s7, $0x3  }
0x98: {  	s10 =	sand.u32 $0xFFFFFC00, s9;
	s9 =	sadd.s32 $0x90, s0;
	s12 =	sand.u32 $0xFFFFFC00, s11  }
0x99: {  	s11 =	sadd.s32 $0xA0, s0;
	[dreg:$0xa] =	wrdreg s10;
	s13 =	sshll.u32 s9, $0x3  }
0x9a: {  	[dreg:$0xb] =	wrdreg s12;
	s12 =	sshll.u32 s11, $0x3;
	s14 =	sand.u32 $0xFFFFFC00, s13  }
0x9b: {  	s10 =	sadd.s32 $0xB0, s0;
	s13 =	sand.u32 $0xFFFFFC00, s12;
	[dreg:$0xc] =	wrdreg s14  }
0x9c: {  	s12 =	sadd.s32 $0xC0, s0;
	s14 =	sshll.u32 s10, $0x3;
	[dreg:$0xd] =	wrdreg s13  }
0x9d: {  	s16 =	sshll.u32 s12, $0x3;
	s13 =	sadd.s32 $0xE0, s0;
	s15 =	sand.u32 $0xFFFFFC00, s14  }
0x9e: {  	s17 =	sand.u32 $0xFFFFFC00, s16;
	s14 =	sadd.s32 $0xD0, s0;
	[dreg:$0xe] =	wrdreg s15  }
0x9f: {  	[dreg:$0xf] =	wrdreg s17;
	s15 =	sshll.u32 s14, $0x3;
	s17 =	sshll.u32 s13, $0x3  }
0xa0: {  	s16 =	sand.u32 $0xFFFFFC00, s15;
	s15 =	sadd.s32 $0xF0, s0;
	s18 =	sand.u32 $0xFFFFFC00, s17  }
0xa1: {  	s17 =	sadd.s32 $0x110, s0;
	[dreg:$0x10] =	wrdreg s16;
	s19 =	sshll.u32 s15, $0x3  }
0xa2: {  	[dreg:$0x11] =	wrdreg s18;
	s18 =	sshll.u32 s17, $0x3;
	s20 =	sand.u32 $0xFFFFFC00, s19  }
0xa3: {  	s16 =	sadd.s32 $0x120, s0;
	s19 =	sand.u32 $0xFFFFFC00, s18;
	[dreg:$0x12] =	wrdreg s20  }
0xa4: {  	s18 =	sadd.s32 $0x130, s0;
	s20 =	sshll.u32 s16, $0x3;
	[dreg:$0x13] =	wrdreg s19  }
0xa5: {  	s22 =	sshll.u32 s18, $0x3;
	s19 =	sadd.s32 $0x150, s0;
	s21 =	sand.u32 $0xFFFFFC00, s20  }
0xa6: {  	s23 =	sand.u32 $0xFFFFFC00, s22;
	s20 =	sadd.s32 $0x140, s0;
	[dreg:$0x14] =	wrdreg s21  }
0xa7: {  	[dreg:$0x15] =	wrdreg s23;
	s21 =	sshll.u32 s20, $0x3;
	s23 =	sshll.u32 s19, $0x3  }
0xa8: {  	s22 =	sand.u32 $0xFFFFFC00, s21;
	s21 =	sadd.s32 $0x160, s0;
	s24 =	sand.u32 $0xFFFFFC00, s23  }
0xa9: {  	s23 =	sadd.s32 $0x170, s0;
	[dreg:$0x16] =	wrdreg s22;
	s25 =	sshll.u32 s21, $0x3  }
0xaa: {  	[dreg:$0x17] =	wrdreg s24;
	s28 =	sshll.u32 s23, $0x3;
	s26 =	sand.u32 $0xFFFFFC00, s25  }
0xab: {  	s22 =	sadd.s32 $0x1A0, s0;
	[dreg:$0x18] =	wrdreg s26;
	s26 =	sadd.s32 $0x190, s0  }
0xac: {  	s24 =	sand.u32 $0xFFFFFC00, s28;
	s30 =	sshll.u32 s22, $0x3;
	s25 =	sshll.u32 s26, $0x3  }
0xad: {  	s28 =	sadd.s32 $0x1B0, s0;
	[dreg:$0x19] =	wrdreg s24;
	s29 =	sand.u32 $0xFFFFFC00, s25  }
0xae: {  	s24 =	sadd.s32 $0x1C0, s0;
	s25 =	sand.u32 $0xFFFFFC00, s30;
	[dreg:$0x1a] =	wrdreg s29  }
0xaf: {  	s30 =	sshll.u32 s24, $0x3;
	[dreg:$0x1b] =	wrdreg s25;
	s29 =	sshll.u32 s28, $0x3  }
0xb0: {  	s25 =	sadd.s32 $0x1D0, s0;
	s0 =	sadd.s32 $0x1E0, s0;
	s29 =	sand.u32 $0xFFFFFC00, s29  }
0xb1: {  	[dreg:$0x1c] =	wrdreg s29;
	s29 =	sand.u32 $0xFFFFFC00, s30;
	s30 =	sshll.u32 s25, $0x3  }
0xb2: {  	v62 =	vadd.s32 v4, v32;
	v63 =	vand.u32 $0xF, v32;
	s28 =	sand.u32 $0x70, s28;
	[dreg:$0x1d] =	wrdreg s29;
	s30 =	sand.u32 $0xFFFFFC00, s30  }
0xb3: {  	v32 =	vand.u32 $0xF, v62;
	vm1 =	vlt.u32 v63, v35;
	s29 =	sand.u32 $0x70, s6;
	s6 =	sand.u32 $0x70, s7;
	s7 =	sand.u32 $0x70, s9  }
0xb4: {  	v7 =	vmov s1;
	v8 =	vmov s2;
	v10 =	vmov s4;
	s9 =	sand.u32 $0x70, s10;
	s10 =	sand.u32 $0x70, s12;
	s12 =	sand.u32 $0x70, s13  }
0xb5: {  	v11 =	vmov s5;
	v31 =	vmov s28;
	s13 =	sand.u32 $0x70, s15;
	s15 =	sand.u32 $0x70, s16;
	s16 =	sand.u32 $0x70, s18;
	v12 =	vmov s29  }
0xb6: {  	s18 =	sand.u32 $0x70, s19;
	s19 =	sand.u32 $0x70, s21;
	s21 =	sand.u32 $0x70, s26;
	v14 =	vmov s6;
	v15 =	vmov s7;
	v17 =	vmov s9  }
0xb7: {  	s26 =	sand.u32 $0x70, s22;
	[dreg:$0x1e] =	wrdreg s30;
	s30 =	sand.u32 $0x70, s8;
	v18 =	vmov s10;
	v20 =	vmov s12;
	v21 =	vmov s13  }
0xb8: {  	s8 =	sand.u32 $0x70, s11;
	s11 =	sand.u32 $0x70, s14;
	s14 =	sand.u32 $0x70, s17;
	v23 =	vmov s15;
	v24 =	vmov s16;
	v26 =	vmov s18  }
0xb9: {  	s17 =	sand.u32 $0x70, s20;
	s20 =	sand.u32 $0x70, s23;
	s23 =	sshll.u32 s0, $0x3;
	v27 =	vmov s19;
	v29 =	vmov s21;
	v30 =	vmov s26  }
0xba: {  	s29 =	sshll.u32 s31, $0x1;
	s31 =	sand.u32 $0x70, s25;
	s0 =	sand.u32 $0x70, s0;
	v13 =	vmov s30;
	v16 =	vmov s8;
	v19 =	vmov s11  }
0xbb: {  	v22 =	vmov s14;
	v25 =	vmov s17;
	v28 =	vmov s20;
	s1 =	sand.u32 $0xFFFFFC00, s23;
	[smem:$0x7F7] =	sst s29;
	s30 =	sand.u32 $0x70, s24  }
0xbc: {  	s5 =	simm.s32 $0x0;
	v34 =	vmov s31;
	v35 =	vmov s0;
	[dreg:$0x1f] =	wrdreg s1;
	v33 =	vmov s30;
	s1 =	simm.s32 $0x0  }
.LBB2_3:
0xbd: {  	[smem:$0x7F2] =	sst s1  }
0xbe: {  	[smem:$0x7EE] =	sst s5  }
0xbf: {  	[smem:$0x7EC] =	sst s3  }
0xc0: {  	s0 =	rddreg [dreg:$0x4]  }
0xc1: {  	s28 =	rddreg [dreg:$0x5]  }
0xc2: {  	s2 =	rddreg [dreg:$0x6]  }
0xc3: {  	s29 =	rddreg [dreg:$0x7]  }
0xc4: {  	s6 =	rddreg [dreg:$0x8]  }
0xc5: {  	s7 =	rddreg [dreg:$0x9]  }
0xc6: {  	s12 =	sand.u32 $0x7000, s1;
	s10 =	rddreg [dreg:$0xc]  }
0xc7: {  	s14 =	rddreg [dreg:$0xd];
	s26 =	sor.u32 $0x900, s12  }
0xc8: {  	s13 =	sadd.s32 s0, s26;
	s0 =	rddreg [dreg:$0xa]  }
0xc9: {  	s15 =	sadd.s32 s2, s26;
	s2 =	rddreg [dreg:$0xb]  }
0xca: {  	s16 =	sadd.s32 s29, s26;
	s29 =	rddreg [dreg:$0x10]  }
0xcb: {  	s21 =	sand.u32 $0x200, s5;
	s25 =	sadd.s32 s10, s26;
	s10 =	rddreg [dreg:$0x12]  }
0xcc: {  	s4 =	sadd.s32 s28, s26;
	s18 =	sadd.s32 s7, s26;
	s7 =	rddreg [dreg:$0x13]  }
0xcd: {  	s28 =	sadd.s32 s14, s26;
	s14 =	rddreg [dreg:$0x14];
	s5 =	sadd.s32 s21, s13  }
0xce: {  	s30 =	sadd.s32 s21, s4;
	[smem:$0x7E7] =	sst s4;
	v36 =	vld.idx.msk [tilespmem:v7+s5+$0x0 ss:$0x1], $0xffff  }
0xcf: {  	s17 =	sadd.s32 s6, s26;
	s31 =	sadd.s32 s21, s15;
	[smem:$0x7D7] =	sst s25;
	v37 =	vld.idx.msk [tilespmem:v8+s30+$0x0 ss:$0x1], $0xffff  }
0xd0: {  	s8 =	sadd.s32 s21, s17;
	[smem:$0x7DE] =	sst s13;
	v38 =	vld.idx.msk [tilespmem:v9+s31+$0x0 ss:$0x1], $0xffff  }
0xd1: {  	s1 =	sadd.s32 s21, s16;
	s9 =	sadd.s32 s21, s18;
	v40 =	vld.idx.msk [tilespmem:v11+s8+$0x0 ss:$0x1], $0xffff;
	s8 =	rddreg [dreg:$0xe]  }
0xd2: {  	s20 =	sadd.s32 s2, s26;
	s22 =	sadd.s32 $0x400, s13;
	v41 =	vld.idx.msk [tilespmem:v12+s9+$0x0 ss:$0x1], $0xffff;
	s9 =	rddreg [dreg:$0xf]  }
0xd3: {  	s3 =	sadd.s32 s21, s25;
	v39 =	vld.idx.msk [tilespmem:v10+s1+$0x0 ss:$0x1], $0xffff;
	s31 =	rddreg [dreg:$0x11];
	s5 =	sadd.s32 s29, s26  }
0xd4: {  	s6 =	sadd.s32 s21, s28;
	s23 =	sadd.s32 s21, s20;
	v45 =	vld.idx.msk [tilespmem:v15+s3+$0x0 ss:$0x1], $0xffff;
	[smem:$0x7D9] =	sst s5  }
0xd5: {  	s3 =	smov.u32 s28;
	s28 =	sadd.s32 s7, s26;
	v43 =	vld.idx.msk [tilespmem:v14+s23+$0x0 ss:$0x1], $0xffff;
	s23 =	rddreg [dreg:$0x15]  }
0xd6: {  	s19 =	sadd.s32 s0, s26;
	s24 =	sadd.s32 s21, s22;
	v46 =	vld.idx.msk [tilespmem:v16+s6+$0x0 ss:$0x1], $0xffff;
	[smem:$0x7DA] =	sst s28  }
0xd7: {  	s11 =	sadd.s32 s21, s19;
	v44 =	vld.idx.msk [tilespmem:v7+s24+$0x0 ss:$0x1], $0xffff;
	s30 =	sadd.s32 s8, s26;
	s24 =	rddreg [dreg:$0x16]  }
0xd8: {  	v42 =	vld.idx.msk [tilespmem:v13+s11+$0x0 ss:$0x1], $0xffff;
	s5 =	sadd.s32 s21, s5;
	s6 =	sadd.s32 s21, s28;
	s28 =	rddreg [dreg:$0x18]  }
0xd9: {  	s9 =	sadd.s32 s9, s26;
	s8 =	sadd.s32 s31, s26;
	[smem:$0x7D8] =	sst s30;
	v48 =	vld.idx.msk [tilespmem:v19+s5+$0x0 ss:$0x1], $0xffff  }
0xda: {  	s1 =	sadd.s32 s21, s30;
	s2 =	sadd.s32 s21, s9;
	s11 =	sadd.s32 s21, s8;
	v53 =	vld.idx.msk [tilespmem:v22+s6+$0x0 ss:$0x1], $0xffff  }
0xdb: {  	s5 =	sadd.s32 $0x800, s13;
	s30 =	sadd.s32 s23, s26;
	s7 =	sadd.s32 s28, s26;
	v61 =	vld.idx.msk [tilespmem:v17+s1+$0x0 ss:$0x1], $0xffff  }
0xdc: {  	s31 =	sadd.s32 s24, s26;
	v47 =	vld.idx.msk [tilespmem:v18+s2+$0x0 ss:$0x1], $0xffff;
	s2 =	sadd.s32 s10, s26;
	[smem:$0x7DC] =	sst s7  }
0xdd: {  	v49 =	vld.idx.msk [tilespmem:v20+s11+$0x0 ss:$0x1], $0xffff;
	s25 =	sadd.s32 s21, s5;
	s10 =	sadd.s32 s14, s26;
	s14 =	rddreg [dreg:$0x1a]  }
0xde: {  	s23 =	sadd.s32 s21, s30;
	s1 =	sadd.s32 $0xC00, s13;
	v52 =	vld.idx.msk [tilespmem:v7+s25+$0x0 ss:$0x1], $0xffff;
	s25 =	rddreg [dreg:$0x17]  }
0xdf: {  	s24 =	sadd.s32 s21, s31;
	s29 =	sadd.s32 s21, s10;
	v55 =	vld.idx.msk [tilespmem:v24+s23+$0x0 ss:$0x1], $0xffff;
	[smem:$0x7DD] =	sst s1  }
0xe0: {  	s11 =	sadd.s32 s21, s2;
	s23 =	smov.u32 s31;
	v54 =	vld.idx.msk [tilespmem:v23+s29+$0x0 ss:$0x1], $0xffff;
	s29 =	rddreg [dreg:$0x19]  }
0xe1: {  	s31 =	sadd.s32 s21, s7;
	v51 =	vld.idx.msk [tilespmem:v21+s11+$0x0 ss:$0x1], $0xffff;
	s11 =	smov.u32 s30;
	s30 =	rddreg [dreg:$0x1b]  }
0xe2: {  	s7 =	sadd.s32 s21, s1;
	s6 =	sadd.s32 s25, s26;
	v58 =	vld.idx.msk [tilespmem:v27+s31+$0x0 ss:$0x1], $0xffff;
	s31 =	rddreg [dreg:$0x1c]  }
0xe3: {  	v56 =	vld.idx.msk [tilespmem:v25+s24+$0x0 ss:$0x1], $0xffff;
	[smem:$0x7DB] =	sst s6;
	s25 =	sadd.s32 s21, s6;
	s24 =	sadd.s32 s29, s26  }
0xe4: {  	v60 =	vld.idx.msk [tilespmem:v7+s7+$0x0 ss:$0x1], $0xffff;
	s6 =	smov.u32 s13;
	s13 =	rddreg [dreg:$0x1d];
	s7 =	sadd.s32 s31, s26  }
0xe5: {  	v57 =	vld.idx.msk [tilespmem:v26+s25+$0x0 ss:$0x1], $0xffff;
	s25 =	sadd.s32 s14, s26;
	s14 =	sadd.s32 s30, s26;
	s30 =	rddreg [dreg:$0x1e]  }
0xe6: {  	s0 =	sadd.s32 s21, s24;
	[smem:$0x7E3] =	sst s7  }
0xe7: {  	v59 =	vld.idx.msk [tilespmem:v28+s0+$0x0 ss:$0x1], $0xffff;
	[smem:$0x7F1] =	sst s14;
	s1 =	sadd.s32 s21, s25  }
0xe8: {  	s14 =	sadd.s32 s21, s14;
	s0 =	rddreg [dreg:$0x1f];
	v6 =	vld.idx.msk [tilespmem:v29+s1+$0x0 ss:$0x1], $0xffff  }
0xe9: {  	v5 =	vld.idx.msk [tilespmem:v30+s14+$0x0 ss:$0x1], $0xffff;
	s14 =	sadd.s32 s13, s26;
	s1 =	sadd.s32 s21, s7;
	s7 =	sadd.s32 s30, s26  }
0xea: {  	v36 =	vsel vm1, v36, v37;
	v4 =	vld.idx.msk [tilespmem:v31+s1+$0x0 ss:$0x1], $0xffff;
	s13 =	sadd.s32 s21, s14;
	s30 =	smov.u32 s14;
	[smem:$0x7E4] =	sst s14  }
0xeb: {  	v37 =	vsel vm1, v37, v38;
	v62 =	vperm.xlane v36, v32;
	s14 =	sadd.s32 s0, s26;
	s28 =	sadd.s32 s21, s7;
	v1 =	vld.idx.msk [tilespmem:v33+s13+$0x0 ss:$0x1], $0xffff;
	s13 =	sadd.s32 $0xC900, s12  }
0xec: {  	[smem:$0x7E8] =	sst s15;
	v38 =	vsel vm1, v38, v39;
	v63 =	vperm.xlane v37, v32;
	v0 =	vld.idx.msk [tilespmem:v34+s28+$0x0 ss:$0x1], $0xffff;
	s1 =	sadd.s32 s21, s14;
	s28 =	sor.u32 s21, s13  }
0xed: {  	[smem:$0x7EA] =	sst s18;
	v39 =	vsel vm1, v39, v40;
	s26 =	sor.u32 $0x80, s21;
	v3 =	vld.idx.msk [tilespmem:v35+s1+$0x0 ss:$0x1], $0xffff;
	[tilespmem:s28+$0x0] =	vst v62;
	v62 =	vperm.xlane v38, v32  }
0xee: {  	[smem:$0x7EB] =	sst s19;
	v40 =	vsel vm1, v40, v41;
	s6 =	sadd.s32 s26, s6;
	[tilespmem:s28+$0x10] =	vst v63;
	v63 =	vperm.xlane v39, v32  }
0xef: {  	v41 =	vsel vm1, v41, v42;
	s31 =	smov.u32 s7;
	[smem:$0x7E5] =	sst s7;
	s7 =	sadd.s32 s26, s4;
	v2 =	vld.idx.msk [tilespmem:v7+s6+$0x0 ss:$0x1], $0xffff;
	[tilespmem:s28+$0x20] =	vst v62;
	v62 =	vperm.xlane v40, v32  }
0xf0: {  	v42 =	vsel vm1, v42, v43;
	[smem:$0x7E6] =	sst s14;
	s14 =	smov.u32 s15;
	s15 =	sadd.s32 s26, s15;
	v50 =	vld.idx.msk [tilespmem:v8+s7+$0x0 ss:$0x1], $0xffff;
	[tilespmem:s28+$0x30] =	vst v63;
	v63 =	vperm.xlane v41, v32  }
0xf1: {  	[smem:$0x7E0] =	sst s2;
	v43 =	vsel vm1, v43, v44;
	v36 =	vld.idx.msk [tilespmem:v9+s15+$0x0 ss:$0x1], $0xffff;
	s7 =	smov.u32 s17;
	s17 =	sadd.s32 s26, s17;
	[tilespmem:s28+$0x40] =	vst v62;
	v62 =	vperm.xlane v42, v32  }
0xf2: {  	v44 =	vsel vm1, v44, v45;
	[smem:$0x7DF] =	sst s13;
	s13 =	smov.u32 s19;
	s19 =	sadd.s32 s26, s19;
	v38 =	vld.idx.msk [tilespmem:v11+s17+$0x0 ss:$0x1], $0xffff;
	[tilespmem:s28+$0x50] =	vst v63;
	v63 =	vperm.xlane v43, v32  }
0xf3: {  	v45 =	vsel vm1, v45, v46;
	s1 =	smov.u32 s18;
	s18 =	sadd.s32 s26, s18;
	v40 =	vld.idx.msk [tilespmem:v13+s19+$0x0 ss:$0x1], $0xffff;
	s19 =	sld [smem:$0x7D9];
	[tilespmem:s28+$0x60] =	vst v62;
	v62 =	vperm.xlane v44, v32  }
0xf4: {  	v46 =	vsel vm1, v46, v61;
	s15 =	smov.u32 s20;
	s20 =	sadd.s32 s26, s20;
	s6 =	sadd.s32 s26, s3;
	v39 =	vld.idx.msk [tilespmem:v12+s18+$0x0 ss:$0x1], $0xffff;
	[tilespmem:s28+$0x70] =	vst v63;
	v63 =	vperm.xlane v45, v32  }
0xf5: {  	v61 =	vsel vm1, v61, v47;
	s17 =	sadd.s32 s26, s9;
	v41 =	vld.idx.msk [tilespmem:v14+s20+$0x0 ss:$0x1], $0xffff;
	s20 =	smov.u32 s3;
	s3 =	sld [smem:$0x7D8];
	[tilespmem:s28+$0x400] =	vst v62;
	v62 =	vperm.xlane v46, v32  }
0xf6: {  	v61 =	vperm.xlane v61, v32;
	s18 =	sadd.s32 s26, s19;
	v46 =	vld.idx.msk [tilespmem:v18+s17+$0x0 ss:$0x1], $0xffff;
	[tilespmem:s28+$0x410] =	vst v63;
	v63 =	vsel vm1, v47, v48;
	s17 =	sld [smem:$0x7DA]  }
0xf7: {  	s4 =	simm.s32 $0x1;
	v47 =	vld.idx.msk [tilespmem:v19+s18+$0x0 ss:$0x1], $0xffff;
	s18 =	sld [smem:$0x7F2];
	[tilespmem:s28+$0x420] =	vst v62;
	v62 =	vperm.xlane v63, v32;
	v63 =	vsel vm1, v48, v49  }
0xf8: {  	[smem:$0x7EF] =	sst s10;
	s4 =	simm.s32 @!p1 $0x0;
	[tilespmem:s28+$0x430] =	vst v61;
	s12 =	sadd.s32 s26, s3;
	v44 =	vld.idx.msk [tilespmem:v16+s6+$0x0 ss:$0x1], $0xffff;
	v61 =	vperm.xlane v63, v32;
	v63 =	vsel vm1, v49, v51  }
0xf9: {  	s2 =	sadd.s32 s26, s2;
	s4 =	sshll.u32 s4, $0x9;
	v45 =	vld.idx.msk [tilespmem:v17+s12+$0x0 ss:$0x1], $0xffff;
	s6 =	smov.u32 s9;
	[tilespmem:s28+$0x440] =	vst v62;
	v62 =	vperm.xlane v63, v32;
	v63 =	vsel vm1, v51, v52  }
0xfa: {  	s9 =	sadd.s32 s26, s5;
	v49 =	vld.idx.msk [tilespmem:v21+s2+$0x0 ss:$0x1], $0xffff;
	s12 =	sadd.s32 s26, s17;
	s4 =	sadd.s32 s4, s18;
	[tilespmem:s28+$0x450] =	vst v61;
	v61 =	vperm.xlane v63, v32;
	v63 =	vsel vm1, v52, v53  }
0xfb: {  	s2 =	sadd.s32 s26, s10;
	s18 =	smov.u32 s11;
	v51 =	vld.idx.msk [tilespmem:v7+s9+$0x0 ss:$0x1], $0xffff;
	s9 =	smov.u32 s10;
	[tilespmem:s28+$0x460] =	vst v62;
	v62 =	vperm.xlane v63, v32;
	v63 =	vsel vm1, v53, v54  }
0xfc: {  	s10 =	sor.u32 $0x800, s4;
	v52 =	vld.idx.msk [tilespmem:v22+s12+$0x0 ss:$0x1], $0xffff;
	s12 =	sadd.s32 s26, s11;
	s11 =	sadd.s32 s26, s23;
	[tilespmem:s28+$0x470] =	vst v61;
	v61 =	vperm.xlane v63, v32;
	v63 =	vsel vm1, v54, v55  }
0xfd: {  	[tilespmem:s10+$0xC900] =	vst v62;
	v62 =	vperm.xlane v63, v32;
	v63 =	vsel vm1, v55, v56;
	v55 =	vld.idx.msk [tilespmem:v25+s11+$0x0 ss:$0x1], $0xffff;
	s11 =	sld [smem:$0x7DB]  }
0xfe: {  	[smem:$0x7E9] =	sst s16  }
0xff: {  	[smem:$0x7F0] =	sst s23  }
0x100: {  	v53 =	vld.idx.msk [tilespmem:v23+s2+$0x0 ss:$0x1], $0xffff;
	s2 =	sor.u32 $0x810, s4;
	s10 =	smov.u32 s23;
	s23 =	sadd.s32 s26, s11  }
0x101: {  	s0 =	smov.u32 s16;
	s16 =	sadd.s32 s26, s16;
	[tilespmem:s2+$0xC900] =	vst v61;
	v61 =	vperm.xlane v63, v32;
	v63 =	vsel vm1, v56, v57;
	v56 =	vld.idx.msk [tilespmem:v26+s23+$0x0 ss:$0x1], $0xffff;
	s23 =	sld [smem:$0x7DC]  }
0x102: {  	v37 =	vld.idx.msk [tilespmem:v10+s16+$0x0 ss:$0x1], $0xffff  }
0x103: {  	s16 =	smov.u32 s22;
	s22 =	sadd.s32 s26, s22;
	v54 =	vld.idx.msk [tilespmem:v24+s12+$0x0 ss:$0x1], $0xffff;
	s12 =	sor.u32 $0x820, s4  }
0x104: {  	v42 =	vld.idx.msk [tilespmem:v7+s22+$0x0 ss:$0x1], $0xffff;
	s22 =	sld [smem:$0x7D7];
	[tilespmem:s12+$0xC900] =	vst v62;
	s12 =	sadd.s32 s26, s23  }
0x105: {  	s2 =	sor.u32 $0x830, s4;
	v62 =	vperm.xlane v63, v32;
	v63 =	vsel vm1, v57, v58;
	v57 =	vld.idx.msk [tilespmem:v27+s12+$0x0 ss:$0x1], $0xffff;
	s12 =	sadd.s32 s26, s24  }
0x106: {  	[tilespmem:s2+$0xC900] =	vst v61;
	v61 =	vperm.xlane v63, v32;
	v63 =	vsel vm1, v58, v59;
	s2 =	sor.u32 $0x840, s4;
	v58 =	vld.idx.msk [tilespmem:v28+s12+$0x0 ss:$0x1], $0xffff;
	s12 =	sld [smem:$0x7DD]  }
0x107: {  	[smem:$0x7E1] =	sst s24;
	s29 =	sadd.s32 s26, s22;
	[tilespmem:s2+$0xC900] =	vst v62;
	v62 =	vperm.xlane v63, v32;
	v63 =	vsel vm1, v59, v60;
	s24 =	sor.u32 $0x850, s4  }
0x108: {  	v43 =	vld.idx.msk [tilespmem:v15+s29+$0x0 ss:$0x1], $0xffff;
	s29 =	sadd.s32 s26, s8;
	[tilespmem:s24+$0xC900] =	vst v61;
	v61 =	vperm.xlane v63, v32;
	v63 =	vsel vm1, v60, v6;
	s24 =	sor.u32 $0x860, s4  }
0x109: {  	v48 =	vld.idx.msk [tilespmem:v20+s29+$0x0 ss:$0x1], $0xffff;
	v6 =	vsel vm1, v6, v5;
	[tilespmem:s24+$0xC900] =	vst v62;
	v62 =	vperm.xlane v63, v32;
	s24 =	sor.u32 $0x870, s4;
	s2 =	sadd.s32 s26, s12  }
0x10a: {  	s29 =	sld [smem:$0x7E3];
	s28 =	sor.u32 $0xC00, s4;
	v6 =	vperm.xlane v6, v32;
	[tilespmem:s24+$0xC900] =	vst v61;
	v59 =	vld.idx.msk [tilespmem:v7+s2+$0x0 ss:$0x1], $0xffff;
	s2 =	sadd.s32 s26, s25  }
0x10b: {  	s24 =	sor.u32 $0xC10, s4;
	[tilespmem:s28+$0xC900] =	vst v62;
	v60 =	vld.idx.msk [tilespmem:v29+s2+$0x0 ss:$0x1], $0xffff;
	s2 =	sld [smem:$0x7F1]  }
0x10c: {  	[tilespmem:s24+$0xC900] =	vst v6;
	s24 =	sadd.s32 s26, s31;
	s31 =	sld [smem:$0x7E6];
	_ =	sdelay $0x1  }
0x10d: {  	[smem:$0x7E2] =	sst s25;
	v5 =	vsel vm1, v5, v4;
	v4 =	vsel vm1, v4, v1;
	v6 =	vsel vm1, v1, v0;
	v1 =	vld.idx.msk [tilespmem:v34+s24+$0x0 ss:$0x1], $0xffff;
	s25 =	sadd.s32 s26, s2  }
0x10e: {  	v5 =	vperm.xlane v5, v32;
	s24 =	sadd.s32 s26, s31;
	v61 =	vld.idx.msk [tilespmem:v30+s25+$0x0 ss:$0x1], $0xffff;
	s25 =	sadd.s32 s26, s29  }
0x10f: {  	s31 =	sld [smem:$0x7DE];
	v62 =	vld.idx.msk [tilespmem:v31+s25+$0x0 ss:$0x1], $0xffff;
	s25 =	sadd.s32 s26, s30;
	s30 =	sor.u32 $0xC20, s4  }
0x110: {  	[tilespmem:s30+$0xC900] =	vst v5;
	s30 =	sld [smem:$0x7E7]  }
0x111: {  	v4 =	vperm.xlane v4, v32;
	s28 =	sor.u32 $0x100, s21;
	v63 =	vld.idx.msk [tilespmem:v33+s25+$0x0 ss:$0x1], $0xffff  }
0x112: {  	s25 =	sor.u32 $0xC30, s4;
	v5 =	vld.idx.msk [tilespmem:v35+s24+$0x0 ss:$0x1], $0xffff;
	s24 =	sadd.s32 s28, s31  }
0x113: {  	v2 =	vsel vm1, v2, v50;
	[tilespmem:s25+$0xC900] =	vst v4;
	v4 =	vld.idx.msk [tilespmem:v7+s24+$0x0 ss:$0x1], $0xffff;
	s24 =	sadd.s32 s28, s30  }
0x114: {  	v0 =	vsel vm1, v0, v3;
	v3 =	vsel vm1, v50, v36;
	v6 =	vperm.xlane v6, v32;
	v50 =	vld.idx.msk [tilespmem:v8+s24+$0x0 ss:$0x1], $0xffff;
	s24 =	sld [smem:$0x7DF]  }
0x115: {  	v0 =	vperm.xlane v0, v32;
	s25 =	sor.u32 $0xC40, s4  }
0x116: {  	v2 =	vperm.xlane v2, v32;
	[tilespmem:s25+$0xC900] =	vst v6;
	s25 =	sor.u32 $0xC50, s4  }
0x117: {  	v3 =	vperm.xlane v3, v32;
	v6 =	vsel vm1, v36, v37;
	[tilespmem:s25+$0xC900] =	vst v0;
	s29 =	sor.u32 s26, s24  }
0x118: {  	v36 =	vsel vm1, v37, v38;
	v6 =	vperm.xlane v6, v32;
	[tilespmem:s29+$0x0] =	vst v2  }
0x119: {  	v37 =	vperm.xlane v36, v32;
	v36 =	vsel vm1, v38, v39;
	[tilespmem:s29+$0x10] =	vst v3  }
0x11a: {  	v38 =	vsel vm1, v39, v40;
	[tilespmem:s29+$0x20] =	vst v6;
	v6 =	vperm.xlane v36, v32  }
0x11b: {  	v40 =	vsel vm1, v40, v41;
	v39 =	vperm.xlane v38, v32;
	[tilespmem:s29+$0x30] =	vst v37  }
0x11c: {  	s25 =	sadd.s32 s28, s14;
	s30 =	sadd.s32 s28, s0;
	s0 =	sadd.s32 s28, s7;
	[tilespmem:s29+$0x40] =	vst v6;
	v6 =	vperm.xlane v40, v32;
	v40 =	vsel vm1, v41, v42  }
0x11d: {  	s14 =	smov.u32 s7;
	s7 =	sadd.s32 s28, s13;
	s13 =	sadd.s32 s28, s15;
	v0 =	vld.idx.msk [tilespmem:v9+s25+$0x0 ss:$0x1], $0xffff;
	[tilespmem:s29+$0x50] =	vst v39;
	v41 =	vperm.xlane v40, v32;
	v40 =	vsel vm1, v42, v43  }
0x11e: {  	v38 =	vld.idx.msk [tilespmem:v14+s13+$0x0 ss:$0x1], $0xffff;
	v42 =	vsel vm1, v43, v44;
	[tilespmem:s29+$0x60] =	vst v6;
	v6 =	vperm.xlane v40, v32  }
0x11f: {  	v2 =	vld.idx.msk [tilespmem:v10+s30+$0x0 ss:$0x1], $0xffff;
	v43 =	vperm.xlane v42, v32;
	v42 =	vsel vm1, v44, v45;
	[tilespmem:s29+$0x70] =	vst v41  }
0x120: {  	s1 =	sadd.s32 s28, s1;
	v3 =	vld.idx.msk [tilespmem:v11+s0+$0x0 ss:$0x1], $0xffff;
	v44 =	vsel vm1, v45, v46;
	[tilespmem:s29+$0x400] =	vst v6;
	v6 =	vperm.xlane v42, v32  }
0x121: {  	v36 =	vld.idx.msk [tilespmem:v12+s1+$0x0 ss:$0x1], $0xffff;
	v45 =	vperm.xlane v44, v32;
	v44 =	vsel vm1, v46, v47;
	[tilespmem:s29+$0x410] =	vst v43  }
0x122: {  	s25 =	sadd.s32 s28, s16;
	v37 =	vld.idx.msk [tilespmem:v13+s7+$0x0 ss:$0x1], $0xffff;
	v46 =	vsel vm1, v47, v48;
	[tilespmem:s29+$0x420] =	vst v6;
	v6 =	vperm.xlane v44, v32  }
0x123: {  	v39 =	vld.idx.msk [tilespmem:v7+s25+$0x0 ss:$0x1], $0xffff;
	s30 =	sadd.s32 s28, s22;
	v48 =	vsel vm1, v48, v49;
	v47 =	vperm.xlane v46, v32;
	[tilespmem:s29+$0x430] =	vst v45  }
0x124: {  	s0 =	sadd.s32 s28, s20;
	v40 =	vld.idx.msk [tilespmem:v15+s30+$0x0 ss:$0x1], $0xffff;
	[tilespmem:s29+$0x440] =	vst v6;
	v6 =	vperm.xlane v48, v32;
	v48 =	vsel vm1, v49, v51  }
0x125: {  	[smem:$0x7ED] =	sst s8;
	s1 =	sadd.s32 s28, s3;
	v41 =	vld.idx.msk [tilespmem:v16+s0+$0x0 ss:$0x1], $0xffff;
	[tilespmem:s29+$0x450] =	vst v47;
	v49 =	vsel vm1, v51, v52;
	v48 =	vperm.xlane v48, v32  }
0x126: {  	s26 =	sadd.s32 $0x80, s4;
	s7 =	sadd.s32 s28, s6;
	v42 =	vld.idx.msk [tilespmem:v17+s1+$0x0 ss:$0x1], $0xffff;
	s1 =	sld [smem:$0x7E0];
	v52 =	vsel vm1, v52, v53;
	[tilespmem:s29+$0x460] =	vst v6;
	v6 =	vperm.xlane v49, v32  }
0x127: {  	s25 =	sadd.s32 s28, s19;
	s30 =	sadd.s32 s28, s8;
	s8 =	sor.u32 $0x800, s26;
	v43 =	vld.idx.msk [tilespmem:v18+s7+$0x0 ss:$0x1], $0xffff;
	v51 =	vperm.xlane v52, v32;
	v52 =	vsel vm1, v53, v54;
	[tilespmem:s29+$0x470] =	vst v48  }
0x128: {  	s13 =	smov.u32 s6;
	s6 =	sadd.s32 s28, s5;
	v44 =	vld.idx.msk [tilespmem:v19+s25+$0x0 ss:$0x1], $0xffff;
	s25 =	sor.u32 $0x810, s26;
	[tilespmem:s8+$0xC900] =	vst v6;
	v6 =	vperm.xlane v52, v32;
	v52 =	vsel vm1, v54, v55  }
0x129: {  	v47 =	vld.idx.msk [tilespmem:v7+s6+$0x0 ss:$0x1], $0xffff;
	s6 =	sor.u32 $0x820, s26;
	s0 =	sadd.s32 s28, s1;
	v54 =	vsel vm1, v55, v56;
	[tilespmem:s25+$0xC900] =	vst v51;
	v53 =	vperm.xlane v52, v32  }
0x12a: {  	s7 =	sadd.s32 s28, s17;
	v46 =	vld.idx.msk [tilespmem:v21+s0+$0x0 ss:$0x1], $0xffff;
	s8 =	sor.u32 $0x830, s26;
	[tilespmem:s6+$0xC900] =	vst v6;
	v6 =	vperm.xlane v54, v32  }
0x12b: {  	s9 =	sadd.s32 s28, s9;
	v48 =	vld.idx.msk [tilespmem:v22+s7+$0x0 ss:$0x1], $0xffff;
	s7 =	sadd.s32 s28, s10;
	s10 =	sor.u32 $0x840, s26;
	v54 =	vsel vm1, v56, v57;
	v56 =	vsel vm1, v57, v58;
	[tilespmem:s8+$0xC900] =	vst v53  }
0x12c: {  	v49 =	vld.idx.msk [tilespmem:v23+s9+$0x0 ss:$0x1], $0xffff;
	s8 =	sadd.s32 s28, s12;
	[tilespmem:s10+$0xC900] =	vst v6;
	v6 =	vperm.xlane v56, v32;
	v56 =	vsel vm1, v58, v59  }
0x12d: {  	s0 =	sadd.s32 s28, s18;
	v55 =	vperm.xlane v54, v32;
	v57 =	vperm.xlane v56, v32;
	v56 =	vld.idx.msk [tilespmem:v7+s8+$0x0 ss:$0x1], $0xffff;
	s8 =	sld [smem:$0x7E2]  }
0x12e: {  	v51 =	vld.idx.msk [tilespmem:v24+s0+$0x0 ss:$0x1], $0xffff;
	s0 =	sor.u32 $0x850, s26  }
0x12f: {  	s9 =	sadd.s32 s28, s11;
	v52 =	vld.idx.msk [tilespmem:v25+s7+$0x0 ss:$0x1], $0xffff;
	s7 =	sor.u32 $0x860, s26;
	[tilespmem:s0+$0xC900] =	vst v55  }
0x130: {  	v53 =	vld.idx.msk [tilespmem:v26+s9+$0x0 ss:$0x1], $0xffff;
	s9 =	sor.u32 $0x870, s26;
	[tilespmem:s7+$0xC900] =	vst v6;
	s10 =	sadd.s32 s28, s8  }
0x131: {  	s25 =	sadd.s32 s28, s23;
	v58 =	vsel vm1, v59, v60;
	[tilespmem:s9+$0xC900] =	vst v57;
	v57 =	vld.idx.msk [tilespmem:v29+s10+$0x0 ss:$0x1], $0xffff;
	s10 =	sld [smem:$0x7E3]  }
0x132: {  	v54 =	vld.idx.msk [tilespmem:v27+s25+$0x0 ss:$0x1], $0xffff;
	s25 =	sld [smem:$0x7E1];
	v60 =	vsel vm1, v60, v61;
	v6 =	vperm.xlane v58, v32  }
0x133: {  	v59 =	vperm.xlane v60, v32;
	s0 =	sor.u32 $0xC00, s26  }
0x134: {  	v60 =	vsel vm1, v61, v62;
	s7 =	sor.u32 $0xC10, s26;
	[tilespmem:s0+$0xC900] =	vst v6;
	s9 =	sadd.s32 s28, s10  }
0x135: {  	s6 =	sadd.s32 s28, s25;
	v6 =	vperm.xlane v60, v32;
	v60 =	vsel vm1, v62, v63;
	[tilespmem:s7+$0xC900] =	vst v59;
	v59 =	vld.idx.msk [tilespmem:v31+s9+$0x0 ss:$0x1], $0xffff;
	s9 =	sld [smem:$0x7E4]  }
0x136: {  	v55 =	vld.idx.msk [tilespmem:v28+s6+$0x0 ss:$0x1], $0xffff;
	s6 =	sadd.s32 s28, s2;
	s0 =	sor.u32 $0xC20, s26;
	v61 =	vperm.xlane v60, v32  }
0x137: {  	v58 =	vld.idx.msk [tilespmem:v30+s6+$0x0 ss:$0x1], $0xffff;
	v62 =	vsel vm1, v63, v1;
	s6 =	sor.u32 $0xC30, s26;
	s7 =	sld [smem:$0x7E5];
	[tilespmem:s0+$0xC900] =	vst v6  }
0x138: {  	v5 =	vsel vm1, v1, v5;
	v6 =	vperm.xlane v62, v32;
	[tilespmem:s6+$0xC900] =	vst v61;
	s6 =	sld [smem:$0x7E6];
	s2 =	sadd.s32 s28, s9  }
0x139: {  	v5 =	vperm.xlane v5, v32;
	v4 =	vsel vm1, v4, v50;
	v60 =	vld.idx.msk [tilespmem:v33+s2+$0x0 ss:$0x1], $0xffff;
	s2 =	sor.u32 $0xC40, s26  }
0x13a: {  	v45 =	vld.idx.msk [tilespmem:v20+s30+$0x0 ss:$0x1], $0xffff;
	v61 =	vperm.xlane v4, v32;
	s0 =	sadd.s32 s28, s7;
	s26 =	sor.u32 $0xC50, s26;
	[tilespmem:s2+$0xC900] =	vst v6  }
0x13b: {  	s21 =	sor.u32 $0x180, s21;
	v50 =	vsel vm1, v50, v0;
	v63 =	vsel vm1, v0, v2;
	v1 =	vld.idx.msk [tilespmem:v34+s0+$0x0 ss:$0x1], $0xffff;
	s0 =	sadd.s32 s28, s6;
	[tilespmem:s26+$0xC900] =	vst v5;
	s26 =	sadd.s32 s28, s24  }
0x13c: {  	v6 =	vld.idx.msk [tilespmem:v35+s0+$0x0 ss:$0x1], $0xffff;
	s2 =	sadd.s32 s21, s31;
	v5 =	vperm.xlane v50, v32;
	[tilespmem:s26+$0x0] =	vst v61;
	v61 =	vsel vm1, v2, v3  }
0x13d: {  	v62 =	vsel vm1, v47, v48;
	v4 =	vld.idx.msk [tilespmem:v7+s2+$0x0 ss:$0x1], $0xffff;
	s28 =	sld [smem:$0x7E7];
	v50 =	vperm.xlane v63, v32;
	v61 =	vperm.xlane v61, v32  }
0x13e: {  	[tilespmem:s26+$0x10] =	vst v5;
	v5 =	vsel vm1, v3, v36;
	v36 =	vsel vm1, v36, v37;
	v37 =	vsel vm1, v37, v38  }
0x13f: {  	s29 =	sld [smem:$0x7E8];
	s31 =	sadd.s32 s21, s14;
	[tilespmem:s26+$0x20] =	vst v50;
	v38 =	vsel vm1, v38, v39;
	v39 =	vsel vm1, v39, v40;
	v40 =	vsel vm1, v40, v41  }
0x140: {  	s30 =	sld [smem:$0x7E9];
	v41 =	vsel vm1, v41, v42;
	v42 =	vsel vm1, v42, v43;
	s0 =	sadd.s32 s21, s28;
	v50 =	vperm.xlane v5, v32;
	v5 =	vld.idx.msk [tilespmem:v11+s31+$0x0 ss:$0x1], $0xffff  }
0x141: {  	v43 =	vsel vm1, v43, v44;
	v44 =	vsel vm1, v44, v45;
	v45 =	vsel vm1, v45, v46;
	s31 =	sadd.s32 s21, s20;
	s20 =	sadd.s32 s21, s5;
	v0 =	vld.idx.msk [tilespmem:v8+s0+$0x0 ss:$0x1], $0xffff  }
0x142: {  	s2 =	sld [smem:$0x7EA];
	v46 =	vsel vm1, v46, v47;
	s0 =	sadd.s32 s21, s29;
	[tilespmem:s26+$0x30] =	vst v61;
	v61 =	vperm.xlane v36, v32;
	v47 =	vld.idx.msk [tilespmem:v7+s20+$0x0 ss:$0x1], $0xffff  }
0x143: {  	v2 =	vld.idx.msk [tilespmem:v9+s0+$0x0 ss:$0x1], $0xffff;
	s0 =	sadd.s32 s21, s30;
	[tilespmem:s26+$0x40] =	vst v50;
	v50 =	vperm.xlane v37, v32  }
0x144: {  	s14 =	sld [smem:$0x7EB];
	s28 =	sadd.s32 s21, s15;
	v3 =	vld.idx.msk [tilespmem:v10+s0+$0x0 ss:$0x1], $0xffff;
	[tilespmem:s26+$0x50] =	vst v61;
	v61 =	vperm.xlane v38, v32  }
0x145: {  	s0 =	sadd.s32 s21, s2;
	v38 =	vld.idx.msk [tilespmem:v14+s28+$0x0 ss:$0x1], $0xffff;
	[tilespmem:s26+$0x60] =	vst v50;
	v50 =	vperm.xlane v39, v32  }
0x146: {  	s29 =	sadd.s32 s21, s16;
	v36 =	vld.idx.msk [tilespmem:v12+s0+$0x0 ss:$0x1], $0xffff;
	[tilespmem:s26+$0x70] =	vst v61;
	v61 =	vperm.xlane v40, v32  }
0x147: {  	s0 =	sadd.s32 s21, s14;
	v39 =	vld.idx.msk [tilespmem:v7+s29+$0x0 ss:$0x1], $0xffff;
	[tilespmem:s26+$0x400] =	vst v50;
	v50 =	vperm.xlane v41, v32  }
0x148: {  	v48 =	vsel vm1, v48, v49;
	s16 =	sld [smem:$0x7ED];
	s30 =	sadd.s32 s21, s22;
	v37 =	vld.idx.msk [tilespmem:v13+s0+$0x0 ss:$0x1], $0xffff;
	[tilespmem:s26+$0x410] =	vst v61;
	v61 =	vperm.xlane v42, v32  }
0x149: {  	v49 =	vsel vm1, v49, v51;
	v40 =	vld.idx.msk [tilespmem:v15+s30+$0x0 ss:$0x1], $0xffff;
	[tilespmem:s26+$0x420] =	vst v50;
	v50 =	vperm.xlane v43, v32  }
0x14a: {  	v51 =	vsel vm1, v51, v52;
	s2 =	sadd.s32 s21, s3;
	v41 =	vld.idx.msk [tilespmem:v16+s31+$0x0 ss:$0x1], $0xffff;
	[tilespmem:s26+$0x430] =	vst v61;
	v61 =	vperm.xlane v44, v32  }
0x14b: {  	v52 =	vsel vm1, v52, v53;
	s0 =	sadd.s32 s21, s16;
	v42 =	vld.idx.msk [tilespmem:v17+s2+$0x0 ss:$0x1], $0xffff;
	[tilespmem:s26+$0x440] =	vst v50;
	v50 =	vperm.xlane v45, v32  }
0x14c: {  	v53 =	vsel vm1, v53, v54;
	v63 =	vperm.xlane v62, v32;
	s14 =	sadd.s32 s21, s13;
	v45 =	vld.idx.msk [tilespmem:v20+s0+$0x0 ss:$0x1], $0xffff;
	s0 =	sadd.s32 $0x100, s4;
	[tilespmem:s26+$0x450] =	vst v61  }
0x14d: {  	v48 =	vperm.xlane v48, v32;
	s15 =	sadd.s32 s21, s19;
	s29 =	sld [smem:$0x7EF];
	v43 =	vld.idx.msk [tilespmem:v18+s14+$0x0 ss:$0x1], $0xffff;
	v61 =	vperm.xlane v46, v32;
	s22 =	sor.u32 $0x800, s0;
	[tilespmem:s26+$0x460] =	vst v50  }
0x14e: {  	v49 =	vperm.xlane v49, v32;
	v51 =	vperm.xlane v51, v32;
	s19 =	sadd.s32 s21, s1;
	v44 =	vld.idx.msk [tilespmem:v19+s15+$0x0 ss:$0x1], $0xffff;
	[tilespmem:s22+$0xC900] =	vst v63  }
0x14f: {  	v52 =	vperm.xlane v52, v32;
	v53 =	vperm.xlane v53, v32;
	s14 =	sld [smem:$0x7F0];
	v46 =	vld.idx.msk [tilespmem:v21+s19+$0x0 ss:$0x1], $0xffff;
	s28 =	sor.u32 $0x810, s0;
	[tilespmem:s26+$0x470] =	vst v61;
	s26 =	sadd.s32 s21, s17  }
0x150: {  	v54 =	vsel vm1, v54, v55;
	v55 =	vsel vm1, v55, v56;
	s2 =	sadd.s32 s21, s29;
	s30 =	sor.u32 $0x820, s0;
	v50 =	vld.idx.msk [tilespmem:v22+s26+$0x0 ss:$0x1], $0xffff;
	[tilespmem:s28+$0xC900] =	vst v48  }
0x151: {  	v54 =	vperm.xlane v54, v32;
	v55 =	vperm.xlane v55, v32;
	s31 =	sadd.s32 s21, s18;
	s13 =	sor.u32 $0x830, s0;
	v48 =	vld.idx.msk [tilespmem:v23+s2+$0x0 ss:$0x1], $0xffff;
	[tilespmem:s30+$0xC900] =	vst v49  }
0x152: {  	v56 =	vsel vm1, v56, v57;
	v57 =	vsel vm1, v57, v58;
	s15 =	sor.u32 $0x840, s0;
	s2 =	sadd.s32 s21, s14;
	v49 =	vld.idx.msk [tilespmem:v24+s31+$0x0 ss:$0x1], $0xffff;
	[tilespmem:s13+$0xC900] =	vst v51  }
0x153: {  	v58 =	vsel vm1, v58, v59;
	v59 =	vsel vm1, v59, v60;
	s17 =	sor.u32 $0x850, s0;
	s31 =	sadd.s32 s21, s10;
	v51 =	vld.idx.msk [tilespmem:v25+s2+$0x0 ss:$0x1], $0xffff;
	[tilespmem:s15+$0xC900] =	vst v52  }
0x154: {  	v60 =	vsel vm1, v60, v1;
	v1 =	vsel vm1, v1, v6;
	s16 =	sadd.s32 s21, s11;
	s19 =	sor.u32 $0x860, s0;
	v6 =	vld.idx.msk [tilespmem:v31+s31+$0x0 ss:$0x1], $0xffff;
	[tilespmem:s17+$0xC900] =	vst v53  }
0x155: {  	v56 =	vperm.xlane v56, v32;
	s18 =	sadd.s32 s21, s23;
	s22 =	sor.u32 $0x870, s0;
	v52 =	vld.idx.msk [tilespmem:v26+s16+$0x0 ss:$0x1], $0xffff;
	[tilespmem:s19+$0xC900] =	vst v54  }
0x156: {  	v57 =	vperm.xlane v57, v32;
	s20 =	sadd.s32 s21, s25;
	s29 =	sld [smem:$0x7F1];
	s25 =	sor.u32 $0xC00, s0;
	v53 =	vld.idx.msk [tilespmem:v27+s18+$0x0 ss:$0x1], $0xffff;
	[tilespmem:s22+$0xC900] =	vst v55  }
0x157: {  	v58 =	vperm.xlane v58, v32;
	s23 =	sadd.s32 s21, s12;
	s28 =	sor.u32 $0xC10, s0;
	v54 =	vld.idx.msk [tilespmem:v28+s20+$0x0 ss:$0x1], $0xffff;
	[tilespmem:s25+$0xC900] =	vst v56  }
0x158: {  	v59 =	vperm.xlane v59, v32;
	s26 =	sadd.s32 s21, s8;
	s30 =	sor.u32 $0xC20, s0;
	v55 =	vld.idx.msk [tilespmem:v7+s23+$0x0 ss:$0x1], $0xffff;
	[tilespmem:s28+$0xC900] =	vst v57  }
0x159: {  	v62 =	vperm.xlane v60, v32;
	s8 =	sor.u32 $0xC30, s0;
	s2 =	sadd.s32 s21, s29;
	v56 =	vld.idx.msk [tilespmem:v29+s26+$0x0 ss:$0x1], $0xffff;
	[tilespmem:s30+$0xC900] =	vst v58  }
0x15a: {  	v1 =	vperm.xlane v1, v32;
	s12 =	sadd.s32 s21, s7;
	v4 =	vsel vm1, v4, v0;
	s11 =	sor.u32 $0xC40, s0;
	v57 =	vld.idx.msk [tilespmem:v30+s2+$0x0 ss:$0x1], $0xffff;
	[tilespmem:s8+$0xC900] =	vst v59  }
0x15b: {  	v4 =	vperm.xlane v4, v32;
	v0 =	vsel vm1, v0, v2;
	s10 =	sadd.s32 s21, s9;
	s0 =	sor.u32 $0xC50, s0;
	v58 =	vld.idx.msk [tilespmem:v34+s12+$0x0 ss:$0x1], $0xffff;
	[tilespmem:s11+$0xC900] =	vst v62  }
0x15c: {  	v0 =	vperm.xlane v0, v32;
	v2 =	vsel vm1, v2, v3;
	s14 =	sadd.s32 s21, s24;
	s13 =	sadd.s32 s21, s6;
	v59 =	vld.idx.msk [tilespmem:v33+s10+$0x0 ss:$0x1], $0xffff;
	[tilespmem:s0+$0xC900] =	vst v1  }
0x15d: {  	v3 =	vsel vm1, v3, v5;
	v2 =	vperm.xlane v2, v32;
	v1 =	vld.idx.msk [tilespmem:v35+s13+$0x0 ss:$0x1], $0xffff;
	[tilespmem:s14+$0x0] =	vst v4  }
0x15e: {  	v60 =	vsel vm1, v5, v36;
	v63 =	vperm.xlane v3, v32;
	[tilespmem:s14+$0x10] =	vst v0  }
0x15f: {  	v61 =	vperm.xlane v60, v32;
	v62 =	vsel vm1, v36, v37;
	[tilespmem:s14+$0x20] =	vst v2  }
0x160: {  	v36 =	vsel vm1, v37, v38;
	[tilespmem:s14+$0x30] =	vst v63;
	v63 =	vperm.xlane v62, v32  }
0x161: {  	v38 =	vsel vm1, v38, v39;
	[tilespmem:s14+$0x40] =	vst v61;
	v37 =	vperm.xlane v36, v32  }
0x162: {  	v60 =	vperm.xlane v38, v32;
	v61 =	vsel vm1, v39, v40;
	[tilespmem:s14+$0x50] =	vst v63  }
0x163: {  	v39 =	vsel vm1, v42, v43;
	v62 =	vperm.xlane v61, v32;
	[tilespmem:s14+$0x60] =	vst v37  }
0x164: {  	v63 =	vsel vm1, v40, v41;
	[tilespmem:s14+$0x70] =	vst v60;
	v40 =	vperm.xlane v39, v32  }
0x165: {  	v37 =	vsel vm1, v41, v42;
	v36 =	vperm.xlane v63, v32;
	[tilespmem:s14+$0x400] =	vst v62  }
0x166: {  	v41 =	vsel vm1, v43, v44;
	v38 =	vperm.xlane v37, v32;
	[tilespmem:s14+$0x430] =	vst v40  }
0x167: {  	v43 =	vsel vm1, v44, v45;
	v42 =	vperm.xlane v41, v32;
	[tilespmem:s14+$0x410] =	vst v36  }
0x168: {  	v45 =	vsel vm1, v45, v46;
	v44 =	vperm.xlane v43, v32;
	[tilespmem:s14+$0x420] =	vst v38  }
0x169: {  	v61 =	vsel vm1, v46, v47;
	v60 =	vperm.xlane v45, v32;
	[tilespmem:s14+$0x440] =	vst v42  }
0x16a: {  	v62 =	vperm.xlane v61, v32;
	v63 =	vsel vm1, v47, v50;
	[tilespmem:s14+$0x450] =	vst v44  }
0x16b: {  	s15 =	sadd.s32 $0x180, s4;
	v37 =	vsel vm1, v50, v48;
	[tilespmem:s14+$0x460] =	vst v60;
	v36 =	vperm.xlane v63, v32  }
0x16c: {  	s16 =	sor.u32 $0x800, s15;
	v39 =	vsel vm1, v48, v49;
	[tilespmem:s14+$0x470] =	vst v62;
	v38 =	vperm.xlane v37, v32  }
0x16d: {  	s17 =	sor.u32 $0x810, s15;
	v41 =	vsel vm1, v49, v51;
	v40 =	vperm.xlane v39, v32;
	[tilespmem:s16+$0xC900] =	vst v36  }
0x16e: {  	s18 =	sor.u32 $0x820, s15;
	v43 =	vsel vm1, v51, v52;
	v42 =	vperm.xlane v41, v32;
	[tilespmem:s17+$0xC900] =	vst v38  }
0x16f: {  	s19 =	sor.u32 $0x830, s15;
	v45 =	vsel vm1, v52, v53;
	v44 =	vperm.xlane v43, v32;
	[tilespmem:s18+$0xC900] =	vst v40  }
0x170: {  	s20 =	sor.u32 $0x840, s15;
	v47 =	vsel vm1, v53, v54;
	v46 =	vperm.xlane v45, v32;
	[tilespmem:s19+$0xC900] =	vst v42  }
0x171: {  	s3 =	sld [smem:$0x7EC];
	s21 =	sor.u32 $0x850, s15;
	v49 =	vsel vm1, v54, v55;
	v48 =	vperm.xlane v47, v32;
	[tilespmem:s20+$0xC900] =	vst v44  }
0x172: {  	s22 =	sor.u32 $0x860, s15;
	v51 =	vsel vm1, v55, v56;
	v50 =	vperm.xlane v49, v32;
	[tilespmem:s21+$0xC900] =	vst v46  }
0x173: {  	s23 =	sor.u32 $0x870, s15;
	v53 =	vsel vm1, v56, v57;
	v52 =	vperm.xlane v51, v32;
	[tilespmem:s22+$0xC900] =	vst v48  }
0x174: {  	s3 =	sadd.s32 $0x4, s3;
	s24 =	sor.u32 $0xC00, s15;
	v55 =	vsel vm1, v57, v6;
	v54 =	vperm.xlane v53, v32;
	[tilespmem:s23+$0xC900] =	vst v50  }
0x175: {  	p2 =	slt.u32 s3, $0x2C;
	s25 =	sor.u32 $0xC10, s15;
	v57 =	vsel vm1, v6, v59;
	v56 =	vperm.xlane v55, v32;
	[tilespmem:s24+$0xC900] =	vst v52  }
.Ltmp0:
0x176: {  	s5 =	sld [smem:$0x7EE];
	s26 =	sor.u32 $0xC20, s15;
	v61 =	vsel vm1, v59, v58;
	v60 =	vperm.xlane v57, v32;
	[tilespmem:s25+$0xC900] =	vst v54;
	(pc) =	sbr.rel @p2 .LBB2_3-.Ltmp0, $4  }
0x177: {  	s31 =	sld [smem:$0x7F2];
	s28 =	sor.u32 $0xC30, s15;
	v62 =	vperm.xlane v61, v32;
	v1 =	vsel vm1, v58, v1;
	[tilespmem:s26+$0xC900] =	vst v56  }
0x178: {  	s29 =	sor.u32 $0xC40, s15;
	v63 =	vperm.xlane v1, v32;
	[tilespmem:s28+$0xC900] =	vst v60  }
0x179: {  	s30 =	sor.u32 $0xC50, s15;
	[tilespmem:s29+$0xC900] =	vst v62  }
0x17a: {  	p1 =	por !p1, !p1;
	s5 =	sadd.s32 $0x200, s5;
	s1 =	sadd.s32 $0x800, s31;
	[tilespmem:s30+$0xC900] =	vst v63  }
0x17b: {  	s4 =	sld [smem:$0x7F7];
	_ =	sdelay $0x2  }
0x17c: {  	s0 =	smul.u32 $0xCD, s4;
	_ =	sdelay $0x1  }
0x17d: {  	s1 =	sld [smem:$0x7FC];
	s0 =	sshrl.u32 s0, $0xB  }
0x17e: {  	s2 =	sld [smem:$0x7F3];
	s0 =	sand.u32 $0x1F, s0  }
0x17f: {  	s0 =	smul.u32 $0xA, s0  }
0x180: {  	s31 =	sld [smem:$0x7F6]  }
0x181: {  	s1 =	sadd.s32 s2, s1;
	s0 =	ssub.s32 s4, s0  }
0x182: {  	s1 =	smul.u32 $0x1E0, s1;
	s0 =	sand.u32 $0xFF, s0  }
0x183: {  	p1 =	sne.s32 s31, $0x1D;
	s0 =	smul.u32 $0x30, s0  }
.Ltmp1:
0x184: {  	_ = 	snop;
	(pc) =	sbr.rel @p1 .LBB2_6-.Ltmp1, $4  }
0x185: {  	s0 =	sadd.s32 s0, s1  }
0x186: {  	s29 =	rddreg [dreg:$0x2];
	s3 =	simm.s32 $0x0;
	s0 =	sshll.u32 s0, $0x6  }
0x187: {  	s30 =	simm.s32 $0xC900;
	[smem:$0x7D6] =	sst s1;
	s0 =	sadd.s32 s29, s0  }
0x188: {  	[hbm4b:s0+s3] =	stream.linear.scatter [tilespmem:s30], [sflag:$0x3], $0x6000, $0x38;
	[tilespmem:$0x18900] =	vst v63  }
.Ltmp2:
0x189: {  	(pc) =	sbr.rel .LBB2_7-.Ltmp2, $4  }
0x18a: {  	s0 =	simm.s32 $0x2  }
0x18b: {  	_ =	swait.ge [sflag:s0], $0x6000  }
0x18c: {  	[sflag:s0] =	ssyncset.done $0x0  }
0x18d: {  	[sflag:s0] =	ssyncadd.s32 $0xFFFFA000  }
.LBB2_6:
0x18e: {  	s0 =	sadd.s32 $0x2, s4  }
0x18f: {  	s1 =	smulhi.u32 $0x66666667, s0;
	_ =	sdelay $0x1  }
0x190: {  	s2 =	sshll.u32 s1, $0x5  }
0x191: {  	s2 =	sand.u32 $0x3FFFFF80, s2  }
0x192: {  	s1 =	sshrl.u32 s1, $0x2;
	v0 =	vld [tilespmem:s2+$0x0]  }
0x193: {  	s1 =	smul.u32 $0xA, s1;
	_ =	sdelay $0x1  }
0x194: {  	s0 =	ssub.s32 s0, s1  }
0x195: {  	v1 =	vlaneseq.u32;
	s0 =	smul.u32 $0x30, s0  }
0x196: {  	v4 =	vld [tilespmem:$0x1FFC0];
	v0 =	vadd.s32 v1, v0  }
0x197: {  	v1 =	vadd.s32 s0, v0  }
0x198: {  	v5 =	vld [tilespmem:$0x1FFD0];
	v2 =	vshll.u32 v1, $0x2  }
0x199: {  	v3 =	vand.u32 $0x7, v0;
	v2 =	vand.u32 $0xFFFFFFE0, v2  }
0x19a: {  	v6 =	vld [tilespmem:$0x1FFE0];
	v2 =	vor.u32 v3, v2  }
0x19b: {  	v3 =	vperm.xlane v2, v4;
	_ =	sdelay $0x1  }
0x19c: {  	v3 =	vadd.s32 v5, v3  }
0x19d: {  	s15 =	sor.u32 $0x10, s0  }
0x19e: {  	v60 =	vadd.s32 s15, v0;
	s0 =	sadd.s32 $0x20, s0;
	[tilespmem:$0x800] =	vst v1;
	v2 =	vperm.xlane v2, v6  }
0x19f: {  	s16 =	rddreg [dreg:$0x0];
	[tilespmem:$0x810] =	vst v60;
	v0 =	vadd.s32 s0, v0  }
0x1a0: {  	s17 =	simm.s32 $0x900;
	s18 =	sld [smem:$0x7FB];
	[tilespmem:$0x820] =	vst v0;
	v61 =	vadd.s32 v5, v2  }
0x1a1: {  	[tilespmem:s17], [sflag:$0x1] =	stream.indirect_vreg.gather [hbm4b:s16+s3], $0x80, v3, vm0, $0xb8;
	[tilespmem:$0x18900] =	vst v63  }
0x1a2: {  	s19 =	simm.s32 $0x1100  }
0x1a3: {  	[tilespmem:s19], [sflag:$0x1] =	stream.indirect_vreg.gather [hbm4b:s18+s3], $0x80, v3, vm0, $0xb8;
	[tilespmem:$0x18900] =	vst v63  }
0x1a4: {  	s20 =	simm.s32 $0x1900  }
0x1a5: {  	[tilespmem:s20], [sflag:$0x1] =	stream.indirect_vreg.gather [hbm4b:s16+s3], $0x80, v61, vm0, $0xb8;
	[tilespmem:$0x18900] =	vst v63  }
0x1a6: {  	s21 =	simm.s32 $0x2100  }
0x1a7: {  	[tilespmem:s21], [sflag:$0x1] =	stream.indirect_vreg.gather [hbm4b:s18+s3], $0x80, v61, vm0, $0xb8;
	[tilespmem:$0x18900] =	vst v63  }
0x1a8: {  	v0 =	vld [tilespmem:$0x810];
	_ =	sdelay $0x4  }
0x1a9: {  	v62 =	vshll.u32 v0, $0x2  }
0x1aa: {  	v0 =	vand.u32 $0x7, v0;
	v1 =	vand.u32 $0xFFFFFFE0, v62  }
0x1ab: {  	v0 =	vor.u32 v0, v1  }
0x1ac: {  	v1 =	vperm.xlane v0, v4;
	_ =	sdelay $0x1  }
0x1ad: {  	v1 =	vadd.s32 v5, v1;
	_ =	sdelay $0x1  }
0x1ae: {  	v0 =	vperm.xlane v0, v6;
	_ =	sdelay $0x1  }
0x1af: {  	s22 =	simm.s32 $0x2900;
	v0 =	vadd.s32 v5, v0  }
0x1b0: {  	[tilespmem:s22], [sflag:$0x1] =	stream.indirect_vreg.gather [hbm4b:s16+s3], $0x80, v1, vm0, $0xb8;
	[tilespmem:$0x18900] =	vst v63  }
0x1b1: {  	s23 =	simm.s32 $0x3100  }
0x1b2: {  	[tilespmem:s23], [sflag:$0x1] =	stream.indirect_vreg.gather [hbm4b:s18+s3], $0x80, v1, vm0, $0xb8;
	[tilespmem:$0x18900] =	vst v63  }
0x1b3: {  	s24 =	simm.s32 $0x3900  }
0x1b4: {  	[tilespmem:s24], [sflag:$0x1] =	stream.indirect_vreg.gather [hbm4b:s16+s3], $0x80, v0, vm0, $0xb8;
	[tilespmem:$0x18900] =	vst v63  }
0x1b5: {  	s25 =	simm.s32 $0x4100  }
0x1b6: {  	[tilespmem:s25], [sflag:$0x1] =	stream.indirect_vreg.gather [hbm4b:s18+s3], $0x80, v0, vm0, $0xb8;
	[tilespmem:$0x18900] =	vst v63  }
0x1b7: {  	v0 =	vld [tilespmem:$0x820];
	_ =	sdelay $0x4  }
0x1b8: {  	v63 =	vshll.u32 v0, $0x2  }
0x1b9: {  	v0 =	vand.u32 $0x7, v0;
	v1 =	vand.u32 $0xFFFFFFE0, v63  }
0x1ba: {  	v0 =	vor.u32 v0, v1  }
0x1bb: {  	v1 =	vperm.xlane v0, v4;
	_ =	sdelay $0x1  }
0x1bc: {  	v1 =	vadd.s32 v5, v1;
	_ =	sdelay $0x1  }
0x1bd: {  	v0 =	vperm.xlane v0, v6;
	_ =	sdelay $0x1  }
0x1be: {  	s26 =	simm.s32 $0x4900;
	v0 =	vadd.s32 v5, v0  }
0x1bf: {  	[tilespmem:s26], [sflag:$0x1] =	stream.indirect_vreg.gather [hbm4b:s16+s3], $0x80, v1, vm0, $0xb8;
	[tilespmem:$0x18900] =	vst v63  }
0x1c0: {  	s28 =	simm.s32 $0x5100  }
0x1c1: {  	[tilespmem:s28], [sflag:$0x1] =	stream.indirect_vreg.gather [hbm4b:s18+s3], $0x80, v1, vm0, $0xb8;
	[tilespmem:$0x18900] =	vst v63  }
0x1c2: {  	s29 =	simm.s32 $0x5900  }
0x1c3: {  	[tilespmem:s29], [sflag:$0x1] =	stream.indirect_vreg.gather [hbm4b:s16+s3], $0x80, v0, vm0, $0xb8;
	[tilespmem:$0x18900] =	vst v63  }
.Ltmp3:
0x1c4: {  	s30 =	simm.s32 $0x6100;
	s31 =	simm.s32 $0x2;
	(pc) =	sbr.rel @p0 .LBB2_8-.Ltmp3, $4  }
0x1c5: {  	[tilespmem:s30], [sflag:$0x1] =	stream.indirect_vreg.gather [hbm4b:s18+s3], $0x80, v0, vm0, $0xb8;
	[tilespmem:$0x18900] =	vst v63  }
0x1c6: {  	_ =	swait.ge [sflag:s31], $0x6000  }
0x1c7: {  	[sflag:s31] =	ssyncset.done $0x0  }
0x1c8: {  	[sflag:s31] =	ssyncadd.s32 $0xFFFFA000  }
.LBB2_7:
0x1c9: {  	s0 =	simm.s32 $0x4  }
0x1ca: {  	_ =	swait.ge [sflag:s0], $0x6000  }
0x1cb: {  	[sflag:s0] =	ssyncset.done $0x0  }
0x1cc: {  	[sflag:s0] =	ssyncadd.s32 $0xFFFFA000  }
.LBB2_8:
0x1cd: {  	s0 =	sld [smem:$0x7F5];
	_ =	sdelay $0x2  }
0x1ce: {  	v33 =	vld [tilespmem:s0+$0x400];
	_ =	sdelay $0x4  }
0x1cf: {  	v0 =	vxor.u32 $0x80000000, v33  }
0x1d0: {  	(xrf0) =	vmax.scan.msk.u32 $0xffff, v0;
	_ =	sdelay $0x5  }
0x1d1: {  	v0, _, _ =	vpop (xrf0)  }
0x1d2: {  	(v2sf) =	vpush v0, $0xF;
	_ =	sdelay $0xe  }
0x1d3: {  	s1 =	spop (v2sf)  }
0x1d4: {  	p0 =	por $0x0, $0x0;
	s0 =	sand.u32 $0xFFFFFFF0, s1;
	s3 =	sshll.u32 s1, $0x3  }
0x1d5: {  	s1 =	sand.u32 $0x70, s1;
	s2 =	sadd.s32 $0x10, s0;
	s4 =	sand.u32 $0xFFFFFC00, s3  }
0x1d6: {  	s3 =	sadd.s32 $0x20, s0;
	v7 =	vmov s1;
	s1 =	simm.s32 $0x0;
	s5 =	sshll.u32 s2, $0x3  }
0x1d7: {  	[smem:$0x7BA] =	sst s4;
	s12 =	sshll.u32 s3, $0x3;
	s4 =	sadd.s32 $0x30, s0  }
0x1d8: {  	s2 =	sand.u32 $0x70, s2;
	s3 =	sand.u32 $0x70, s3;
	s11 =	sand.u32 $0xFFFFFC00, s5  }
0x1d9: {  	s5 =	sand.u32 $0xFFFFFC00, s12;
	s6 =	sshll.u32 s4, $0x3;
	[smem:$0x7BB] =	sst s11  }
0x1da: {  	s4 =	sand.u32 $0x70, s4;
	[smem:$0x7BC] =	sst s5;
	s5 =	sadd.s32 $0x40, s0  }
0x1db: {  	s7 =	sand.u32 $0xFFFFFC00, s6;
	s6 =	sadd.s32 $0x50, s0;
	s8 =	sshll.u32 s5, $0x3  }
0x1dc: {  	[smem:$0x7BD] =	sst s7;
	s14 =	sshll.u32 s6, $0x3;
	s7 =	sadd.s32 $0x70, s0  }
0x1dd: {  	s13 =	sand.u32 $0xFFFFFC00, s8;
	s15 =	sand.u32 $0xFFFFFC00, s14;
	s8 =	sadd.s32 $0x60, s0  }
0x1de: {  	v10 =	vmov s4;
	s11 =	sshll.u32 s7, $0x3;
	s4 =	sand.u32 $0x70, s7;
	[smem:$0x7BE] =	sst s13  }
0x1df: {  	[smem:$0x7BF] =	sst s15;
	s9 =	sshll.u32 s8, $0x3;
	s16 =	sand.u32 $0xFFFFFC00, s11  }
0x1e0: {  	s11 =	sadd.s32 $0xA0, s0;
	s10 =	sand.u32 $0xFFFFFC00, s9;
	[smem:$0x7C1] =	sst s16  }
0x1e1: {  	s9 =	sadd.s32 $0x90, s0;
	s12 =	sshll.u32 s11, $0x3;
	[smem:$0x7C0] =	sst s10  }
0x1e2: {  	s17 =	sshll.u32 s9, $0x3;
	s10 =	sadd.s32 $0xB0, s0;
	s13 =	sand.u32 $0xFFFFFC00, s12  }
0x1e3: {  	s12 =	sadd.s32 $0xC0, s0;
	s7 =	sand.u32 $0x70, s9;
	s18 =	sand.u32 $0xFFFFFC00, s17  }
0x1e4: {  	s14 =	sshll.u32 s10, $0x3;
	[smem:$0x7C3] =	sst s13;
	s20 =	sshll.u32 s12, $0x3  }
0x1e5: {  	s13 =	sadd.s32 $0xE0, s0;
	s9 =	sand.u32 $0x70, s10;
	s10 =	sand.u32 $0x70, s12  }
0x1e6: {  	[smem:$0x7C2] =	sst s18;
	s19 =	sand.u32 $0xFFFFFC00, s14;
	s21 =	sand.u32 $0xFFFFFC00, s20  }
0x1e7: {  	s14 =	sadd.s32 $0xD0, s0;
	s17 =	sshll.u32 s13, $0x3;
	[smem:$0x7C4] =	sst s19  }
0x1e8: {  	s12 =	sand.u32 $0x70, s13;
	[smem:$0x7C5] =	sst s21;
	s15 =	sshll.u32 s14, $0x3  }
0x1e9: {  	s22 =	sand.u32 $0xFFFFFC00, s17;
	s17 =	sadd.s32 $0x110, s0;
	s16 =	sand.u32 $0xFFFFFC00, s15  }
0x1ea: {  	s15 =	sadd.s32 $0xF0, s0;
	[smem:$0x7C7] =	sst s22;
	s18 =	sshll.u32 s17, $0x3  }
0x1eb: {  	[smem:$0x7C6] =	sst s16;
	s23 =	sshll.u32 s15, $0x3;
	s16 =	sadd.s32 $0x120, s0  }
0x1ec: {  	s19 =	sand.u32 $0xFFFFFC00, s18;
	s18 =	sadd.s32 $0x130, s0;
	s13 =	sand.u32 $0x70, s15  }
0x1ed: {  	s24 =	sand.u32 $0xFFFFFC00, s23;
	s20 =	sshll.u32 s16, $0x3;
	[smem:$0x7C9] =	sst s19  }
0x1ee: {  	s26 =	sshll.u32 s18, $0x3;
	s19 =	sadd.s32 $0x150, s0;
	s15 =	sand.u32 $0x70, s16  }
0x1ef: {  	s16 =	sand.u32 $0x70, s18;
	[smem:$0x7C8] =	sst s24;
	s25 =	sand.u32 $0xFFFFFC00, s20  }
0x1f0: {  	s28 =	sand.u32 $0xFFFFFC00, s26;
	s20 =	sadd.s32 $0x140, s0;
	s23 =	sshll.u32 s19, $0x3  }
0x1f1: {  	s26 =	sadd.s32 $0x190, s0;
	s18 =	sand.u32 $0x70, s19;
	[smem:$0x7CA] =	sst s25  }
0x1f2: {  	[smem:$0x7CB] =	sst s28;
	s21 =	sshll.u32 s20, $0x3;
	s29 =	sand.u32 $0xFFFFFC00, s23  }
0x1f3: {  	s23 =	sadd.s32 $0x170, s0;
	s25 =	sshll.u32 s26, $0x3;
	s22 =	sand.u32 $0xFFFFFC00, s21  }
0x1f4: {  	s21 =	sadd.s32 $0x160, s0;
	[smem:$0x7CD] =	sst s29;
	s24 =	sshll.u32 s23, $0x3  }
0x1f5: {  	s25 =	sand.u32 $0xFFFFFC00, s25;
	[smem:$0x7CC] =	sst s22;
	s30 =	sshll.u32 s21, $0x3  }
0x1f6: {  	s24 =	sand.u32 $0xFFFFFC00, s24;
	s22 =	sadd.s32 $0x1A0, s0;
	[smem:$0x7D0] =	sst s25  }
0x1f7: {  	s25 =	sadd.s32 $0x1D0, s0;
	s19 =	sand.u32 $0x70, s21;
	s21 =	sand.u32 $0x70, s26  }
0x1f8: {  	s31 =	sand.u32 $0xFFFFFC00, s30;
	[smem:$0x7CF] =	sst s24;
	s28 =	sshll.u32 s22, $0x3  }
0x1f9: {  	v63 =	vlaneseq.u32;
	s24 =	sadd.s32 $0x1C0, s0;
	s26 =	sand.u32 $0x70, s22;
	[smem:$0x7CE] =	sst s31  }
0x1fa: {  	v62 =	vand.u32 $0xF, v33;
	v0 =	vadd.s32 v63, v33;
	s29 =	sand.u32 $0xFFFFFC00, s28;
	s28 =	sadd.s32 $0x1B0, s0;
	s31 =	sshll.u32 s25, $0x3  }
0x1fb: {  	v34 =	vand.u32 $0xF, v0;
	v8 =	vmov s2;
	v9 =	vmov s3;
	s0 =	sadd.s32 $0x1E0, s0;
	[smem:$0x7D1] =	sst s29;
	s30 =	sshll.u32 s28, $0x3  }
0x1fc: {  	v14 =	vmov s4;
	v15 =	vmov s7;
	v17 =	vmov s9;
	s31 =	sand.u32 $0xFFFFFC00, s31;
	s28 =	sand.u32 $0x70, s28;
	s29 =	sand.u32 $0xFFFFFC00, s30  }
0x1fd: {  	v18 =	vmov s10;
	v20 =	vmov s12;
	v21 =	vmov s13;
	s30 =	sshll.u32 s24, $0x3;
	[smem:$0x7D4] =	sst s31;
	s31 =	sand.u32 $0x70, s8  }
0x1fe: {  	v23 =	vmov s15;
	v24 =	vmov s16;
	v26 =	vmov s18;
	s8 =	sand.u32 $0x70, s11;
	s11 =	sand.u32 $0x70, s14;
	s14 =	sand.u32 $0x70, s17  }
0x1ff: {  	v27 =	vmov s19;
	v29 =	vmov s21;
	v30 =	vmov s26;
	s17 =	sand.u32 $0x70, s20;
	s20 =	sand.u32 $0x70, s23;
	s23 =	sshll.u32 s0, $0x3  }
0x200: {  	v31 =	vmov s28;
	s0 =	sand.u32 $0x70, s0;
	[smem:$0x7D2] =	sst s29;
	s29 =	sand.u32 $0xFFFFFC00, s30;
	v13 =	vmov s31;
	v16 =	vmov s8  }
0x201: {  	s30 =	sand.u32 $0x70, s6;
	v19 =	vmov s11;
	v22 =	vmov s14;
	v25 =	vmov s17;
	[smem:$0x7D3] =	sst s29;
	s29 =	sand.u32 $0x70, s5  }
0x202: {  	v28 =	vmov s20;
	s31 =	sand.u32 $0x70, s25;
	v12 =	vmov s30;
	s30 =	sand.u32 $0x70, s24;
	v11 =	vmov s29;
	s29 =	sand.u32 $0xFFFFFC00, s23  }
0x203: {  	[tilespmem:$0x1FF90] =	vst v62;
	s3 =	simm.s32 $0xFFFFFFFC;
	v36 =	vmov s0;
	v35 =	vmov s31;
	s5 =	simm.s32 $0x0;
	v33 =	vmov s30;
	[smem:$0x7D5] =	sst s29  }
.LBB2_9:
0x204: {  	[smem:$0x7B9] =	sst s1  }
0x205: {  	[smem:$0x7B6] =	sst s5  }
0x206: {  	[smem:$0x7B3] =	sst s3  }
0x207: {  	s0 =	sld [smem:$0x7BA]  }
0x208: {  	s7 =	sld [smem:$0x7BB]  }
0x209: {  	s2 =	sld [smem:$0x7BC]  }
0x20a: {  	s8 =	sld [smem:$0x7BD]  }
0x20b: {  	s6 =	sld [smem:$0x7BE]  }
0x20c: {  	s11 =	sld [smem:$0x7C0]  }
0x20d: {  	s14 =	sld [smem:$0x7C1]  }
0x20e: {  	s4 =	sand.u32 $0x7000, s1;
	s23 =	sld [smem:$0x7C2]  }
0x20f: {  	s28 =	sld [smem:$0x7C3];
	s24 =	sadd.s32 $0x6900, s4  }
0x210: {  	s15 =	sadd.s32 s7, s24;
	s7 =	sld [smem:$0x7BF]  }
0x211: {  	s17 =	sadd.s32 s8, s24;
	s26 =	sadd.s32 s14, s24;
	s8 =	sld [smem:$0x7C4]  }
0x212: {  	s18 =	sadd.s32 s6, s24;
	s6 =	sadd.s32 s28, s24;
	[smem:$0x79C] =	sst s26  }
0x213: {  	s19 =	sand.u32 $0x200, s5;
	[smem:$0x79E] =	sst s6  }
0x214: {  	s13 =	sadd.s32 s0, s24;
	s29 =	sadd.s32 s19, s26;
	s26 =	sld [smem:$0x7C9]  }
0x215: {  	[smem:$0x7A5] =	sst s13  }
0x216: {  	s16 =	sadd.s32 s2, s24;
	[smem:$0x7AE] =	sst s15  }
0x217: {  	[smem:$0x7AF] =	sst s16  }
0x218: {  	v0 =	vld [tilespmem:$0x1FF90];
	s31 =	sadd.s32 s11, s24;
	[smem:$0x7B0] =	sst s17  }
0x219: {  	v32 =	vld [tilespmem:$0x1FFF0];
	s5 =	sadd.s32 s19, s13;
	s30 =	sadd.s32 $0x400, s13;
	[smem:$0x7B2] =	sst s31  }
0x21a: {  	s9 =	sadd.s32 s19, s15;
	v37 =	vld.idx.msk [tilespmem:v7+s5+$0x0 ss:$0x1], $0xffff;
	[smem:$0x79D] =	sst s30  }
0x21b: {  	s12 =	sadd.s32 s19, s17;
	v38 =	vld.idx.msk [tilespmem:v8+s9+$0x0 ss:$0x1], $0xffff;
	s9 =	sld [smem:$0x7C5]  }
0x21c: {  	s3 =	sadd.s32 s23, s24;
	s10 =	sadd.s32 s19, s16;
	v40 =	vld.idx.msk [tilespmem:v10+s12+$0x0 ss:$0x1], $0xffff;
	s12 =	sld [smem:$0x7C7]  }
0x21d: {  	s21 =	sadd.s32 s19, s18;
	v39 =	vld.idx.msk [tilespmem:v9+s10+$0x0 ss:$0x1], $0xffff;
	s1 =	sadd.s32 s19, s30;
	s30 =	sld [smem:$0x7CB]  }
0x21e: {  	v44 =	vld.idx.msk [tilespmem:v14+s29+$0x0 ss:$0x1], $0xffff;
	s10 =	sadd.s32 s19, s6;
	s20 =	sadd.s32 s7, s24;
	s7 =	sld [smem:$0x7C6]  }
0x21f: {  	s25 =	sadd.s32 s19, s31;
	s29 =	sadd.s32 $0x800, s13;
	v62 =	vld.idx.msk [tilespmem:v16+s10+$0x0 ss:$0x1], $0xffff;
	s10 =	sld [smem:$0x7C8]  }
0x220: {  	s2 =	sadd.s32 s19, s3;
	v41 =	vld.idx.msk [tilespmem:v11+s21+$0x0 ss:$0x1], $0xffff;
	s11 =	sadd.s32 s8, s24;
	[smem:$0x7A7] =	sst s29  }
0x221: {  	v43 =	vld.idx.msk [tilespmem:v13+s25+$0x0 ss:$0x1], $0xffff;
	s22 =	sadd.s32 s19, s20;
	[smem:$0x79F] =	sst s11;
	s14 =	sadd.s32 s19, s11  }
0x222: {  	v42 =	vld.idx.msk [tilespmem:v12+s22+$0x0 ss:$0x1], $0xffff;
	s25 =	sadd.s32 s12, s24;
	s12 =	sadd.s32 s26, s24;
	s26 =	sld [smem:$0x7CE]  }
0x223: {  	s9 =	sadd.s32 s9, s24;
	v47 =	vld.idx.msk [tilespmem:v17+s14+$0x0 ss:$0x1], $0xffff;
	s14 =	sld [smem:$0x7D0];
	s22 =	sadd.s32 s7, s24  }
0x224: {  	v46 =	vld.idx.msk [tilespmem:v15+s2+$0x0 ss:$0x1], $0xffff;
	s11 =	sadd.s32 s19, s25;
	s5 =	smov.u32 s25;
	s25 =	sld [smem:$0x7CD]  }
0x225: {  	v45 =	vld.idx.msk [tilespmem:v7+s1+$0x0 ss:$0x1], $0xffff;
	s21 =	sadd.s32 s19, s9;
	s28 =	sadd.s32 s10, s24;
	[smem:$0x7A0] =	sst s22  }
0x226: {  	v48 =	vld.idx.msk [tilespmem:v18+s21+$0x0 ss:$0x1], $0xffff;
	[smem:$0x7A1] =	sst s28  }
0x227: {  	s2 =	sadd.s32 s19, s12;
	s21 =	sld [smem:$0x7CA];
	v50 =	vld.idx.msk [tilespmem:v20+s11+$0x0 ss:$0x1], $0xffff  }
0x228: {  	s23 =	sadd.s32 s19, s22;
	s10 =	sadd.s32 s19, s28;
	v1 =	vld.idx.msk [tilespmem:v22+s2+$0x0 ss:$0x1], $0xffff;
	s28 =	sld [smem:$0x7D1]  }
0x229: {  	s22 =	sadd.s32 s19, s29;
	v49 =	vld.idx.msk [tilespmem:v19+s23+$0x0 ss:$0x1], $0xffff;
	s23 =	sld [smem:$0x7CC]  }
0x22a: {  	s11 =	sadd.s32 s30, s24;
	v52 =	vld.idx.msk [tilespmem:v21+s10+$0x0 ss:$0x1], $0xffff;
	s10 =	smov.u32 s29;
	s29 =	sld [smem:$0x7CF]  }
0x22b: {  	s30 =	sld [smem:$0x7D2];
	v53 =	vld.idx.msk [tilespmem:v7+s22+$0x0 ss:$0x1], $0xffff;
	s8 =	sadd.s32 s19, s11;
	s6 =	sadd.s32 s21, s24  }
0x22c: {  	v55 =	vld.idx.msk [tilespmem:v24+s8+$0x0 ss:$0x1], $0xffff;
	[smem:$0x7A2] =	sst s6;
	s21 =	sadd.s32 s19, s6;
	s7 =	sadd.s32 s23, s24  }
0x22d: {  	s1 =	sadd.s32 s29, s24;
	v54 =	vld.idx.msk [tilespmem:v23+s21+$0x0 ss:$0x1], $0xffff;
	s21 =	sadd.s32 s25, s24;
	s23 =	sadd.s32 s19, s7  }
0x22e: {  	s22 =	smov.u32 s7;
	[smem:$0x7A3] =	sst s1;
	s6 =	sadd.s32 s19, s1;
	v56 =	vld.idx.msk [tilespmem:v25+s23+$0x0 ss:$0x1], $0xffff  }
0x22f: {  	s7 =	sadd.s32 $0xC00, s13;
	s23 =	sadd.s32 s26, s24;
	s25 =	sadd.s32 s19, s21;
	v59 =	vld.idx.msk [tilespmem:v28+s6+$0x0 ss:$0x1], $0xffff  }
0x230: {  	[smem:$0x7A4] =	sst s7;
	v57 =	vld.idx.msk [tilespmem:v26+s25+$0x0 ss:$0x1], $0xffff;
	s2 =	sadd.s32 s19, s23  }
0x231: {  	s8 =	sadd.s32 s19, s7;
	s26 =	sld [smem:$0x7D3];
	v58 =	vld.idx.msk [tilespmem:v27+s2+$0x0 ss:$0x1], $0xffff;
	s2 =	sadd.s32 s14, s24  }
0x232: {  	s6 =	sld [smem:$0x7D4];
	v60 =	vld.idx.msk [tilespmem:v7+s8+$0x0 ss:$0x1], $0xffff;
	s14 =	sadd.s32 s28, s24;
	s1 =	sadd.s32 s19, s2  }
0x233: {  	s29 =	sadd.s32 s30, s24;
	s8 =	sld [smem:$0x7D5];
	s7 =	sadd.s32 s19, s14;
	v61 =	vld.idx.msk [tilespmem:v29+s1+$0x0 ss:$0x1], $0xffff  }
0x234: {  	[smem:$0x7B8] =	sst s14;
	s14 =	sadd.s32 s26, s24;
	s26 =	sadd.s32 s19, s29;
	v6 =	vld.idx.msk [tilespmem:v30+s7+$0x0 ss:$0x1], $0xffff  }
0x235: {  	s0 =	sadd.s32 s6, s24;
	v4 =	vld.idx.msk [tilespmem:v31+s26+$0x0 ss:$0x1], $0xffff;
	s1 =	sadd.s32 s19, s14;
	s28 =	smov.u32 s14  }
0x236: {  	vm1 =	vlt.u32 v0, v32;
	s6 =	sadd.s32 s8, s24;
	s7 =	sadd.s32 s19, s0;
	s24 =	sor.u32 $0x80, s19;
	v2 =	vld.idx.msk [tilespmem:v33+s1+$0x0 ss:$0x1], $0xffff  }
0x237: {  	v37 =	vsel vm1, v37, v38;
	[smem:$0x7AB] =	sst s14;
	v3 =	vld.idx.msk [tilespmem:v35+s7+$0x0 ss:$0x1], $0xffff;
	s8 =	sadd.s32 s19, s6;
	s13 =	sadd.s32 s24, s13  }
0x238: {  	v38 =	vsel vm1, v38, v39;
	v63 =	vperm.xlane v37, v34;
	s1 =	smov.u32 s15;
	s14 =	sadd.s32 s24, s15;
	s15 =	sadd.s32 $0x12900, s4;
	v5 =	vld.idx.msk [tilespmem:v36+s8+$0x0 ss:$0x1], $0xffff  }
0x239: {  	[smem:$0x7B1] =	sst s20;
	v39 =	vsel vm1, v39, v40;
	v32 =	vperm.xlane v38, v34;
	v0 =	vld.idx.msk [tilespmem:v7+s13+$0x0 ss:$0x1], $0xffff;
	s25 =	sor.u32 s19, s15  }
0x23a: {  	v40 =	vsel vm1, v40, v41;
	[smem:$0x7B5] =	sst s5;
	v51 =	vld.idx.msk [tilespmem:v8+s14+$0x0 ss:$0x1], $0xffff;
	s8 =	smov.u32 s16;
	s16 =	sadd.s32 s24, s16;
	[tilespmem:s25+$0x0] =	vst v63;
	v63 =	vperm.xlane v39, v34  }
0x23b: {  	v41 =	vsel vm1, v41, v42;
	[smem:$0x7A6] =	sst s15;
	s13 =	smov.u32 s20;
	s20 =	sadd.s32 s24, s20;
	v37 =	vld.idx.msk [tilespmem:v9+s16+$0x0 ss:$0x1], $0xffff;
	[tilespmem:s25+$0x10] =	vst v32;
	v32 =	vperm.xlane v40, v34  }
0x23c: {  	v42 =	vsel vm1, v42, v43;
	s14 =	smov.u32 s17;
	s17 =	sadd.s32 s24, s17;
	v40 =	vld.idx.msk [tilespmem:v12+s20+$0x0 ss:$0x1], $0xffff;
	s20 =	sld [smem:$0x79E];
	[tilespmem:s25+$0x20] =	vst v63;
	v63 =	vperm.xlane v41, v34  }
0x23d: {  	v43 =	vsel vm1, v43, v44;
	s7 =	smov.u32 s18;
	s18 =	sadd.s32 s24, s18;
	s15 =	sld [smem:$0x79C];
	v38 =	vld.idx.msk [tilespmem:v10+s17+$0x0 ss:$0x1], $0xffff;
	[tilespmem:s25+$0x30] =	vst v32;
	v32 =	vperm.xlane v42, v34  }
0x23e: {  	v44 =	vsel vm1, v44, v45;
	v39 =	vld.idx.msk [tilespmem:v11+s18+$0x0 ss:$0x1], $0xffff;
	s16 =	sld [smem:$0x79D];
	s17 =	sadd.s32 s24, s3;
	[tilespmem:s25+$0x40] =	vst v63;
	v63 =	vperm.xlane v43, v34  }
0x23f: {  	v45 =	vsel vm1, v45, v46;
	s18 =	sadd.s32 s24, s20;
	[tilespmem:s25+$0x50] =	vst v32;
	v32 =	vperm.xlane v44, v34;
	v44 =	vld.idx.msk [tilespmem:v15+s17+$0x0 ss:$0x1], $0xffff;
	s17 =	sld [smem:$0x79F]  }
0x240: {  	s26 =	sadd.s32 s24, s31;
	[tilespmem:s25+$0x60] =	vst v63;
	v63 =	vperm.xlane v45, v34;
	v45 =	vld.idx.msk [tilespmem:v16+s18+$0x0 ss:$0x1], $0xffff;
	s18 =	sld [smem:$0x7A0]  }
0x241: {  	v46 =	vsel vm1, v46, v62;
	[smem:$0x7AD] =	sst s6;
	v41 =	vld.idx.msk [tilespmem:v13+s26+$0x0 ss:$0x1], $0xffff;
	s6 =	sadd.s32 s24, s16  }
0x242: {  	v62 =	vsel vm1, v62, v47;
	s30 =	smov.u32 s0;
	[smem:$0x7AC] =	sst s0;
	v43 =	vld.idx.msk [tilespmem:v7+s6+$0x0 ss:$0x1], $0xffff;
	[tilespmem:s25+$0x70] =	vst v32;
	v32 =	vperm.xlane v46, v34;
	s26 =	sadd.s32 s24, s17  }
0x243: {  	v62 =	vperm.xlane v62, v34;
	s0 =	smov.u32 s31;
	s31 =	sadd.s32 s24, s15;
	v46 =	vld.idx.msk [tilespmem:v17+s26+$0x0 ss:$0x1], $0xffff;
	[tilespmem:s25+$0x400] =	vst v63;
	v63 =	vsel vm1, v47, v48;
	s6 =	sadd.s32 s24, s18  }
0x244: {  	[tilespmem:s25+$0x410] =	vst v32;
	s26 =	sadd.s32 s24, s5;
	v32 =	vperm.xlane v63, v34;
	v63 =	vsel vm1, v48, v49;
	v48 =	vld.idx.msk [tilespmem:v19+s6+$0x0 ss:$0x1], $0xffff;
	s6 =	smov.u32 s5;
	s5 =	sld [smem:$0x7A1]  }
0x245: {  	[tilespmem:s25+$0x420] =	vst v62;
	v42 =	vld.idx.msk [tilespmem:v14+s31+$0x0 ss:$0x1], $0xffff;
	s31 =	sadd.s32 s24, s9;
	v62 =	vperm.xlane v63, v34;
	v63 =	vsel vm1, v49, v50  }
0x246: {  	s10 =	sadd.s32 s24, s10;
	v47 =	vld.idx.msk [tilespmem:v18+s31+$0x0 ss:$0x1], $0xffff;
	[tilespmem:s25+$0x430] =	vst v32;
	v32 =	vperm.xlane v63, v34;
	v63 =	vsel vm1, v50, v52  }
0x247: {  	s4 =	simm.s32 $0x1;
	[tilespmem:s25+$0x440] =	vst v62;
	v62 =	vperm.xlane v63, v34;
	v63 =	vsel vm1, v52, v53;
	v52 =	vld.idx.msk [tilespmem:v7+s10+$0x0 ss:$0x1], $0xffff;
	s10 =	sld [smem:$0x7B9];
	s31 =	sadd.s32 s24, s5  }
0x248: {  	[smem:$0x7B7] =	sst s11;
	s4 =	simm.s32 @!p0 $0x0;
	v50 =	vld.idx.msk [tilespmem:v21+s31+$0x0 ss:$0x1], $0xffff;
	s31 =	sadd.s32 s24, s12  }
0x249: {  	s4 =	sshll.u32 s4, $0x9;
	[tilespmem:s25+$0x450] =	vst v32;
	v32 =	vperm.xlane v63, v34;
	v63 =	vsel vm1, v53, v1;
	v53 =	vld.idx.msk [tilespmem:v22+s31+$0x0 ss:$0x1], $0xffff;
	s31 =	sld [smem:$0x7A2]  }
0x24a: {  	v49 =	vld.idx.msk [tilespmem:v20+s26+$0x0 ss:$0x1], $0xffff;
	[tilespmem:s25+$0x460] =	vst v62;
	v62 =	vperm.xlane v63, v34;
	v63 =	vsel vm1, v1, v54;
	s4 =	sadd.s32 s4, s10;
	s10 =	smov.u32 s11;
	s11 =	sadd.s32 s24, s11  }
0x24b: {  	[tilespmem:s25+$0x470] =	vst v32;
	v32 =	vperm.xlane v63, v34;
	v63 =	vsel vm1, v54, v55;
	s26 =	sor.u32 $0x800, s4;
	v54 =	vld.idx.msk [tilespmem:v24+s11+$0x0 ss:$0x1], $0xffff;
	s11 =	smov.u32 s22;
	s22 =	sadd.s32 s24, s22  }
0x24c: {  	[smem:$0x7A8] =	sst s12;
	[tilespmem:s26+$0x12900] =	vst v62;
	v62 =	vperm.xlane v63, v34;
	v63 =	vsel vm1, v55, v56;
	v55 =	vld.idx.msk [tilespmem:v25+s22+$0x0 ss:$0x1], $0xffff;
	s12 =	sadd.s32 s24, s31  }
0x24d: {  	s22 =	sadd.s32 s24, s21;
	v1 =	vld.idx.msk [tilespmem:v23+s12+$0x0 ss:$0x1], $0xffff;
	s12 =	sor.u32 $0x810, s4  }
0x24e: {  	[tilespmem:s12+$0x12900] =	vst v32;
	v32 =	vperm.xlane v63, v34;
	v63 =	vsel vm1, v56, v57;
	s12 =	sor.u32 $0x820, s4;
	v56 =	vld.idx.msk [tilespmem:v26+s22+$0x0 ss:$0x1], $0xffff;
	s22 =	smov.u32 s23;
	s23 =	sadd.s32 s24, s23  }
0x24f: {  	[tilespmem:s12+$0x12900] =	vst v62;
	v62 =	vperm.xlane v63, v34;
	v63 =	vsel vm1, v57, v58;
	v57 =	vld.idx.msk [tilespmem:v27+s23+$0x0 ss:$0x1], $0xffff;
	s23 =	sld [smem:$0x7A3];
	_ =	sdelay $0x1  }
0x250: {  	s12 =	sor.u32 $0x830, s4  }
0x251: {  	[tilespmem:s12+$0x12900] =	vst v32;
	s12 =	sadd.s32 s24, s23  }
0x252: {  	s26 =	sor.u32 $0x840, s4;
	v32 =	vperm.xlane v63, v34;
	v63 =	vsel vm1, v58, v59;
	v58 =	vld.idx.msk [tilespmem:v28+s12+$0x0 ss:$0x1], $0xffff;
	s12 =	sld [smem:$0x7A4]  }
0x253: {  	[smem:$0x7A9] =	sst s2;
	s2 =	sadd.s32 s24, s2;
	s25 =	sor.u32 $0x850, s4;
	[tilespmem:s26+$0x12900] =	vst v62;
	v62 =	vperm.xlane v63, v34;
	v63 =	vsel vm1, v59, v60  }
0x254: {  	[tilespmem:s25+$0x12900] =	vst v32;
	v32 =	vperm.xlane v63, v34;
	v63 =	vsel vm1, v60, v61;
	v60 =	vld.idx.msk [tilespmem:v29+s2+$0x0 ss:$0x1], $0xffff;
	s2 =	sld [smem:$0x7B8]  }
0x255: {  	s26 =	sadd.s32 s24, s12  }
0x256: {  	v59 =	vld.idx.msk [tilespmem:v7+s26+$0x0 ss:$0x1], $0xffff;
	s26 =	sor.u32 $0x860, s4  }
0x257: {  	s25 =	sor.u32 $0x870, s4;
	[tilespmem:s26+$0x12900] =	vst v62;
	v62 =	vperm.xlane v63, v34;
	s26 =	sadd.s32 s24, s2  }
0x258: {  	[smem:$0x7AA] =	sst s29;
	s29 =	sadd.s32 s24, s29;
	v63 =	vsel vm1, v61, v6;
	v6 =	vsel vm1, v6, v4;
	[tilespmem:s25+$0x12900] =	vst v32;
	v61 =	vld.idx.msk [tilespmem:v30+s26+$0x0 ss:$0x1], $0xffff;
	s26 =	sor.u32 $0xC00, s4  }
0x259: {  	v4 =	vsel vm1, v4, v2;
	v32 =	vperm.xlane v63, v34;
	s25 =	sor.u32 $0x100, s19;
	[tilespmem:s26+$0x12900] =	vst v62;
	v62 =	vld.idx.msk [tilespmem:v31+s29+$0x0 ss:$0x1], $0xffff;
	s29 =	sadd.s32 s24, s28  }
0x25a: {  	v6 =	vperm.xlane v6, v34;
	v4 =	vperm.xlane v4, v34;
	s26 =	sor.u32 $0xC10, s4;
	s1 =	sadd.s32 s25, s1;
	v63 =	vld.idx.msk [tilespmem:v33+s29+$0x0 ss:$0x1], $0xffff;
	s29 =	sld [smem:$0x7AD]  }
0x25b: {  	[tilespmem:s26+$0x12900] =	vst v32;
	v32 =	vsel vm1, v2, v3;
	s26 =	sor.u32 $0xC20, s4;
	v3 =	vsel vm1, v3, v5;
	v5 =	vld.idx.msk [tilespmem:v8+s1+$0x0 ss:$0x1], $0xffff;
	s1 =	sld [smem:$0x7A6]  }
0x25c: {  	v0 =	vsel vm1, v0, v51;
	[tilespmem:s26+$0x12900] =	vst v6;
	v6 =	vperm.xlane v32, v34;
	s26 =	sor.u32 $0xC30, s4  }
0x25d: {  	v51 =	vsel vm1, v51, v37;
	s28 =	sadd.s32 s24, s30;
	v32 =	vperm.xlane v0, v34;
	[tilespmem:s26+$0x12900] =	vst v4;
	s26 =	sor.u32 $0xC40, s4  }
0x25e: {  	v37 =	vsel vm1, v37, v38;
	v51 =	vperm.xlane v51, v34;
	v2 =	vld.idx.msk [tilespmem:v35+s28+$0x0 ss:$0x1], $0xffff;
	s30 =	sadd.s32 s24, s29;
	[tilespmem:s26+$0x12900] =	vst v6;
	s26 =	sor.u32 s24, s1  }
0x25f: {  	v4 =	vld.idx.msk [tilespmem:v36+s30+$0x0 ss:$0x1], $0xffff;
	s30 =	sld [smem:$0x7A5];
	[tilespmem:s26+$0x0] =	vst v32;
	v32 =	vperm.xlane v37, v34;
	v37 =	vsel vm1, v38, v39  }
0x260: {  	s28 =	sadd.s32 s25, s8;
	v3 =	vperm.xlane v3, v34;
	[tilespmem:s26+$0x10] =	vst v51;
	v38 =	vsel vm1, v39, v40;
	v51 =	vperm.xlane v37, v34  }
0x261: {  	v0 =	vld.idx.msk [tilespmem:v9+s28+$0x0 ss:$0x1], $0xffff;
	v39 =	vsel vm1, v40, v41;
	[tilespmem:s26+$0x20] =	vst v32;
	v32 =	vperm.xlane v38, v34  }
0x262: {  	v40 =	vsel vm1, v41, v42;
	v41 =	vsel vm1, v42, v43;
	v42 =	vsel vm1, v43, v44;
	s29 =	sadd.s32 s25, s30;
	[tilespmem:s26+$0x30] =	vst v51  }
0x263: {  	v43 =	vsel vm1, v44, v45;
	v51 =	vperm.xlane v39, v34;
	v6 =	vld.idx.msk [tilespmem:v7+s29+$0x0 ss:$0x1], $0xffff;
	s29 =	sor.u32 $0xC50, s4;
	[tilespmem:s26+$0x40] =	vst v32  }
0x264: {  	s6 =	sadd.s32 s25, s6;
	v44 =	vsel vm1, v45, v46;
	v45 =	vsel vm1, v46, v47;
	v32 =	vperm.xlane v40, v34;
	[tilespmem:s29+$0x12900] =	vst v3  }
0x265: {  	s8 =	sadd.s32 s25, s7;
	v46 =	vsel vm1, v47, v48;
	v47 =	vld.idx.msk [tilespmem:v20+s6+$0x0 ss:$0x1], $0xffff;
	[tilespmem:s26+$0x50] =	vst v51;
	v51 =	vperm.xlane v41, v34  }
0x266: {  	s28 =	sadd.s32 s25, s13;
	v37 =	vld.idx.msk [tilespmem:v11+s8+$0x0 ss:$0x1], $0xffff;
	[tilespmem:s26+$0x60] =	vst v32;
	v32 =	vperm.xlane v42, v34  }
0x267: {  	v38 =	vld.idx.msk [tilespmem:v12+s28+$0x0 ss:$0x1], $0xffff;
	s29 =	sadd.s32 s25, s14;
	[tilespmem:s26+$0x70] =	vst v51;
	v51 =	vperm.xlane v43, v34  }
0x268: {  	s14 =	smov.u32 s7;
	s7 =	sadd.s32 s25, s16;
	v3 =	vld.idx.msk [tilespmem:v10+s29+$0x0 ss:$0x1], $0xffff;
	[tilespmem:s26+$0x400] =	vst v32;
	v32 =	vperm.xlane v44, v34  }
0x269: {  	s8 =	sadd.s32 s25, s3;
	v41 =	vld.idx.msk [tilespmem:v7+s7+$0x0 ss:$0x1], $0xffff;
	[tilespmem:s26+$0x410] =	vst v51;
	v51 =	vperm.xlane v45, v34  }
0x26a: {  	v48 =	vsel vm1, v48, v49;
	s29 =	sadd.s32 s25, s0;
	v42 =	vld.idx.msk [tilespmem:v15+s8+$0x0 ss:$0x1], $0xffff;
	[tilespmem:s26+$0x420] =	vst v32;
	v32 =	vperm.xlane v46, v34  }
0x26b: {  	s0 =	sadd.s32 s25, s15;
	v39 =	vld.idx.msk [tilespmem:v13+s29+$0x0 ss:$0x1], $0xffff;
	[tilespmem:s26+$0x430] =	vst v51;
	v51 =	vperm.xlane v48, v34;
	v48 =	vsel vm1, v49, v50  }
0x26c: {  	v40 =	vld.idx.msk [tilespmem:v14+s0+$0x0 ss:$0x1], $0xffff;
	s29 =	sadd.s32 s25, s9;
	v49 =	vsel vm1, v50, v52;
	[tilespmem:s26+$0x440] =	vst v32;
	v32 =	vperm.xlane v48, v34  }
0x26d: {  	s13 =	sadd.s32 s25, s20;
	v45 =	vld.idx.msk [tilespmem:v18+s29+$0x0 ss:$0x1], $0xffff;
	s29 =	sld [smem:$0x7A8];
	v50 =	vperm.xlane v49, v34;
	[tilespmem:s26+$0x450] =	vst v51;
	v51 =	vsel vm1, v52, v53  }
0x26e: {  	s24 =	sadd.s32 $0x80, s4;
	v43 =	vld.idx.msk [tilespmem:v16+s13+$0x0 ss:$0x1], $0xffff;
	s0 =	sadd.s32 s25, s18;
	s13 =	sld [smem:$0x7A7];
	[tilespmem:s26+$0x460] =	vst v32;
	v32 =	vperm.xlane v51, v34;
	v51 =	vsel vm1, v53, v1  }
0x26f: {  	s7 =	sadd.s32 s25, s5;
	v46 =	vld.idx.msk [tilespmem:v19+s0+$0x0 ss:$0x1], $0xffff;
	s0 =	sor.u32 $0x800, s24;
	v52 =	vsel vm1, v1, v54;
	[tilespmem:s26+$0x470] =	vst v50;
	v51 =	vperm.xlane v51, v34  }
0x270: {  	[smem:$0x7B4] =	sst s9;
	v48 =	vld.idx.msk [tilespmem:v21+s7+$0x0 ss:$0x1], $0xffff;
	s9 =	sadd.s32 s25, s29;
	s7 =	sor.u32 $0x810, s24;
	[tilespmem:s0+$0x12900] =	vst v32;
	v32 =	vperm.xlane v52, v34;
	v52 =	vsel vm1, v54, v55  }
0x271: {  	s8 =	sadd.s32 s25, s13;
	v50 =	vld.idx.msk [tilespmem:v22+s9+$0x0 ss:$0x1], $0xffff;
	s9 =	sor.u32 $0x820, s24;
	v54 =	vsel vm1, v55, v56;
	[tilespmem:s7+$0x12900] =	vst v51;
	v53 =	vperm.xlane v52, v34  }
0x272: {  	v49 =	vld.idx.msk [tilespmem:v7+s8+$0x0 ss:$0x1], $0xffff;
	s8 =	sadd.s32 s25, s10;
	s0 =	sor.u32 $0x830, s24;
	[tilespmem:s9+$0x12900] =	vst v32;
	v32 =	vperm.xlane v54, v34;
	v54 =	vsel vm1, v56, v57  }
0x273: {  	v51 =	vld.idx.msk [tilespmem:v24+s8+$0x0 ss:$0x1], $0xffff;
	s7 =	sor.u32 $0x840, s24;
	s8 =	sadd.s32 s25, s22;
	v56 =	vsel vm1, v57, v58;
	[tilespmem:s0+$0x12900] =	vst v53;
	v55 =	vperm.xlane v54, v34  }
0x274: {  	s6 =	sadd.s32 s25, s31;
	s9 =	sor.u32 $0x850, s24;
	v54 =	vld.idx.msk [tilespmem:v27+s8+$0x0 ss:$0x1], $0xffff;
	s8 =	sld [smem:$0x7A9];
	[tilespmem:s7+$0x12900] =	vst v32;
	v32 =	vperm.xlane v56, v34;
	v56 =	vsel vm1, v58, v59  }
0x275: {  	s10 =	sadd.s32 s25, s11;
	v1 =	vld.idx.msk [tilespmem:v23+s6+$0x0 ss:$0x1], $0xffff;
	s0 =	sor.u32 $0x860, s24;
	v58 =	vsel vm1, v59, v60;
	[tilespmem:s9+$0x12900] =	vst v55;
	v57 =	vperm.xlane v56, v34  }
0x276: {  	v52 =	vld.idx.msk [tilespmem:v25+s10+$0x0 ss:$0x1], $0xffff;
	s10 =	sadd.s32 s25, s23;
	v60 =	vsel vm1, v60, v61;
	s7 =	sor.u32 $0x870, s24;
	[tilespmem:s0+$0x12900] =	vst v32;
	v32 =	vperm.xlane v58, v34  }
0x277: {  	s6 =	sadd.s32 s25, s21;
	v55 =	vld.idx.msk [tilespmem:v28+s10+$0x0 ss:$0x1], $0xffff;
	v59 =	vperm.xlane v60, v34;
	v60 =	vsel vm1, v61, v62;
	s10 =	sor.u32 $0xC00, s24;
	s9 =	sadd.s32 s25, s8;
	[tilespmem:s7+$0x12900] =	vst v57  }
0x278: {  	s0 =	sadd.s32 s25, s2;
	s2 =	sor.u32 $0xC10, s24;
	v57 =	vld.idx.msk [tilespmem:v29+s9+$0x0 ss:$0x1], $0xffff;
	s9 =	sld [smem:$0x7AB];
	[tilespmem:s10+$0x12900] =	vst v32;
	v32 =	vperm.xlane v60, v34  }
0x279: {  	v53 =	vld.idx.msk [tilespmem:v26+s6+$0x0 ss:$0x1], $0xffff;
	s6 =	sadd.s32 s25, s12;
	s7 =	sor.u32 $0xC20, s24;
	s10 =	sld [smem:$0x7AA];
	[tilespmem:s2+$0x12900] =	vst v59  }
0x27a: {  	v56 =	vld.idx.msk [tilespmem:v7+s6+$0x0 ss:$0x1], $0xffff;
	[tilespmem:s7+$0x12900] =	vst v32;
	s7 =	sld [smem:$0x7AC]  }
0x27b: {  	v58 =	vld.idx.msk [tilespmem:v30+s0+$0x0 ss:$0x1], $0xffff;
	v60 =	vsel vm1, v62, v63;
	s0 =	sadd.s32 s25, s9  }
0x27c: {  	v62 =	vsel vm1, v63, v2;
	v61 =	vperm.xlane v60, v34;
	s6 =	sadd.s32 s25, s10;
	v60 =	vld.idx.msk [tilespmem:v33+s0+$0x0 ss:$0x1], $0xffff  }
0x27d: {  	s19 =	sor.u32 $0x180, s19;
	v4 =	vsel vm1, v2, v4;
	v62 =	vperm.xlane v62, v34;
	s2 =	sor.u32 $0xC30, s24;
	v59 =	vld.idx.msk [tilespmem:v31+s6+$0x0 ss:$0x1], $0xffff;
	s6 =	sadd.s32 s25, s7  }
0x27e: {  	s28 =	sadd.s32 s25, s17;
	v4 =	vperm.xlane v4, v34;
	[tilespmem:s2+$0x12900] =	vst v61;
	s0 =	sor.u32 $0xC40, s24;
	v2 =	vld.idx.msk [tilespmem:v35+s6+$0x0 ss:$0x1], $0xffff;
	s6 =	sld [smem:$0x7AD]  }
0x27f: {  	v44 =	vld.idx.msk [tilespmem:v17+s28+$0x0 ss:$0x1], $0xffff;
	s28 =	sld [smem:$0x7AE];
	v6 =	vsel vm1, v6, v5;
	s26 =	sadd.s32 s19, s30;
	s24 =	sor.u32 $0xC50, s24;
	[tilespmem:s0+$0x12900] =	vst v62  }
0x280: {  	v5 =	vsel vm1, v5, v0;
	v6 =	vperm.xlane v6, v34;
	s30 =	sld [smem:$0x7AF];
	[tilespmem:s24+$0x12900] =	vst v4;
	v4 =	vld.idx.msk [tilespmem:v7+s26+$0x0 ss:$0x1], $0xffff;
	s26 =	smov.u32 s1  }
0x281: {  	v5 =	vperm.xlane v5, v34;
	v62 =	vsel vm1, v3, v37;
	s24 =	sadd.s32 s25, s1;
	s1 =	sld [smem:$0x7B0];
	s2 =	sadd.s32 s25, s6  }
0x282: {  	s0 =	sadd.s32 s19, s28;
	v37 =	vsel vm1, v37, v38;
	v32 =	vperm.xlane v62, v34;
	v61 =	vld.idx.msk [tilespmem:v36+s2+$0x0 ss:$0x1], $0xffff;
	[tilespmem:s24+$0x0] =	vst v6  }
0x283: {  	v63 =	vsel vm1, v0, v3;
	v0 =	vld.idx.msk [tilespmem:v8+s0+$0x0 ss:$0x1], $0xffff;
	s0 =	sadd.s32 s19, s30;
	v62 =	vperm.xlane v37, v34;
	[tilespmem:s24+$0x10] =	vst v5  }
0x284: {  	v3 =	vld.idx.msk [tilespmem:v9+s0+$0x0 ss:$0x1], $0xffff;
	s0 =	sadd.s32 s19, s1;
	v6 =	vperm.xlane v63, v34;
	v63 =	vsel vm1, v38, v39;
	[tilespmem:s24+$0x30] =	vst v32  }
0x285: {  	s28 =	sadd.s32 s19, s15;
	v5 =	vld.idx.msk [tilespmem:v10+s0+$0x0 ss:$0x1], $0xffff;
	[tilespmem:s24+$0x40] =	vst v62;
	v32 =	vperm.xlane v63, v34;
	v63 =	vsel vm1, v39, v40  }
0x286: {  	s2 =	sadd.s32 s19, s14;
	s14 =	sld [smem:$0x7B1];
	v39 =	vld.idx.msk [tilespmem:v14+s28+$0x0 ss:$0x1], $0xffff;
	[tilespmem:s24+$0x20] =	vst v6;
	v62 =	vperm.xlane v63, v34;
	v63 =	vsel vm1, v40, v41  }
0x287: {  	s30 =	sadd.s32 s19, s16;
	v6 =	vld.idx.msk [tilespmem:v11+s2+$0x0 ss:$0x1], $0xffff;
	[tilespmem:s24+$0x50] =	vst v32;
	v32 =	vperm.xlane v63, v34;
	v63 =	vsel vm1, v41, v42  }
0x288: {  	s1 =	sadd.s32 s19, s3;
	s25 =	sld [smem:$0x7B2];
	v40 =	vld.idx.msk [tilespmem:v7+s30+$0x0 ss:$0x1], $0xffff;
	[tilespmem:s24+$0x60] =	vst v62;
	v62 =	vperm.xlane v63, v34;
	v63 =	vsel vm1, v42, v43  }
0x289: {  	s0 =	sadd.s32 s19, s14;
	v41 =	vld.idx.msk [tilespmem:v15+s1+$0x0 ss:$0x1], $0xffff;
	[tilespmem:s24+$0x70] =	vst v32;
	v32 =	vperm.xlane v63, v34;
	v63 =	vsel vm1, v43, v44  }
0x28a: {  	s15 =	sld [smem:$0x7B4];
	s2 =	sadd.s32 s19, s20;
	v37 =	vld.idx.msk [tilespmem:v12+s0+$0x0 ss:$0x1], $0xffff;
	[tilespmem:s24+$0x400] =	vst v62;
	v62 =	vperm.xlane v63, v34;
	v63 =	vsel vm1, v44, v45  }
0x28b: {  	s0 =	sadd.s32 s19, s25;
	v42 =	vld.idx.msk [tilespmem:v16+s2+$0x0 ss:$0x1], $0xffff;
	[tilespmem:s24+$0x410] =	vst v32;
	v32 =	vperm.xlane v63, v34;
	v63 =	vsel vm1, v45, v46  }
0x28c: {  	s14 =	sadd.s32 s19, s17;
	s17 =	sld [smem:$0x7B5];
	v38 =	vld.idx.msk [tilespmem:v13+s0+$0x0 ss:$0x1], $0xffff;
	[tilespmem:s24+$0x420] =	vst v62;
	v62 =	vperm.xlane v63, v34;
	v63 =	vsel vm1, v46, v47  }
0x28d: {  	v43 =	vld.idx.msk [tilespmem:v17+s14+$0x0 ss:$0x1], $0xffff;
	s0 =	sadd.s32 s19, s15;
	[tilespmem:s24+$0x430] =	vst v32;
	v32 =	vperm.xlane v63, v34;
	v63 =	vsel vm1, v47, v48  }
0x28e: {  	s16 =	sadd.s32 s19, s18;
	v44 =	vld.idx.msk [tilespmem:v18+s0+$0x0 ss:$0x1], $0xffff;
	v48 =	vsel vm1, v48, v49;
	[tilespmem:s24+$0x440] =	vst v62;
	v47 =	vperm.xlane v63, v34  }
0x28f: {  	s0 =	sadd.s32 s19, s17;
	v45 =	vld.idx.msk [tilespmem:v19+s16+$0x0 ss:$0x1], $0xffff;
	v62 =	vperm.xlane v48, v34;
	v63 =	vsel vm1, v49, v50;
	[tilespmem:s24+$0x450] =	vst v32  }
0x290: {  	s20 =	sadd.s32 s19, s13;
	s25 =	sadd.s32 s19, s29;
	v46 =	vld.idx.msk [tilespmem:v20+s0+$0x0 ss:$0x1], $0xffff;
	s0 =	sadd.s32 $0x100, s4;
	v50 =	vsel vm1, v50, v1;
	v49 =	vperm.xlane v63, v34;
	[tilespmem:s24+$0x460] =	vst v47  }
0x291: {  	s29 =	sadd.s32 s19, s31;
	s31 =	sld [smem:$0x7B7];
	v48 =	vld.idx.msk [tilespmem:v7+s20+$0x0 ss:$0x1], $0xffff;
	v1 =	vsel vm1, v1, v51;
	[tilespmem:s24+$0x470] =	vst v62;
	s24 =	sor.u32 $0x800, s0;
	v62 =	vperm.xlane v50, v34  }
0x292: {  	s18 =	sadd.s32 s19, s5;
	s28 =	sor.u32 $0x810, s0;
	v1 =	vperm.xlane v1, v34;
	v63 =	vsel vm1, v51, v52;
	v32 =	vld.idx.msk [tilespmem:v23+s29+$0x0 ss:$0x1], $0xffff;
	[tilespmem:s24+$0x12900] =	vst v49  }
0x293: {  	s30 =	sor.u32 $0x820, s0;
	v47 =	vld.idx.msk [tilespmem:v21+s18+$0x0 ss:$0x1], $0xffff;
	v50 =	vperm.xlane v63, v34;
	[tilespmem:s28+$0x12900] =	vst v62;
	v62 =	vsel vm1, v52, v53  }
0x294: {  	s2 =	sadd.s32 s19, s31;
	s13 =	sor.u32 $0x830, s0;
	v63 =	vsel vm1, v53, v54;
	v49 =	vld.idx.msk [tilespmem:v22+s25+$0x0 ss:$0x1], $0xffff;
	[tilespmem:s30+$0x12900] =	vst v1;
	v51 =	vperm.xlane v62, v34  }
0x295: {  	s14 =	sadd.s32 s19, s11;
	s15 =	sor.u32 $0x840, s0;
	v52 =	vperm.xlane v63, v34;
	v1 =	vld.idx.msk [tilespmem:v24+s2+$0x0 ss:$0x1], $0xffff;
	v62 =	vsel vm1, v54, v55;
	[tilespmem:s13+$0x12900] =	vst v50  }
0x296: {  	s16 =	sadd.s32 s19, s21;
	s17 =	sor.u32 $0x850, s0;
	v63 =	vsel vm1, v55, v56;
	v50 =	vld.idx.msk [tilespmem:v25+s14+$0x0 ss:$0x1], $0xffff;
	v53 =	vperm.xlane v62, v34;
	[tilespmem:s15+$0x12900] =	vst v51  }
0x297: {  	s20 =	sor.u32 $0x860, s0;
	s18 =	sadd.s32 s19, s22;
	v54 =	vperm.xlane v63, v34;
	v62 =	vsel vm1, v56, v57;
	v51 =	vld.idx.msk [tilespmem:v26+s16+$0x0 ss:$0x1], $0xffff;
	[tilespmem:s17+$0x12900] =	vst v52  }
0x298: {  	s21 =	sadd.s32 s19, s23;
	s29 =	sld [smem:$0x7B8];
	s22 =	sor.u32 $0x870, s0;
	v63 =	vsel vm1, v57, v58;
	v55 =	vperm.xlane v62, v34;
	v52 =	vld.idx.msk [tilespmem:v27+s18+$0x0 ss:$0x1], $0xffff;
	[tilespmem:s20+$0x12900] =	vst v53  }
0x299: {  	s23 =	sadd.s32 s19, s12;
	s24 =	sor.u32 $0xC00, s0;
	v56 =	vperm.xlane v63, v34;
	v62 =	vsel vm1, v58, v59;
	v53 =	vld.idx.msk [tilespmem:v28+s21+$0x0 ss:$0x1], $0xffff;
	[tilespmem:s22+$0x12900] =	vst v54  }
0x29a: {  	s25 =	sadd.s32 s19, s8;
	s28 =	sor.u32 $0xC10, s0;
	v63 =	vsel vm1, v59, v60;
	v57 =	vperm.xlane v62, v34;
	v54 =	vld.idx.msk [tilespmem:v7+s23+$0x0 ss:$0x1], $0xffff;
	[tilespmem:s24+$0x12900] =	vst v55  }
0x29b: {  	s2 =	sadd.s32 s19, s29;
	s30 =	sor.u32 $0xC20, s0;
	v60 =	vsel vm1, v60, v2;
	v58 =	vperm.xlane v63, v34;
	v55 =	vld.idx.msk [tilespmem:v29+s25+$0x0 ss:$0x1], $0xffff;
	[tilespmem:s28+$0x12900] =	vst v56  }
0x29c: {  	s31 =	sadd.s32 s19, s10;
	s8 =	sor.u32 $0xC30, s0;
	v2 =	vsel vm1, v2, v61;
	v59 =	vperm.xlane v60, v34;
	v56 =	vld.idx.msk [tilespmem:v30+s2+$0x0 ss:$0x1], $0xffff;
	[tilespmem:s30+$0x12900] =	vst v57  }
0x29d: {  	v4 =	vsel vm1, v4, v0;
	s10 =	sadd.s32 s19, s9;
	s11 =	sor.u32 $0xC40, s0;
	v2 =	vperm.xlane v2, v34;
	v57 =	vld.idx.msk [tilespmem:v31+s31+$0x0 ss:$0x1], $0xffff;
	[tilespmem:s8+$0x12900] =	vst v58  }
0x29e: {  	v4 =	vperm.xlane v4, v34;
	v0 =	vsel vm1, v0, v3;
	s12 =	sadd.s32 s19, s7;
	s0 =	sor.u32 $0xC50, s0;
	v58 =	vld.idx.msk [tilespmem:v33+s10+$0x0 ss:$0x1], $0xffff;
	[tilespmem:s11+$0x12900] =	vst v59  }
0x29f: {  	v0 =	vperm.xlane v0, v34;
	v3 =	vsel vm1, v3, v5;
	s13 =	sadd.s32 s19, s6;
	s14 =	sadd.s32 s19, s26;
	v59 =	vld.idx.msk [tilespmem:v35+s12+$0x0 ss:$0x1], $0xffff;
	[tilespmem:s0+$0x12900] =	vst v2  }
0x2a0: {  	v3 =	vperm.xlane v3, v34;
	v2 =	vld.idx.msk [tilespmem:v36+s13+$0x0 ss:$0x1], $0xffff;
	[tilespmem:s14+$0x0] =	vst v4;
	v4 =	vsel vm1, v5, v6  }
0x2a1: {  	[tilespmem:s14+$0x10] =	vst v0;
	v62 =	vperm.xlane v4, v34;
	v4 =	vsel vm1, v6, v37  }
0x2a2: {  	[tilespmem:s14+$0x20] =	vst v3;
	v63 =	vperm.xlane v4, v34;
	v4 =	vsel vm1, v37, v38  }
0x2a3: {  	[tilespmem:s14+$0x30] =	vst v62;
	v37 =	vperm.xlane v4, v34;
	v4 =	vsel vm1, v38, v39  }
0x2a4: {  	[tilespmem:s14+$0x40] =	vst v63;
	v38 =	vperm.xlane v4, v34;
	v4 =	vsel vm1, v39, v40  }
0x2a5: {  	[tilespmem:s14+$0x50] =	vst v37;
	v39 =	vperm.xlane v4, v34;
	v4 =	vsel vm1, v40, v41  }
0x2a6: {  	[tilespmem:s14+$0x60] =	vst v38;
	v40 =	vperm.xlane v4, v34;
	v4 =	vsel vm1, v41, v42  }
0x2a7: {  	[tilespmem:s14+$0x70] =	vst v39;
	v60 =	vperm.xlane v4, v34;
	v4 =	vsel vm1, v42, v43  }
0x2a8: {  	[tilespmem:s14+$0x400] =	vst v40;
	v61 =	vperm.xlane v4, v34;
	v4 =	vsel vm1, v43, v44  }
0x2a9: {  	[tilespmem:s14+$0x410] =	vst v60;
	v62 =	vperm.xlane v4, v34;
	v4 =	vsel vm1, v44, v45  }
0x2aa: {  	[tilespmem:s14+$0x420] =	vst v61;
	v63 =	vperm.xlane v4, v34;
	v4 =	vsel vm1, v45, v46  }
0x2ab: {  	[tilespmem:s14+$0x430] =	vst v62;
	v37 =	vperm.xlane v4, v34;
	v4 =	vsel vm1, v46, v47  }
0x2ac: {  	[tilespmem:s14+$0x440] =	vst v63;
	v38 =	vperm.xlane v4, v34;
	v4 =	vsel vm1, v47, v48  }
0x2ad: {  	[tilespmem:s14+$0x450] =	vst v37;
	v39 =	vperm.xlane v4, v34;
	v4 =	vsel vm1, v48, v49  }
0x2ae: {  	s15 =	sadd.s32 $0x180, s4;
	[tilespmem:s14+$0x460] =	vst v38;
	v40 =	vperm.xlane v4, v34;
	v4 =	vsel vm1, v49, v32  }
0x2af: {  	s16 =	sor.u32 $0x800, s15;
	[tilespmem:s14+$0x470] =	vst v39;
	v41 =	vperm.xlane v4, v34;
	v4 =	vsel vm1, v32, v1  }
0x2b0: {  	s17 =	sor.u32 $0x810, s15;
	v1 =	vsel vm1, v1, v50;
	[tilespmem:s16+$0x12900] =	vst v40;
	v42 =	vperm.xlane v4, v34  }
0x2b1: {  	s18 =	sor.u32 $0x820, s15;
	v44 =	vsel vm1, v50, v51;
	v43 =	vperm.xlane v1, v34;
	[tilespmem:s17+$0x12900] =	vst v41  }
0x2b2: {  	s19 =	sor.u32 $0x830, s15;
	v45 =	vsel vm1, v51, v52;
	v1 =	vperm.xlane v44, v34;
	[tilespmem:s18+$0x12900] =	vst v42  }
0x2b3: {  	s20 =	sor.u32 $0x840, s15;
	v46 =	vperm.xlane v45, v34;
	v47 =	vsel vm1, v52, v53;
	[tilespmem:s19+$0x12900] =	vst v43  }
0x2b4: {  	s3 =	sld [smem:$0x7B3];
	s21 =	sor.u32 $0x850, s15;
	v48 =	vperm.xlane v47, v34;
	v49 =	vsel vm1, v53, v54;
	[tilespmem:s20+$0x12900] =	vst v1  }
0x2b5: {  	s22 =	sor.u32 $0x860, s15;
	v51 =	vsel vm1, v54, v55;
	v50 =	vperm.xlane v49, v34;
	[tilespmem:s21+$0x12900] =	vst v46  }
0x2b6: {  	s23 =	sor.u32 $0x870, s15;
	v52 =	vperm.xlane v51, v34;
	v53 =	vsel vm1, v55, v56;
	[tilespmem:s22+$0x12900] =	vst v48  }
0x2b7: {  	s3 =	sadd.s32 $0x4, s3;
	s24 =	sor.u32 $0xC00, s15;
	v55 =	vsel vm1, v56, v57;
	v54 =	vperm.xlane v53, v34;
	[tilespmem:s23+$0x12900] =	vst v50  }
0x2b8: {  	p1 =	slt.u32 s3, $0x2C;
	s25 =	sor.u32 $0xC10, s15;
	v57 =	vsel vm1, v57, v58;
	v56 =	vperm.xlane v55, v34;
	[tilespmem:s24+$0x12900] =	vst v52  }
.Ltmp4:
0x2b9: {  	s5 =	sld [smem:$0x7B6];
	s26 =	sor.u32 $0xC20, s15;
	v61 =	vsel vm1, v58, v59;
	v60 =	vperm.xlane v57, v34;
	[tilespmem:s25+$0x12900] =	vst v54;
	(pc) =	sbr.rel @p1 .LBB2_9-.Ltmp4, $4  }
0x2ba: {  	s28 =	sor.u32 $0xC30, s15;
	s31 =	sld [smem:$0x7B9];
	v2 =	vsel vm1, v59, v2;
	v62 =	vperm.xlane v61, v34;
	[tilespmem:s26+$0x12900] =	vst v56  }
0x2bb: {  	s29 =	sor.u32 $0xC40, s15;
	v63 =	vperm.xlane v2, v34;
	[tilespmem:s28+$0x12900] =	vst v60  }
0x2bc: {  	s30 =	sor.u32 $0xC50, s15;
	[tilespmem:s29+$0x12900] =	vst v62  }
0x2bd: {  	p0 =	por !p0, !p0;
	s5 =	sadd.s32 $0x200, s5;
	s1 =	sadd.s32 $0x800, s31;
	[tilespmem:s30+$0x12900] =	vst v63  }
0x2be: {  	s31 =	sld [smem:$0x7F6];
	_ =	sdelay $0x1  }
0x2bf: {  	s0 =	sld [smem:$0x7F4]  }
0x2c0: {  	s1 =	sld [smem:$0x7D6];
	s31 =	sadd.s32 $0x1, s31  }
0x2c1: {  	p0 =	sne.s32 s31, $0x1E  }
.Ltmp5:
0x2c2: {  	_ = 	snop;
	(pc) =	sbr.rel @p0 .LBB2_2-.Ltmp5, $4  }
0x2c3: {  	s0 =	sadd.s32 s1, s0  }
0x2c4: {  	s29 =	rddreg [dreg:$0x2];
	s0 =	sshll.u32 s0, $0x6  }
0x2c5: {  	s5 =	simm.s32 $0x0;
	s30 =	simm.s32 $0x12900;
	s0 =	sadd.s32 s29, s0  }
0x2c6: {  	v35 =	vld [tilespmem:$0x1FFF0];
	[hbm4b:s0+s5] =	stream.linear.scatter [tilespmem:s30], [sflag:$0x4], $0x6000, $0x38  }
0x2c7: {  	s0 =	simm.s32 $0x3  }
0x2c8: {  	_ =	swait.ge [sflag:s0], $0x6000  }
0x2c9: {  	[sflag:s0] =	ssyncset.done $0x0  }
0x2ca: {  	s1 =	simm.s32 $0x4;
	[sflag:s0] =	ssyncadd.s32 $0xFFFFA000  }
0x2cb: {  	_ =	swait.ge [sflag:s1], $0x6000  }
0x2cc: {  	s2 =	sld [smem:$0x7F8]  }
0x2cd: {  	s31 =	sld [smem:$0x7FD];
	_ =	sdelay $0x1  }
0x2ce: {  	s2 =	sadd.s32 $0x1, s2  }
0x2cf: {  	p0 =	sne.s32 s2, s31  }
.Ltmp6:
0x2d0: {  	_ = 	snop;
	(pc) =	sbr.rel @p0 .LBB2_1-.Ltmp6, $3  }
0x2d1: {  	_ =	sdelay $0x1  }
0x2d2: {  	[sflag:s1] =	ssyncset.done $0x0  }
0x2d3: {  	[sflag:s1] =	ssyncadd.s32 $0xFFFFA000  }
0x2d4: {  	_ =	sfence.sel $0x180000  }
0x2d5: {  	[bflag:$0x0] =	sbarrier.arrive $0xFFFF  }
0x2d6: {  	_ =	strace $0x90000047  }
0x2d7: {  	s0 =	stileid.u32;
	[bflag:$0x2] =	sbarrier.arrive $0xFFFF  }
0x2d8: {  	p0 =	sne.s32 s0, $0x0;
	s0 =	rddreg [dreg:$0x3]  }
0x2d9: {  	s0 =	sadd.s32 @!p0 $0x100000, s0  }
0x2da: {  	[sflag:s0] =	ssyncadd.tile.s32 @!p0 $0x1;
	_ =	shalt  }
.Lfunc_end2:
_tile_overlayer_lowered:
.L_overlay_start_2:
0x2db: {  	(tag) =	ssettag $0x2  }
0x2dc: {  	s0 =	rddreg [dreg:$0x0];
	s2 =	stileid.u32  }
0x2dd: {  	s1 =	rddreg [dreg:$0x1];
	p0 =	sne.s32 s2, $0x0  }
0x2de: {  	s3 =	rddreg [dreg:$0x2];
	[bflag:$0x3] =	sbarrier.arrive $0xFFFF;
	s2 =	simm.s32 @!p0 $0x1C05  }
0x2df: {  	[timem:s3], [sflag:s2] =	dma.local @!p0 [hbm:s0], s1  }
0x2e0: {  	s0 =	simm.s32 @!p0 $0x5  }
0x2e1: {  	_ =	swait.ge @!p0 [sflag:s0], s1  }
0x2e2: {  	s1 =	ssub.s32 @!p0 $0x0, s1;
	[sflag:s0] =	ssyncset.done @!p0 $0x0  }
0x2e3: {  	[sflag:s0] =	ssyncadd.s32 @!p0 s1  }
0x2e4: {  	[bflag:$0x3] =	sbarrier.arrive $0xFFFF  }
0x2e5: {  	_ =	shalt  }

</sc_bundles>
